<compile_context>
chip_gen: v7x
topology: tpu7x:2x2x1
jax: 0.10.2.dev20260603
libtpu: 0.0.44.dev20260713+nightly
codegen_flags: <defaults>
</compile_context>

<pallas_src>
import functools

import jax
import jax.numpy as jnp
from jax import lax
from jax.experimental import pallas as pl
from jax.experimental.pallas import tpu as pltpu
from jax.experimental.pallas import tpu_sc as plsc

_E = 64
_K = 6
_NC = 2
_NS = 16
_NW = _NC * _NS
_L = 16
_UNROLL = 4


def _probs_kernel(x_ref, w_ref, p_ref):
    x = x_ref[...]
    w = w_ref[...]
    logits = lax.dot_general(w, x, (((1,), (1,)), ((), ())),
                             preferred_element_type=jnp.float32)
    m = jnp.max(logits, axis=0, keepdims=True)
    e = jnp.exp(logits - m)
    p_ref[...] = e / jnp.sum(e, axis=0, keepdims=True)


def _make_probs(nc, d, t, chunk):
    blk0 = chunk * (nc // t)
    return pl.pallas_call(
        _probs_kernel,
        grid=(nc // t,),
        in_specs=[
            pl.BlockSpec((t, d), lambda i: (blk0 + i, 0)),
            pl.BlockSpec((_E, d), lambda i: (0, 0)),
        ],
        out_specs=pl.BlockSpec((_E, t), lambda i: (0, i)),
        out_shape=jax.ShapeDtypeStruct((_E, nc), jnp.float32),
    )


def _insert(v, ie, tt, ii):
    c = [v > t for t in tt]
    nt = [jnp.where(c[0], v, tt[0])]
    ni = [jnp.where(c[0], ie, ii[0])]
    for j in range(1, _K):
        nt.append(jnp.where(c[j - 1], tt[j - 1], jnp.where(c[j], v, tt[j])))
        ni.append(jnp.where(c[j - 1], ii[j - 1], jnp.where(c[j], ie, ii[j])))
    return nt, ni


def _make_sc_topk(n):
    tpw = n // _NW
    ng = tpw // _L
    mesh = plsc.VectorSubcoreMesh(core_axis_name="c", subcore_axis_name="s")

    @functools.partial(
        pl.kernel,
        out_type=[
            jax.ShapeDtypeStruct((_K, n), jnp.float32),
            jax.ShapeDtypeStruct((_K, n), jnp.int32),
        ],
        mesh=mesh,
        scratch_types=[
            pltpu.VMEM((_E, tpw), jnp.float32),
            pltpu.VMEM((_K, tpw), jnp.float32),
            pltpu.VMEM((_K, tpw), jnp.int32),
        ],
    )
    def sc_topk(p_hbm, wout_hbm, iout_hbm, p_v, w_v, i_v):
        cid = lax.axis_index("c")
        sid = lax.axis_index("s")
        wid = sid * _NC + cid
        base_tok = wid * tpw
        pltpu.sync_copy(p_hbm.at[:, pl.ds(base_tok, tpw)], p_v)
        lane = lax.broadcasted_iota(jnp.int32, (_L,), 0)
        zi = jnp.zeros((_L,), jnp.int32)
        neg = jnp.full((_L,), -1.0, jnp.float32)

        def group_body(g, carry):
            base = g * _L

            def e_body(eo, tc_):
                tt, ii = list(tc_[:_K]), list(tc_[_K:])
                for u in range(_UNROLL):
                    e = eo * _UNROLL + u
                    v = p_v[e, pl.ds(base, _L)]
                    tt, ii = _insert(v, zi + e, tt, ii)
                return tuple(tt) + tuple(ii)

            res = lax.fori_loop(0, _E // _UNROLL, e_body,
                                (neg,) * _K + (zi,) * _K)
            for k in range(_K):
                w_v[k, pl.ds(base, _L)] = res[k]
                i_v[k, pl.ds(base, _L)] = res[_K + k]
            return carry

        lax.fori_loop(0, ng, group_body, 0)
        pltpu.sync_copy(w_v, wout_hbm.at[:, pl.ds(base_tok, tpw)])
        pltpu.sync_copy(i_v, iout_hbm.at[:, pl.ds(base_tok, tpw)])

    return sc_topk


def kernel(x, weight):
    n, d = x.shape
    n_chunks = 4
    nc = n // n_chunks
    sc_topk = _make_sc_topk(nc)
    wts, its = [], []
    for c in range(n_chunks):
        probs = _make_probs(nc, d, 1024, c)(x, weight)
        w_t, i_t = sc_topk(probs)
        wts.append(w_t)
        its.append(i_t)
    return (jnp.concatenate(wts, axis=1).T,
            jnp.concatenate(its, axis=1).T)

# --- scband reference (transcript-rebuilt; emitter-appended) ---
"""Pipeline reference for scband-gate-1735166788251 (READ-ONLY COPY).

The authoritative reference and input builder live on the scoring server;
editing this copy changes nothing except your own understanding.
"""

import jax, jax.numpy as jnp
import numpy as np

DIM = 2048
N_EXPERTS = 64
TOPK = 6
ROUTE_SCALE = 1.0
N_TOKENS = 32768


def setup_inputs(seed: int = 0) -> dict:
    key = jax.random.key(seed)
    k1, k2 = jax.random.split(key)
    x = jax.random.normal(k1, (N_TOKENS, DIM), dtype=jnp.float32)
    weight = jax.random.normal(k2, (N_EXPERTS, DIM), dtype=jnp.float32)
    return {"x": x, "weight": weight}


def reference(x, weight):
    # linear: scores = x @ W^T  (bf16 path of the original `linear`, no bias since dim != 7168)
    logits = jnp.dot(x, weight.T)
    # score_func == 'softmax', computed in float32
    scores = jax.nn.softmax(logits.astype(jnp.float32), axis=-1)
    original_scores = scores
    # n_groups == 1 -> no group-limited routing
    # top-k expert selection
    _, indices = jax.lax.top_k(scores, TOPK)
    weights = jnp.take_along_axis(original_scores, indices, axis=1)
    weights = weights * ROUTE_SCALE
    return (weights.astype(x.dtype), indices)

if __name__ == "__main__":
    import jax
    _d = setup_inputs()
    print(jax.jit(kernel)(*tuple(_d.values())))

</pallas_src>

<mosaic_0001>
#map = affine_map<(d0, d1) -> (0, 0)>
module attributes {stable_mosaic.version = 14 : i64} {
  func.func @sc_topk(%arg0: i32, %arg1: i32, %arg2: memref<64x8192xf32, #tpu.memory_space<hbm>>, %arg3: memref<6x8192xf32, #tpu.memory_space<hbm>>, %arg4: memref<6x8192xi32, #tpu.memory_space<hbm>>, %arg5: memref<64x256xf32, #tpu.memory_space<vmem>>, %arg6: memref<6x256xf32, #tpu.memory_space<vmem>>, %arg7: memref<6x256xi32, #tpu.memory_space<vmem>>) attributes {dimension_semantics = [#tpu.dimension_semantics<core_parallel>, #tpu.dimension_semantics<subcore_parallel>], iteration_bounds = array<i64: 2, 16>, scalar_prefetch = 0 : i64, scratch_operands = 3 : i64, tpu.core_type = #tpu.core_type<sc_vector_subcore>, window_params = [{transform_indices = #map}, {transform_indices = #map}, {transform_indices = #map}]} {
    %mul3A = arith.constant 2 : i32
    %mul3A_0 = arith.muli %arg1, %mul3A : i32
    %add3A = arith.addi %mul3A_0, %arg0 : i32
    %mul3A_1 = arith.constant 256 : i32
    %mul3A_2 = arith.muli %add3A, %mul3A_1 : i32
    "tpu.region"() ({
      %run_scoped3A = tpu.sem_alloc : memref<!tpu.dma_semaphore, #tpu.memory_space<semaphore_mem>>
      %dma_start3A = arith.constant 0 : i32
      %dma_start3A_11 = tpu.memref_slice %arg2[%dma_start3A, %mul3A_2] : memref<64x8192xf32, #tpu.memory_space<hbm>> -> memref<64x256xf32, #tpu.memory_space<hbm>>
      %dma_start3A_12 = arith.constant 0 : i32
      %dma_start3A_13 = tpu.memref_slice %arg2[%dma_start3A_12, %mul3A_2] : memref<64x8192xf32, #tpu.memory_space<hbm>> -> memref<64x256xf32, #tpu.memory_space<hbm>>
      tpu.enqueue_dma source(%dma_start3A_13 : memref<64x256xf32, #tpu.memory_space<hbm>>) target(%arg5 : memref<64x256xf32, #tpu.memory_space<vmem>>) target_semaphore(%run_scoped3A : memref<!tpu.dma_semaphore, #tpu.memory_space<semaphore_mem>>)
      %dma_wait3A = arith.constant 0 : i32
      %dma_wait3A_14 = tpu.memref_slice %arg2[%dma_wait3A, %mul3A_2] : memref<64x8192xf32, #tpu.memory_space<hbm>> -> memref<64x256xf32, #tpu.memory_space<hbm>>
      %dma_wait3A_15 = arith.constant 0 : i32
      %dma_wait3A_16 = tpu.memref_slice %arg2[%dma_wait3A_15, %mul3A_2] : memref<64x8192xf32, #tpu.memory_space<hbm>> -> memref<64x256xf32, #tpu.memory_space<hbm>>
      tpu.wait_dma2 semaphore(%run_scoped3A : memref<!tpu.dma_semaphore, #tpu.memory_space<semaphore_mem>>) src(%dma_wait3A_16 : memref<64x256xf32, #tpu.memory_space<hbm>>) dst(%arg5 : memref<64x256xf32, #tpu.memory_space<vmem>>)
      tpu.yield
    }) : () -> ()
    %iota3A = tpu.iota {dimensions = array<i32: 0>} : vector<16xi32>
    %broadcast_in_dim3A = arith.constant 0 : i32
    %broadcast_in_dim3A_3 = vector.broadcast %broadcast_in_dim3A : i32 to vector<16xi32>
    %broadcast_in_dim3A_4 = arith.constant -1.000000e+00 : f32
    %broadcast_in_dim3A_5 = vector.broadcast %broadcast_in_dim3A_4 : f32 to vector<16xf32>
    %scan3A = arith.constant 0 : i32
    %scan3A_6 = arith.constant 0 : i32
    %scan3A_7 = arith.constant 16 : i32
    %scan3A_8 = arith.addi %scan3A_6, %scan3A_7 : i32
    %scan3A_9 = arith.constant 1 : i32
    scf.for %scan3A_11 = %scan3A_6 to %scan3A_8 step %scan3A_9  : i32 {
      %mul3A_12 = arith.constant 16 : i32
      %mul3A_13 = arith.muli %scan3A_11, %mul3A_12 : i32
      %scan3A_14 = arith.constant 0 : i32
      %scan3A_15 = arith.constant 16 : i32
      %scan3A_16 = arith.addi %scan3A_14, %scan3A_15 : i32
      %scan3A_17 = arith.constant 1 : i32
      %scan3A_18:12 = scf.for %scan3A_91 = %scan3A_14 to %scan3A_16 step %scan3A_17 iter_args(%scan3A_92 = %broadcast_in_dim3A_5, %scan3A_93 = %broadcast_in_dim3A_5, %scan3A_94 = %broadcast_in_dim3A_5, %scan3A_95 = %broadcast_in_dim3A_5, %scan3A_96 = %broadcast_in_dim3A_5, %scan3A_97 = %broadcast_in_dim3A_5, %scan3A_98 = %broadcast_in_dim3A_3, %scan3A_99 = %broadcast_in_dim3A_3, %scan3A_100 = %broadcast_in_dim3A_3, %scan3A_101 = %broadcast_in_dim3A_3, %scan3A_102 = %broadcast_in_dim3A_3, %scan3A_103 = %broadcast_in_dim3A_3) -> (vector<16xf32>, vector<16xf32>, vector<16xf32>, vector<16xf32>, vector<16xf32>, vector<16xf32>, vector<16xi32>, vector<16xi32>, vector<16xi32>, vector<16xi32>, vector<16xi32>, vector<16xi32>)  : i32 {
        %mul3A_104 = arith.constant 4 : i32
        %mul3A_105 = arith.muli %scan3A_91, %mul3A_104 : i32
        %add3A_106 = arith.constant 0 : i32
        %add3A_107 = arith.addi %mul3A_105, %add3A_106 : i32
        %get3A = arith.index_cast %add3A_107 : i32 to index
        %get3A_108 = arith.index_cast %mul3A_13 : i32 to index
        %get3A_109 = tpu.vector_load %arg5[%get3A, %get3A_108] {strides = array<i32>} : memref<64x256xf32, #tpu.memory_space<vmem>>, vector<1x16xf32>,
        %get3A_110 = vector.shape_cast %get3A_109 : vector<1x16xf32> to vector<16xf32>
        %add3A_111 = vector.broadcast %add3A_107 : i32 to vector<16xi32>
        %add3A_112 = arith.addi %broadcast_in_dim3A_3, %add3A_111 : vector<16xi32>
        %gt3A = arith.cmpf ogt, %get3A_110, %scan3A_92 : vector<16xf32>
        %gt3A_113 = arith.cmpf ogt, %get3A_110, %scan3A_93 : vector<16xf32>
        %gt3A_114 = arith.cmpf ogt, %get3A_110, %scan3A_94 : vector<16xf32>
        %gt3A_115 = arith.cmpf ogt, %get3A_110, %scan3A_95 : vector<16xf32>
        %gt3A_116 = arith.cmpf ogt, %get3A_110, %scan3A_96 : vector<16xf32>
        %gt3A_117 = arith.cmpf ogt, %get3A_110, %scan3A_97 : vector<16xf32>
        %select_n3A = arith.select %gt3A, %get3A_110, %scan3A_92 : vector<16xi1>, vector<16xf32>
        %select_n3A_118 = arith.select %gt3A, %add3A_112, %scan3A_98 : vector<16xi1>, vector<16xi32>
        %select_n3A_119 = arith.select %gt3A_113, %get3A_110, %scan3A_93 : vector<16xi1>, vector<16xf32>
        %select_n3A_120 = arith.select %gt3A, %scan3A_92, %select_n3A_119 : vector<16xi1>, vector<16xf32>
        %select_n3A_121 = arith.select %gt3A_113, %add3A_112, %scan3A_99 : vector<16xi1>, vector<16xi32>
        %select_n3A_122 = arith.select %gt3A, %scan3A_98, %select_n3A_121 : vector<16xi1>, vector<16xi32>
        %select_n3A_123 = arith.select %gt3A_114, %get3A_110, %scan3A_94 : vector<16xi1>, vector<16xf32>
        %select_n3A_124 = arith.select %gt3A_113, %scan3A_93, %select_n3A_123 : vector<16xi1>, vector<16xf32>
        %select_n3A_125 = arith.select %gt3A_114, %add3A_112, %scan3A_100 : vector<16xi1>, vector<16xi32>
        %select_n3A_126 = arith.select %gt3A_113, %scan3A_99, %select_n3A_125 : vector<16xi1>, vector<16xi32>
        %select_n3A_127 = arith.select %gt3A_115, %get3A_110, %scan3A_95 : vector<16xi1>, vector<16xf32>
        %select_n3A_128 = arith.select %gt3A_114, %scan3A_94, %select_n3A_127 : vector<16xi1>, vector<16xf32>
        %select_n3A_129 = arith.select %gt3A_115, %add3A_112, %scan3A_101 : vector<16xi1>, vector<16xi32>
        %select_n3A_130 = arith.select %gt3A_114, %scan3A_100, %select_n3A_129 : vector<16xi1>, vector<16xi32>
        %select_n3A_131 = arith.select %gt3A_116, %get3A_110, %scan3A_96 : vector<16xi1>, vector<16xf32>
        %select_n3A_132 = arith.select %gt3A_115, %scan3A_95, %select_n3A_131 : vector<16xi1>, vector<16xf32>
        %select_n3A_133 = arith.select %gt3A_116, %add3A_112, %scan3A_102 : vector<16xi1>, vector<16xi32>
        %select_n3A_134 = arith.select %gt3A_115, %scan3A_101, %select_n3A_133 : vector<16xi1>, vector<16xi32>
        %select_n3A_135 = arith.select %gt3A_117, %get3A_110, %scan3A_97 : vector<16xi1>, vector<16xf32>
        %select_n3A_136 = arith.select %gt3A_116, %scan3A_96, %select_n3A_135 : vector<16xi1>, vector<16xf32>
        %select_n3A_137 = arith.select %gt3A_117, %add3A_112, %scan3A_103 : vector<16xi1>, vector<16xi32>
        %select_n3A_138 = arith.select %gt3A_116, %scan3A_102, %select_n3A_137 : vector<16xi1>, vector<16xi32>
        %mul3A_139 = arith.constant 4 : i32
        %mul3A_140 = arith.muli %scan3A_91, %mul3A_139 : i32
        %add3A_141 = arith.constant 1 : i32
        %add3A_142 = arith.addi %mul3A_140, %add3A_141 : i32
        %get3A_143 = arith.index_cast %add3A_142 : i32 to index
        %get3A_144 = arith.index_cast %mul3A_13 : i32 to index
        %get3A_145 = tpu.vector_load %arg5[%get3A_143, %get3A_144] {strides = array<i32>} : memref<64x256xf32, #tpu.memory_space<vmem>>, vector<1x16xf32>,
        %get3A_146 = vector.shape_cast %get3A_145 : vector<1x16xf32> to vector<16xf32>
        %add3A_147 = vector.broadcast %add3A_142 : i32 to vector<16xi32>
        %add3A_148 = arith.addi %broadcast_in_dim3A_3, %add3A_147 : vector<16xi32>
        %gt3A_149 = arith.cmpf ogt, %get3A_146, %select_n3A : vector<16xf32>
        %gt3A_150 = arith.cmpf ogt, %get3A_146, %select_n3A_120 : vector<16xf32>
        %gt3A_151 = arith.cmpf ogt, %get3A_146, %select_n3A_124 : vector<16xf32>
        %gt3A_152 = arith.cmpf ogt, %get3A_146, %select_n3A_128 : vector<16xf32>
        %gt3A_153 = arith.cmpf ogt, %get3A_146, %select_n3A_132 : vector<16xf32>
        %gt3A_154 = arith.cmpf ogt, %get3A_146, %select_n3A_136 : vector<16xf32>
        %select_n3A_155 = arith.select %gt3A_149, %get3A_146, %select_n3A : vector<16xi1>, vector<16xf32>
        %select_n3A_156 = arith.select %gt3A_149, %add3A_148, %select_n3A_118 : vector<16xi1>, vector<16xi32>
        %select_n3A_157 = arith.select %gt3A_150, %get3A_146, %select_n3A_120 : vector<16xi1>, vector<16xf32>
        %select_n3A_158 = arith.select %gt3A_149, %select_n3A, %select_n3A_157 : vector<16xi1>, vector<16xf32>
        %select_n3A_159 = arith.select %gt3A_150, %add3A_148, %select_n3A_122 : vector<16xi1>, vector<16xi32>
        %select_n3A_160 = arith.select %gt3A_149, %select_n3A_118, %select_n3A_159 : vector<16xi1>, vector<16xi32>
        %select_n3A_161 = arith.select %gt3A_151, %get3A_146, %select_n3A_124 : vector<16xi1>, vector<16xf32>
        %select_n3A_162 = arith.select %gt3A_150, %select_n3A_120, %select_n3A_161 : vector<16xi1>, vector<16xf32>
        %select_n3A_163 = arith.select %gt3A_151, %add3A_148, %select_n3A_126 : vector<16xi1>, vector<16xi32>
        %select_n3A_164 = arith.select %gt3A_150, %select_n3A_122, %select_n3A_163 : vector<16xi1>, vector<16xi32>
        %select_n3A_165 = arith.select %gt3A_152, %get3A_146, %select_n3A_128 : vector<16xi1>, vector<16xf32>
        %select_n3A_166 = arith.select %gt3A_151, %select_n3A_124, %select_n3A_165 : vector<16xi1>, vector<16xf32>
        %select_n3A_167 = arith.select %gt3A_152, %add3A_148, %select_n3A_130 : vector<16xi1>, vector<16xi32>
        %select_n3A_168 = arith.select %gt3A_151, %select_n3A_126, %select_n3A_167 : vector<16xi1>, vector<16xi32>
        %select_n3A_169 = arith.select %gt3A_153, %get3A_146, %select_n3A_132 : vector<16xi1>, vector<16xf32>
        %select_n3A_170 = arith.select %gt3A_152, %select_n3A_128, %select_n3A_169 : vector<16xi1>, vector<16xf32>
        %select_n3A_171 = arith.select %gt3A_153, %add3A_148, %select_n3A_134 : vector<16xi1>, vector<16xi32>
        %select_n3A_172 = arith.select %gt3A_152, %select_n3A_130, %select_n3A_171 : vector<16xi1>, vector<16xi32>
        %select_n3A_173 = arith.select %gt3A_154, %get3A_146, %select_n3A_136 : vector<16xi1>, vector<16xf32>
        %select_n3A_174 = arith.select %gt3A_153, %select_n3A_132, %select_n3A_173 : vector<16xi1>, vector<16xf32>
        %select_n3A_175 = arith.select %gt3A_154, %add3A_148, %select_n3A_138 : vector<16xi1>, vector<16xi32>
        %select_n3A_176 = arith.select %gt3A_153, %select_n3A_134, %select_n3A_175 : vector<16xi1>, vector<16xi32>
        %mul3A_177 = arith.constant 4 : i32
        %mul3A_178 = arith.muli %scan3A_91, %mul3A_177 : i32
        %add3A_179 = arith.constant 2 : i32
        %add3A_180 = arith.addi %mul3A_178, %add3A_179 : i32
        %get3A_181 = arith.index_cast %add3A_180 : i32 to index
        %get3A_182 = arith.index_cast %mul3A_13 : i32 to index
        %get3A_183 = tpu.vector_load %arg5[%get3A_181, %get3A_182] {strides = array<i32>} : memref<64x256xf32, #tpu.memory_space<vmem>>, vector<1x16xf32>,
        %get3A_184 = vector.shape_cast %get3A_183 : vector<1x16xf32> to vector<16xf32>
        %add3A_185 = vector.broadcast %add3A_180 : i32 to vector<16xi32>
        %add3A_186 = arith.addi %broadcast_in_dim3A_3, %add3A_185 : vector<16xi32>
        %gt3A_187 = arith.cmpf ogt, %get3A_184, %select_n3A_155 : vector<16xf32>
        %gt3A_188 = arith.cmpf ogt, %get3A_184, %select_n3A_158 : vector<16xf32>
        %gt3A_189 = arith.cmpf ogt, %get3A_184, %select_n3A_162 : vector<16xf32>
        %gt3A_190 = arith.cmpf ogt, %get3A_184, %select_n3A_166 : vector<16xf32>
        %gt3A_191 = arith.cmpf ogt, %get3A_184, %select_n3A_170 : vector<16xf32>
        %gt3A_192 = arith.cmpf ogt, %get3A_184, %select_n3A_174 : vector<16xf32>
        %select_n3A_193 = arith.select %gt3A_187, %get3A_184, %select_n3A_155 : vector<16xi1>, vector<16xf32>
        %select_n3A_194 = arith.select %gt3A_187, %add3A_186, %select_n3A_156 : vector<16xi1>, vector<16xi32>
        %select_n3A_195 = arith.select %gt3A_188, %get3A_184, %select_n3A_158 : vector<16xi1>, vector<16xf32>
        %select_n3A_196 = arith.select %gt3A_187, %select_n3A_155, %select_n3A_195 : vector<16xi1>, vector<16xf32>
        %select_n3A_197 = arith.select %gt3A_188, %add3A_186, %select_n3A_160 : vector<16xi1>, vector<16xi32>
        %select_n3A_198 = arith.select %gt3A_187, %select_n3A_156, %select_n3A_197 : vector<16xi1>, vector<16xi32>
        %select_n3A_199 = arith.select %gt3A_189, %get3A_184, %select_n3A_162 : vector<16xi1>, vector<16xf32>
        %select_n3A_200 = arith.select %gt3A_188, %select_n3A_158, %select_n3A_199 : vector<16xi1>, vector<16xf32>
        %select_n3A_201 = arith.select %gt3A_189, %add3A_186, %select_n3A_164 : vector<16xi1>, vector<16xi32>
        %select_n3A_202 = arith.select %gt3A_188, %select_n3A_160, %select_n3A_201 : vector<16xi1>, vector<16xi32>
        %select_n3A_203 = arith.select %gt3A_190, %get3A_184, %select_n3A_166 : vector<16xi1>, vector<16xf32>
        %select_n3A_204 = arith.select %gt3A_189, %select_n3A_162, %select_n3A_203 : vector<16xi1>, vector<16xf32>
        %select_n3A_205 = arith.select %gt3A_190, %add3A_186, %select_n3A_168 : vector<16xi1>, vector<16xi32>
        %select_n3A_206 = arith.select %gt3A_189, %select_n3A_164, %select_n3A_205 : vector<16xi1>, vector<16xi32>
        %select_n3A_207 = arith.select %gt3A_191, %get3A_184, %select_n3A_170 : vector<16xi1>, vector<16xf32>
        %select_n3A_208 = arith.select %gt3A_190, %select_n3A_166, %select_n3A_207 : vector<16xi1>, vector<16xf32>
        %select_n3A_209 = arith.select %gt3A_191, %add3A_186, %select_n3A_172 : vector<16xi1>, vector<16xi32>
        %select_n3A_210 = arith.select %gt3A_190, %select_n3A_168, %select_n3A_209 : vector<16xi1>, vector<16xi32>
        %select_n3A_211 = arith.select %gt3A_192, %get3A_184, %select_n3A_174 : vector<16xi1>, vector<16xf32>
        %select_n3A_212 = arith.select %gt3A_191, %select_n3A_170, %select_n3A_211 : vector<16xi1>, vector<16xf32>
        %select_n3A_213 = arith.select %gt3A_192, %add3A_186, %select_n3A_176 : vector<16xi1>, vector<16xi32>
        %select_n3A_214 = arith.select %gt3A_191, %select_n3A_172, %select_n3A_213 : vector<16xi1>, vector<16xi32>
        %mul3A_215 = arith.constant 4 : i32
        %mul3A_216 = arith.muli %scan3A_91, %mul3A_215 : i32
        %add3A_217 = arith.constant 3 : i32
        %add3A_218 = arith.addi %mul3A_216, %add3A_217 : i32
        %get3A_219 = arith.index_cast %add3A_218 : i32 to index
        %get3A_220 = arith.index_cast %mul3A_13 : i32 to index
        %get3A_221 = tpu.vector_load %arg5[%get3A_219, %get3A_220] {strides = array<i32>} : memref<64x256xf32, #tpu.memory_space<vmem>>, vector<1x16xf32>,
        %get3A_222 = vector.shape_cast %get3A_221 : vector<1x16xf32> to vector<16xf32>
        %add3A_223 = vector.broadcast %add3A_218 : i32 to vector<16xi32>
        %add3A_224 = arith.addi %broadcast_in_dim3A_3, %add3A_223 : vector<16xi32>
        %gt3A_225 = arith.cmpf ogt, %get3A_222, %select_n3A_193 : vector<16xf32>
        %gt3A_226 = arith.cmpf ogt, %get3A_222, %select_n3A_196 : vector<16xf32>
        %gt3A_227 = arith.cmpf ogt, %get3A_222, %select_n3A_200 : vector<16xf32>
        %gt3A_228 = arith.cmpf ogt, %get3A_222, %select_n3A_204 : vector<16xf32>
        %gt3A_229 = arith.cmpf ogt, %get3A_222, %select_n3A_208 : vector<16xf32>
        %gt3A_230 = arith.cmpf ogt, %get3A_222, %select_n3A_212 : vector<16xf32>
        %select_n3A_231 = arith.select %gt3A_225, %get3A_222, %select_n3A_193 : vector<16xi1>, vector<16xf32>
        %select_n3A_232 = arith.select %gt3A_225, %add3A_224, %select_n3A_194 : vector<16xi1>, vector<16xi32>
        %select_n3A_233 = arith.select %gt3A_226, %get3A_222, %select_n3A_196 : vector<16xi1>, vector<16xf32>
        %select_n3A_234 = arith.select %gt3A_225, %select_n3A_193, %select_n3A_233 : vector<16xi1>, vector<16xf32>
        %select_n3A_235 = arith.select %gt3A_226, %add3A_224, %select_n3A_198 : vector<16xi1>, vector<16xi32>
        %select_n3A_236 = arith.select %gt3A_225, %select_n3A_194, %select_n3A_235 : vector<16xi1>, vector<16xi32>
        %select_n3A_237 = arith.select %gt3A_227, %get3A_222, %select_n3A_200 : vector<16xi1>, vector<16xf32>
        %select_n3A_238 = arith.select %gt3A_226, %select_n3A_196, %select_n3A_237 : vector<16xi1>, vector<16xf32>
        %select_n3A_239 = arith.select %gt3A_227, %add3A_224, %select_n3A_202 : vector<16xi1>, vector<16xi32>
        %select_n3A_240 = arith.select %gt3A_226, %select_n3A_198, %select_n3A_239 : vector<16xi1>, vector<16xi32>
        %select_n3A_241 = arith.select %gt3A_228, %get3A_222, %select_n3A_204 : vector<16xi1>, vector<16xf32>
        %select_n3A_242 = arith.select %gt3A_227, %select_n3A_200, %select_n3A_241 : vector<16xi1>, vector<16xf32>
        %select_n3A_243 = arith.select %gt3A_228, %add3A_224, %select_n3A_206 : vector<16xi1>, vector<16xi32>
        %select_n3A_244 = arith.select %gt3A_227, %select_n3A_202, %select_n3A_243 : vector<16xi1>, vector<16xi32>
        %select_n3A_245 = arith.select %gt3A_229, %get3A_222, %select_n3A_208 : vector<16xi1>, vector<16xf32>
        %select_n3A_246 = arith.select %gt3A_228, %select_n3A_204, %select_n3A_245 : vector<16xi1>, vector<16xf32>
        %select_n3A_247 = arith.select %gt3A_229, %add3A_224, %select_n3A_210 : vector<16xi1>, vector<16xi32>
        %select_n3A_248 = arith.select %gt3A_228, %select_n3A_206, %select_n3A_247 : vector<16xi1>, vector<16xi32>
        %select_n3A_249 = arith.select %gt3A_230, %get3A_222, %select_n3A_212 : vector<16xi1>, vector<16xf32>
        %select_n3A_250 = arith.select %gt3A_229, %select_n3A_208, %select_n3A_249 : vector<16xi1>, vector<16xf32>
        %select_n3A_251 = arith.select %gt3A_230, %add3A_224, %select_n3A_214 : vector<16xi1>, vector<16xi32>
        %select_n3A_252 = arith.select %gt3A_229, %select_n3A_210, %select_n3A_251 : vector<16xi1>, vector<16xi32>
        scf.yield %select_n3A_231, %select_n3A_234, %select_n3A_238, %select_n3A_242, %select_n3A_246, %select_n3A_250, %select_n3A_232, %select_n3A_236, %select_n3A_240, %select_n3A_244, %select_n3A_248, %select_n3A_252 : vector<16xf32>, vector<16xf32>, vector<16xf32>, vector<16xf32>, vector<16xf32>, vector<16xf32>, vector<16xi32>, vector<16xi32>, vector<16xi32>, vector<16xi32>, vector<16xi32>, vector<16xi32>
      }
      %scan3A_19 = arith.constant 16 : i32
      %swap3A = arith.constant 0 : i32
      %swap3A_20 = arith.index_cast %swap3A : i32 to index
      %swap3A_21 = arith.index_cast %mul3A_13 : i32 to index
      %swap3A_22 = tpu.vector_load %arg6[%swap3A_20, %swap3A_21] {strides = array<i32>} : memref<6x256xf32, #tpu.memory_space<vmem>>, vector<1x16xf32>,
      %swap3A_23 = vector.shape_cast %swap3A_22 : vector<1x16xf32> to vector<16xf32>
      %swap3A_24 = vector.shape_cast %scan3A_18#0 : vector<16xf32> to vector<1x16xf32>
      tpu.vector_store %arg6[%swap3A_20, %swap3A_21], %swap3A_24 {strides = array<i32>} : memref<6x256xf32, #tpu.memory_space<vmem>>, vector<1x16xf32>,
      %swap3A_25 = arith.constant 0 : i32
      %swap3A_26 = arith.index_cast %swap3A_25 : i32 to index
      %swap3A_27 = arith.index_cast %mul3A_13 : i32 to index
      %swap3A_28 = tpu.vector_load %arg7[%swap3A_26, %swap3A_27] {strides = array<i32>} : memref<6x256xi32, #tpu.memory_space<vmem>>, vector<1x16xi32>,
      %swap3A_29 = vector.shape_cast %swap3A_28 : vector<1x16xi32> to vector<16xi32>
      %swap3A_30 = vector.shape_cast %scan3A_18#6 : vector<16xi32> to vector<1x16xi32>
      tpu.vector_store %arg7[%swap3A_26, %swap3A_27], %swap3A_30 {strides = array<i32>} : memref<6x256xi32, #tpu.memory_space<vmem>>, vector<1x16xi32>,
      %swap3A_31 = arith.constant 1 : i32
      %swap3A_32 = arith.index_cast %swap3A_31 : i32 to index
      %swap3A_33 = arith.index_cast %mul3A_13 : i32 to index
      %swap3A_34 = tpu.vector_load %arg6[%swap3A_32, %swap3A_33] {strides = array<i32>} : memref<6x256xf32, #tpu.memory_space<vmem>>, vector<1x16xf32>,
      %swap3A_35 = vector.shape_cast %swap3A_34 : vector<1x16xf32> to vector<16xf32>
      %swap3A_36 = vector.shape_cast %scan3A_18#1 : vector<16xf32> to vector<1x16xf32>
      tpu.vector_store %arg6[%swap3A_32, %swap3A_33], %swap3A_36 {strides = array<i32>} : memref<6x256xf32, #tpu.memory_space<vmem>>, vector<1x16xf32>,
      %swap3A_37 = arith.constant 1 : i32
      %swap3A_38 = arith.index_cast %swap3A_37 : i32 to index
      %swap3A_39 = arith.index_cast %mul3A_13 : i32 to index
      %swap3A_40 = tpu.vector_load %arg7[%swap3A_38, %swap3A_39] {strides = array<i32>} : memref<6x256xi32, #tpu.memory_space<vmem>>, vector<1x16xi32>,
      %swap3A_41 = vector.shape_cast %swap3A_40 : vector<1x16xi32> to vector<16xi32>
      %swap3A_42 = vector.shape_cast %scan3A_18#7 : vector<16xi32> to vector<1x16xi32>
      tpu.vector_store %arg7[%swap3A_38, %swap3A_39], %swap3A_42 {strides = array<i32>} : memref<6x256xi32, #tpu.memory_space<vmem>>, vector<1x16xi32>,
      %swap3A_43 = arith.constant 2 : i32
      %swap3A_44 = arith.index_cast %swap3A_43 : i32 to index
      %swap3A_45 = arith.index_cast %mul3A_13 : i32 to index
      %swap3A_46 = tpu.vector_load %arg6[%swap3A_44, %swap3A_45] {strides = array<i32>} : memref<6x256xf32, #tpu.memory_space<vmem>>, vector<1x16xf32>,
      %swap3A_47 = vector.shape_cast %swap3A_46 : vector<1x16xf32> to vector<16xf32>
      %swap3A_48 = vector.shape_cast %scan3A_18#2 : vector<16xf32> to vector<1x16xf32>
      tpu.vector_store %arg6[%swap3A_44, %swap3A_45], %swap3A_48 {strides = array<i32>} : memref<6x256xf32, #tpu.memory_space<vmem>>, vector<1x16xf32>,
      %swap3A_49 = arith.constant 2 : i32
      %swap3A_50 = arith.index_cast %swap3A_49 : i32 to index
      %swap3A_51 = arith.index_cast %mul3A_13 : i32 to index
      %swap3A_52 = tpu.vector_load %arg7[%swap3A_50, %swap3A_51] {strides = array<i32>} : memref<6x256xi32, #tpu.memory_space<vmem>>, vector<1x16xi32>,
      %swap3A_53 = vector.shape_cast %swap3A_52 : vector<1x16xi32> to vector<16xi32>
      %swap3A_54 = vector.shape_cast %scan3A_18#8 : vector<16xi32> to vector<1x16xi32>
      tpu.vector_store %arg7[%swap3A_50, %swap3A_51], %swap3A_54 {strides = array<i32>} : memref<6x256xi32, #tpu.memory_space<vmem>>, vector<1x16xi32>,
      %swap3A_55 = arith.constant 3 : i32
      %swap3A_56 = arith.index_cast %swap3A_55 : i32 to index
      %swap3A_57 = arith.index_cast %mul3A_13 : i32 to index
      %swap3A_58 = tpu.vector_load %arg6[%swap3A_56, %swap3A_57] {strides = array<i32>} : memref<6x256xf32, #tpu.memory_space<vmem>>, vector<1x16xf32>,
      %swap3A_59 = vector.shape_cast %swap3A_58 : vector<1x16xf32> to vector<16xf32>
      %swap3A_60 = vector.shape_cast %scan3A_18#3 : vector<16xf32> to vector<1x16xf32>
      tpu.vector_store %arg6[%swap3A_56, %swap3A_57], %swap3A_60 {strides = array<i32>} : memref<6x256xf32, #tpu.memory_space<vmem>>, vector<1x16xf32>,
      %swap3A_61 = arith.constant 3 : i32
      %swap3A_62 = arith.index_cast %swap3A_61 : i32 to index
      %swap3A_63 = arith.index_cast %mul3A_13 : i32 to index
      %swap3A_64 = tpu.vector_load %arg7[%swap3A_62, %swap3A_63] {strides = array<i32>} : memref<6x256xi32, #tpu.memory_space<vmem>>, vector<1x16xi32>,
      %swap3A_65 = vector.shape_cast %swap3A_64 : vector<1x16xi32> to vector<16xi32>
      %swap3A_66 = vector.shape_cast %scan3A_18#9 : vector<16xi32> to vector<1x16xi32>
      tpu.vector_store %arg7[%swap3A_62, %swap3A_63], %swap3A_66 {strides = array<i32>} : memref<6x256xi32, #tpu.memory_space<vmem>>, vector<1x16xi32>,
      %swap3A_67 = arith.constant 4 : i32
      %swap3A_68 = arith.index_cast %swap3A_67 : i32 to index
      %swap3A_69 = arith.index_cast %mul3A_13 : i32 to index
      %swap3A_70 = tpu.vector_load %arg6[%swap3A_68, %swap3A_69] {strides = array<i32>} : memref<6x256xf32, #tpu.memory_space<vmem>>, vector<1x16xf32>,
      %swap3A_71 = vector.shape_cast %swap3A_70 : vector<1x16xf32> to vector<16xf32>
      %swap3A_72 = vector.shape_cast %scan3A_18#4 : vector<16xf32> to vector<1x16xf32>
      tpu.vector_store %arg6[%swap3A_68, %swap3A_69], %swap3A_72 {strides = array<i32>} : memref<6x256xf32, #tpu.memory_space<vmem>>, vector<1x16xf32>,
      %swap3A_73 = arith.constant 4 : i32
      %swap3A_74 = arith.index_cast %swap3A_73 : i32 to index
      %swap3A_75 = arith.index_cast %mul3A_13 : i32 to index
      %swap3A_76 = tpu.vector_load %arg7[%swap3A_74, %swap3A_75] {strides = array<i32>} : memref<6x256xi32, #tpu.memory_space<vmem>>, vector<1x16xi32>,
      %swap3A_77 = vector.shape_cast %swap3A_76 : vector<1x16xi32> to vector<16xi32>
      %swap3A_78 = vector.shape_cast %scan3A_18#10 : vector<16xi32> to vector<1x16xi32>
      tpu.vector_store %arg7[%swap3A_74, %swap3A_75], %swap3A_78 {strides = array<i32>} : memref<6x256xi32, #tpu.memory_space<vmem>>, vector<1x16xi32>,
      %swap3A_79 = arith.constant 5 : i32
      %swap3A_80 = arith.index_cast %swap3A_79 : i32 to index
      %swap3A_81 = arith.index_cast %mul3A_13 : i32 to index
      %swap3A_82 = tpu.vector_load %arg6[%swap3A_80, %swap3A_81] {strides = array<i32>} : memref<6x256xf32, #tpu.memory_space<vmem>>, vector<1x16xf32>,
      %swap3A_83 = vector.shape_cast %swap3A_82 : vector<1x16xf32> to vector<16xf32>
      %swap3A_84 = vector.shape_cast %scan3A_18#5 : vector<16xf32> to vector<1x16xf32>
      tpu.vector_store %arg6[%swap3A_80, %swap3A_81], %swap3A_84 {strides = array<i32>} : memref<6x256xf32, #tpu.memory_space<vmem>>, vector<1x16xf32>,
      %swap3A_85 = arith.constant 5 : i32
      %swap3A_86 = arith.index_cast %swap3A_85 : i32 to index
      %swap3A_87 = arith.index_cast %mul3A_13 : i32 to index
      %swap3A_88 = tpu.vector_load %arg7[%swap3A_86, %swap3A_87] {strides = array<i32>} : memref<6x256xi32, #tpu.memory_space<vmem>>, vector<1x16xi32>,
      %swap3A_89 = vector.shape_cast %swap3A_88 : vector<1x16xi32> to vector<16xi32>
      %swap3A_90 = vector.shape_cast %scan3A_18#11 : vector<16xi32> to vector<1x16xi32>
      tpu.vector_store %arg7[%swap3A_86, %swap3A_87], %swap3A_90 {strides = array<i32>} : memref<6x256xi32, #tpu.memory_space<vmem>>, vector<1x16xi32>,
    }
    %scan3A_10 = arith.constant 16 : i32
    "tpu.region"() ({
      %run_scoped3A = tpu.sem_alloc : memref<!tpu.dma_semaphore, #tpu.memory_space<semaphore_mem>>
      %dma_start3A = arith.constant 0 : i32
      %dma_start3A_11 = tpu.memref_slice %arg3[%dma_start3A, %mul3A_2] : memref<6x8192xf32, #tpu.memory_space<hbm>> -> memref<6x256xf32, #tpu.memory_space<hbm>>
      %dma_start3A_12 = arith.constant 0 : i32
      %dma_start3A_13 = tpu.memref_slice %arg3[%dma_start3A_12, %mul3A_2] : memref<6x8192xf32, #tpu.memory_space<hbm>> -> memref<6x256xf32, #tpu.memory_space<hbm>>
      tpu.enqueue_dma source(%arg6 : memref<6x256xf32, #tpu.memory_space<vmem>>) target(%dma_start3A_13 : memref<6x256xf32, #tpu.memory_space<hbm>>) target_semaphore(%run_scoped3A : memref<!tpu.dma_semaphore, #tpu.memory_space<semaphore_mem>>)
      %dma_wait3A = arith.constant 0 : i32
      %dma_wait3A_14 = tpu.memref_slice %arg3[%dma_wait3A, %mul3A_2] : memref<6x8192xf32, #tpu.memory_space<hbm>> -> memref<6x256xf32, #tpu.memory_space<hbm>>
      %dma_wait3A_15 = arith.constant 0 : i32
      %dma_wait3A_16 = tpu.memref_slice %arg3[%dma_wait3A_15, %mul3A_2] : memref<6x8192xf32, #tpu.memory_space<hbm>> -> memref<6x256xf32, #tpu.memory_space<hbm>>
      tpu.wait_dma2 semaphore(%run_scoped3A : memref<!tpu.dma_semaphore, #tpu.memory_space<semaphore_mem>>) src(%arg6 : memref<6x256xf32, #tpu.memory_space<vmem>>) dst(%dma_wait3A_16 : memref<6x256xf32, #tpu.memory_space<hbm>>)
      tpu.yield
    }) : () -> ()
    "tpu.region"() ({
      %run_scoped3A = tpu.sem_alloc : memref<!tpu.dma_semaphore, #tpu.memory_space<semaphore_mem>>
      %dma_start3A = arith.constant 0 : i32
      %dma_start3A_11 = tpu.memref_slice %arg4[%dma_start3A, %mul3A_2] : memref<6x8192xi32, #tpu.memory_space<hbm>> -> memref<6x256xi32, #tpu.memory_space<hbm>>
      %dma_start3A_12 = arith.constant 0 : i32
      %dma_start3A_13 = tpu.memref_slice %arg4[%dma_start3A_12, %mul3A_2] : memref<6x8192xi32, #tpu.memory_space<hbm>> -> memref<6x256xi32, #tpu.memory_space<hbm>>
      tpu.enqueue_dma source(%arg7 : memref<6x256xi32, #tpu.memory_space<vmem>>) target(%dma_start3A_13 : memref<6x256xi32, #tpu.memory_space<hbm>>) target_semaphore(%run_scoped3A : memref<!tpu.dma_semaphore, #tpu.memory_space<semaphore_mem>>)
      %dma_wait3A = arith.constant 0 : i32
      %dma_wait3A_14 = tpu.memref_slice %arg4[%dma_wait3A, %mul3A_2] : memref<6x8192xi32, #tpu.memory_space<hbm>> -> memref<6x256xi32, #tpu.memory_space<hbm>>
      %dma_wait3A_15 = arith.constant 0 : i32
      %dma_wait3A_16 = tpu.memref_slice %arg4[%dma_wait3A_15, %mul3A_2] : memref<6x8192xi32, #tpu.memory_space<hbm>> -> memref<6x256xi32, #tpu.memory_space<hbm>>
      tpu.wait_dma2 semaphore(%run_scoped3A : memref<!tpu.dma_semaphore, #tpu.memory_space<semaphore_mem>>) src(%arg7 : memref<6x256xi32, #tpu.memory_space<vmem>>) dst(%dma_wait3A_16 : memref<6x256xi32, #tpu.memory_space<hbm>>)
      tpu.yield
    }) : () -> ()
    return
  }
}

#map = affine_map<(d0, d1) -> (0, 0)>
module attributes {stable_mosaic.version = 14 : i64} {
  func.func @sc_topk(%arg0: i32, %arg1: i32, %arg2: memref<64x8192xf32, #tpu.memory_space<hbm>>, %arg3: memref<6x8192xf32, #tpu.memory_space<hbm>>, %arg4: memref<6x8192xi32, #tpu.memory_space<hbm>>, %arg5: memref<64x256xf32, #tpu.memory_space<vmem>>, %arg6: memref<6x256xf32, #tpu.memory_space<vmem>>, %arg7: memref<6x256xi32, #tpu.memory_space<vmem>>) attributes {dimension_semantics = [#tpu.dimension_semantics<core_parallel>, #tpu.dimension_semantics<subcore_parallel>], iteration_bounds = array<i64: 2, 16>, scalar_prefetch = 0 : i64, scratch_operands = 3 : i64, tpu.core_type = #tpu.core_type<sc_vector_subcore>, window_params = [{transform_indices = #map}, {transform_indices = #map}, {transform_indices = #map}]} {
    %mul3A = arith.constant 2 : i32
    %mul3A_0 = arith.muli %arg1, %mul3A : i32
    %add3A = arith.addi %mul3A_0, %arg0 : i32
    %mul3A_1 = arith.constant 256 : i32
    %mul3A_2 = arith.muli %add3A, %mul3A_1 : i32
    "tpu.region"() ({
      %run_scoped3A = tpu.sem_alloc : memref<!tpu.dma_semaphore, #tpu.memory_space<semaphore_mem>>
      %dma_start3A = arith.constant 0 : i32
      %dma_start3A_11 = tpu.memref_slice %arg2[%dma_start3A, %mul3A_2] : memref<64x8192xf32, #tpu.memory_space<hbm>> -> memref<64x256xf32, #tpu.memory_space<hbm>>
      %dma_start3A_12 = arith.constant 0 : i32
      %dma_start3A_13 = tpu.memref_slice %arg2[%dma_start3A_12, %mul3A_2] : memref<64x8192xf32, #tpu.memory_space<hbm>> -> memref<64x256xf32, #tpu.memory_space<hbm>>
      tpu.enqueue_dma source(%dma_start3A_13 : memref<64x256xf32, #tpu.memory_space<hbm>>) target(%arg5 : memref<64x256xf32, #tpu.memory_space<vmem>>) target_semaphore(%run_scoped3A : memref<!tpu.dma_semaphore, #tpu.memory_space<semaphore_mem>>)
      %dma_wait3A = arith.constant 0 : i32
      %dma_wait3A_14 = tpu.memref_slice %arg2[%dma_wait3A, %mul3A_2] : memref<64x8192xf32, #tpu.memory_space<hbm>> -> memref<64x256xf32, #tpu.memory_space<hbm>>
      %dma_wait3A_15 = arith.constant 0 : i32
      %dma_wait3A_16 = tpu.memref_slice %arg2[%dma_wait3A_15, %mul3A_2] : memref<64x8192xf32, #tpu.memory_space<hbm>> -> memref<64x256xf32, #tpu.memory_space<hbm>>
      tpu.wait_dma2 semaphore(%run_scoped3A : memref<!tpu.dma_semaphore, #tpu.memory_space<semaphore_mem>>) src(%dma_wait3A_16 : memref<64x256xf32, #tpu.memory_space<hbm>>) dst(%arg5 : memref<64x256xf32, #tpu.memory_space<vmem>>)
      tpu.yield
    }) : () -> ()
    %iota3A = tpu.iota {dimensions = array<i32: 0>} : vector<16xi32>
    %broadcast_in_dim3A = arith.constant 0 : i32
    %broadcast_in_dim3A_3 = vector.broadcast %broadcast_in_dim3A : i32 to vector<16xi32>
    %broadcast_in_dim3A_4 = arith.constant -1.000000e+00 : f32
    %broadcast_in_dim3A_5 = vector.broadcast %broadcast_in_dim3A_4 : f32 to vector<16xf32>
    %scan3A = arith.constant 0 : i32
    %scan3A_6 = arith.constant 0 : i32
    %scan3A_7 = arith.constant 16 : i32
    %scan3A_8 = arith.addi %scan3A_6, %scan3A_7 : i32
    %scan3A_9 = arith.constant 1 : i32
    scf.for %scan3A_11 = %scan3A_6 to %scan3A_8 step %scan3A_9  : i32 {
      %mul3A_12 = arith.constant 16 : i32
      %mul3A_13 = arith.muli %scan3A_11, %mul3A_12 : i32
      %scan3A_14 = arith.constant 0 : i32
      %scan3A_15 = arith.constant 16 : i32
      %scan3A_16 = arith.addi %scan3A_14, %scan3A_15 : i32
      %scan3A_17 = arith.constant 1 : i32
      %scan3A_18:12 = scf.for %scan3A_91 = %scan3A_14 to %scan3A_16 step %scan3A_17 iter_args(%scan3A_92 = %broadcast_in_dim3A_5, %scan3A_93 = %broadcast_in_dim3A_5, %scan3A_94 = %broadcast_in_dim3A_5, %scan3A_95 = %broadcast_in_dim3A_5, %scan3A_96 = %broadcast_in_dim3A_5, %scan3A_97 = %broadcast_in_dim3A_5, %scan3A_98 = %broadcast_in_dim3A_3, %scan3A_99 = %broadcast_in_dim3A_3, %scan3A_100 = %broadcast_in_dim3A_3, %scan3A_101 = %broadcast_in_dim3A_3, %scan3A_102 = %broadcast_in_dim3A_3, %scan3A_103 = %broadcast_in_dim3A_3) -> (vector<16xf32>, vector<16xf32>, vector<16xf32>, vector<16xf32>, vector<16xf32>, vector<16xf32>, vector<16xi32>, vector<16xi32>, vector<16xi32>, vector<16xi32>, vector<16xi32>, vector<16xi32>)  : i32 {
        %mul3A_104 = arith.constant 4 : i32
        %mul3A_105 = arith.muli %scan3A_91, %mul3A_104 : i32
        %add3A_106 = arith.constant 0 : i32
        %add3A_107 = arith.addi %mul3A_105, %add3A_106 : i32
        %get3A = arith.index_cast %add3A_107 : i32 to index
        %get3A_108 = arith.index_cast %mul3A_13 : i32 to index
        %get3A_109 = tpu.vector_load %arg5[%get3A, %get3A_108] {strides = array<i32>} : memref<64x256xf32, #tpu.memory_space<vmem>>, vector<1x16xf32>,
        %get3A_110 = vector.shape_cast %get3A_109 : vector<1x16xf32> to vector<16xf32>
        %add3A_111 = vector.broadcast %add3A_107 : i32 to vector<16xi32>
        %add3A_112 = arith.addi %broadcast_in_dim3A_3, %add3A_111 : vector<16xi32>
        %gt3A = arith.cmpf ogt, %get3A_110, %scan3A_92 : vector<16xf32>
        %gt3A_113 = arith.cmpf ogt, %get3A_110, %scan3A_93 : vector<16xf32>
        %gt3A_114 = arith.cmpf ogt, %get3A_110, %scan3A_94 : vector<16xf32>
        %gt3A_115 = arith.cmpf ogt, %get3A_110, %scan3A_95 : vector<16xf32>
        %gt3A_116 = arith.cmpf ogt, %get3A_110, %scan3A_96 : vector<16xf32>
        %gt3A_117 = arith.cmpf ogt, %get3A_110, %scan3A_97 : vector<16xf32>
        %select_n3A = arith.select %gt3A, %get3A_110, %scan3A_92 : vector<16xi1>, vector<16xf32>
        %select_n3A_118 = arith.select %gt3A, %add3A_112, %scan3A_98 : vector<16xi1>, vector<16xi32>
        %select_n3A_119 = arith.select %gt3A_113, %get3A_110, %scan3A_93 : vector<16xi1>, vector<16xf32>
        %select_n3A_120 = arith.select %gt3A, %scan3A_92, %select_n3A_119 : vector<16xi1>, vector<16xf32>
        %select_n3A_121 = arith.select %gt3A_113, %add3A_112, %scan3A_99 : vector<16xi1>, vector<16xi32>
        %select_n3A_122 = arith.select %gt3A, %scan3A_98, %select_n3A_121 : vector<16xi1>, vector<16xi32>
        %select_n3A_123 = arith.select %gt3A_114, %get3A_110, %scan3A_94 : vector<16xi1>, vector<16xf32>
        %select_n3A_124 = arith.select %gt3A_113, %scan3A_93, %select_n3A_123 : vector<16xi1>, vector<16xf32>
        %select_n3A_125 = arith.select %gt3A_114, %add3A_112, %scan3A_100 : vector<16xi1>, vector<16xi32>
        %select_n3A_126 = arith.select %gt3A_113, %scan3A_99, %select_n3A_125 : vector<16xi1>, vector<16xi32>
        %select_n3A_127 = arith.select %gt3A_115, %get3A_110, %scan3A_95 : vector<16xi1>, vector<16xf32>
        %select_n3A_128 = arith.select %gt3A_114, %scan3A_94, %select_n3A_127 : vector<16xi1>, vector<16xf32>
        %select_n3A_129 = arith.select %gt3A_115, %add3A_112, %scan3A_101 : vector<16xi1>, vector<16xi32>
        %select_n3A_130 = arith.select %gt3A_114, %scan3A_100, %select_n3A_129 : vector<16xi1>, vector<16xi32>
        %select_n3A_131 = arith.select %gt3A_116, %get3A_110, %scan3A_96 : vector<16xi1>, vector<16xf32>
        %select_n3A_132 = arith.select %gt3A_115, %scan3A_95, %select_n3A_131 : vector<16xi1>, vector<16xf32>
        %select_n3A_133 = arith.select %gt3A_116, %add3A_112, %scan3A_102 : vector<16xi1>, vector<16xi32>
        %select_n3A_134 = arith.select %gt3A_115, %scan3A_101, %select_n3A_133 : vector<16xi1>, vector<16xi32>
        %select_n3A_135 = arith.select %gt3A_117, %get3A_110, %scan3A_97 : vector<16xi1>, vector<16xf32>
        %select_n3A_136 = arith.select %gt3A_116, %scan3A_96, %select_n3A_135 : vector<16xi1>, vector<16xf32>
        %select_n3A_137 = arith.select %gt3A_117, %add3A_112, %scan3A_103 : vector<16xi1>, vector<16xi32>
        %select_n3A_138 = arith.select %gt3A_116, %scan3A_102, %select_n3A_137 : vector<16xi1>, vector<16xi32>
        %mul3A_139 = arith.constant 4 : i32
        %mul3A_140 = arith.muli %scan3A_91, %mul3A_139 : i32
        %add3A_141 = arith.constant 1 : i32
        %add3A_142 = arith.addi %mul3A_140, %add3A_141 : i32
        %get3A_143 = arith.index_cast %add3A_142 : i32 to index
        %get3A_144 = arith.index_cast %mul3A_13 : i32 to index
        %get3A_145 = tpu.vector_load %arg5[%get3A_143, %get3A_144] {strides = array<i32>} : memref<64x256xf32, #tpu.memory_space<vmem>>, vector<1x16xf32>,
        %get3A_146 = vector.shape_cast %get3A_145 : vector<1x16xf32> to vector<16xf32>
        %add3A_147 = vector.broadcast %add3A_142 : i32 to vector<16xi32>
        %add3A_148 = arith.addi %broadcast_in_dim3A_3, %add3A_147 : vector<16xi32>
        %gt3A_149 = arith.cmpf ogt, %get3A_146, %select_n3A : vector<16xf32>
        %gt3A_150 = arith.cmpf ogt, %get3A_146, %select_n3A_120 : vector<16xf32>
        %gt3A_151 = arith.cmpf ogt, %get3A_146, %select_n3A_124 : vector<16xf32>
        %gt3A_152 = arith.cmpf ogt, %get3A_146, %select_n3A_128 : vector<16xf32>
        %gt3A_153 = arith.cmpf ogt, %get3A_146, %select_n3A_132 : vector<16xf32>
        %gt3A_154 = arith.cmpf ogt, %get3A_146, %select_n3A_136 : vector<16xf32>
        %select_n3A_155 = arith.select %gt3A_149, %get3A_146, %select_n3A : vector<16xi1>, vector<16xf32>
        %select_n3A_156 = arith.select %gt3A_149, %add3A_148, %select_n3A_118 : vector<16xi1>, vector<16xi32>
        %select_n3A_157 = arith.select %gt3A_150, %get3A_146, %select_n3A_120 : vector<16xi1>, vector<16xf32>
        %select_n3A_158 = arith.select %gt3A_149, %select_n3A, %select_n3A_157 : vector<16xi1>, vector<16xf32>
        %select_n3A_159 = arith.select %gt3A_150, %add3A_148, %select_n3A_122 : vector<16xi1>, vector<16xi32>
        %select_n3A_160 = arith.select %gt3A_149, %select_n3A_118, %select_n3A_159 : vector<16xi1>, vector<16xi32>
        %select_n3A_161 = arith.select %gt3A_151, %get3A_146, %select_n3A_124 : vector<16xi1>, vector<16xf32>
        %select_n3A_162 = arith.select %gt3A_150, %select_n3A_120, %select_n3A_161 : vector<16xi1>, vector<16xf32>
        %select_n3A_163 = arith.select %gt3A_151, %add3A_148, %select_n3A_126 : vector<16xi1>, vector<16xi32>
        %select_n3A_164 = arith.select %gt3A_150, %select_n3A_122, %select_n3A_163 : vector<16xi1>, vector<16xi32>
        %select_n3A_165 = arith.select %gt3A_152, %get3A_146, %select_n3A_128 : vector<16xi1>, vector<16xf32>
        %select_n3A_166 = arith.select %gt3A_151, %select_n3A_124, %select_n3A_165 : vector<16xi1>, vector<16xf32>
        %select_n3A_167 = arith.select %gt3A_152, %add3A_148, %select_n3A_130 : vector<16xi1>, vector<16xi32>
        %select_n3A_168 = arith.select %gt3A_151, %select_n3A_126, %select_n3A_167 : vector<16xi1>, vector<16xi32>
        %select_n3A_169 = arith.select %gt3A_153, %get3A_146, %select_n3A_132 : vector<16xi1>, vector<16xf32>
        %select_n3A_170 = arith.select %gt3A_152, %select_n3A_128, %select_n3A_169 : vector<16xi1>, vector<16xf32>
        %select_n3A_171 = arith.select %gt3A_153, %add3A_148, %select_n3A_134 : vector<16xi1>, vector<16xi32>
        %select_n3A_172 = arith.select %gt3A_152, %select_n3A_130, %select_n3A_171 : vector<16xi1>, vector<16xi32>
        %select_n3A_173 = arith.select %gt3A_154, %get3A_146, %select_n3A_136 : vector<16xi1>, vector<16xf32>
        %select_n3A_174 = arith.select %gt3A_153, %select_n3A_132, %select_n3A_173 : vector<16xi1>, vector<16xf32>
        %select_n3A_175 = arith.select %gt3A_154, %add3A_148, %select_n3A_138 : vector<16xi1>, vector<16xi32>
        %select_n3A_176 = arith.select %gt3A_153, %select_n3A_134, %select_n3A_175 : vector<16xi1>, vector<16xi32>
        %mul3A_177 = arith.constant 4 : i32
        %mul3A_178 = arith.muli %scan3A_91, %mul3A_177 : i32
        %add3A_179 = arith.constant 2 : i32
        %add3A_180 = arith.addi %mul3A_178, %add3A_179 : i32
        %get3A_181 = arith.index_cast %add3A_180 : i32 to index
        %get3A_182 = arith.index_cast %mul3A_13 : i32 to index
        %get3A_183 = tpu.vector_load %arg5[%get3A_181, %get3A_182] {strides = array<i32>} : memref<64x256xf32, #tpu.memory_space<vmem>>, vector<1x16xf32>,
        %get3A_184 = vector.shape_cast %get3A_183 : vector<1x16xf32> to vector<16xf32>
        %add3A_185 = vector.broadcast %add3A_180 : i32 to vector<16xi32>
        %add3A_186 = arith.addi %broadcast_in_dim3A_3, %add3A_185 : vector<16xi32>
        %gt3A_187 = arith.cmpf ogt, %get3A_184, %select_n3A_155 : vector<16xf32>
        %gt3A_188 = arith.cmpf ogt, %get3A_184, %select_n3A_158 : vector<16xf32>
        %gt3A_189 = arith.cmpf ogt, %get3A_184, %select_n3A_162 : vector<16xf32>
        %gt3A_190 = arith.cmpf ogt, %get3A_184, %select_n3A_166 : vector<16xf32>
        %gt3A_191 = arith.cmpf ogt, %get3A_184, %select_n3A_170 : vector<16xf32>
        %gt3A_192 = arith.cmpf ogt, %get3A_184, %select_n3A_174 : vector<16xf32>
        %select_n3A_193 = arith.select %gt3A_187, %get3A_184, %select_n3A_155 : vector<16xi1>, vector<16xf32>
        %select_n3A_194 = arith.select %gt3A_187, %add3A_186, %select_n3A_156 : vector<16xi1>, vector<16xi32>
        %select_n3A_195 = arith.select %gt3A_188, %get3A_184, %select_n3A_158 : vector<16xi1>, vector<16xf32>
        %select_n3A_196 = arith.select %gt3A_187, %select_n3A_155, %select_n3A_195 : vector<16xi1>, vector<16xf32>
        %select_n3A_197 = arith.select %gt3A_188, %add3A_186, %select_n3A_160 : vector<16xi1>, vector<16xi32>
        %select_n3A_198 = arith.select %gt3A_187, %select_n3A_156, %select_n3A_197 : vector<16xi1>, vector<16xi32>
        %select_n3A_199 = arith.select %gt3A_189, %get3A_184, %select_n3A_162 : vector<16xi1>, vector<16xf32>
        %select_n3A_200 = arith.select %gt3A_188, %select_n3A_158, %select_n3A_199 : vector<16xi1>, vector<16xf32>
        %select_n3A_201 = arith.select %gt3A_189, %add3A_186, %select_n3A_164 : vector<16xi1>, vector<16xi32>
        %select_n3A_202 = arith.select %gt3A_188, %select_n3A_160, %select_n3A_201 : vector<16xi1>, vector<16xi32>
        %select_n3A_203 = arith.select %gt3A_190, %get3A_184, %select_n3A_166 : vector<16xi1>, vector<16xf32>
        %select_n3A_204 = arith.select %gt3A_189, %select_n3A_162, %select_n3A_203 : vector<16xi1>, vector<16xf32>
        %select_n3A_205 = arith.select %gt3A_190, %add3A_186, %select_n3A_168 : vector<16xi1>, vector<16xi32>
        %select_n3A_206 = arith.select %gt3A_189, %select_n3A_164, %select_n3A_205 : vector<16xi1>, vector<16xi32>
        %select_n3A_207 = arith.select %gt3A_191, %get3A_184, %select_n3A_170 : vector<16xi1>, vector<16xf32>
        %select_n3A_208 = arith.select %gt3A_190, %select_n3A_166, %select_n3A_207 : vector<16xi1>, vector<16xf32>
        %select_n3A_209 = arith.select %gt3A_191, %add3A_186, %select_n3A_172 : vector<16xi1>, vector<16xi32>
        %select_n3A_210 = arith.select %gt3A_190, %select_n3A_168, %select_n3A_209 : vector<16xi1>, vector<16xi32>
        %select_n3A_211 = arith.select %gt3A_192, %get3A_184, %select_n3A_174 : vector<16xi1>, vector<16xf32>
        %select_n3A_212 = arith.select %gt3A_191, %select_n3A_170, %select_n3A_211 : vector<16xi1>, vector<16xf32>
        %select_n3A_213 = arith.select %gt3A_192, %add3A_186, %select_n3A_176 : vector<16xi1>, vector<16xi32>
        %select_n3A_214 = arith.select %gt3A_191, %select_n3A_172, %select_n3A_213 : vector<16xi1>, vector<16xi32>
        %mul3A_215 = arith.constant 4 : i32
        %mul3A_216 = arith.muli %scan3A_91, %mul3A_215 : i32
        %add3A_217 = arith.constant 3 : i32
        %add3A_218 = arith.addi %mul3A_216, %add3A_217 : i32
        %get3A_219 = arith.index_cast %add3A_218 : i32 to index
        %get3A_220 = arith.index_cast %mul3A_13 : i32 to index
        %get3A_221 = tpu.vector_load %arg5[%get3A_219, %get3A_220] {strides = array<i32>} : memref<64x256xf32, #tpu.memory_space<vmem>>, vector<1x16xf32>,
        %get3A_222 = vector.shape_cast %get3A_221 : vector<1x16xf32> to vector<16xf32>
        %add3A_223 = vector.broadcast %add3A_218 : i32 to vector<16xi32>
        %add3A_224 = arith.addi %broadcast_in_dim3A_3, %add3A_223 : vector<16xi32>
        %gt3A_225 = arith.cmpf ogt, %get3A_222, %select_n3A_193 : vector<16xf32>
        %gt3A_226 = arith.cmpf ogt, %get3A_222, %select_n3A_196 : vector<16xf32>
        %gt3A_227 = arith.cmpf ogt, %get3A_222, %select_n3A_200 : vector<16xf32>
        %gt3A_228 = arith.cmpf ogt, %get3A_222, %select_n3A_204 : vector<16xf32>
        %gt3A_229 = arith.cmpf ogt, %get3A_222, %select_n3A_208 : vector<16xf32>
        %gt3A_230 = arith.cmpf ogt, %get3A_222, %select_n3A_212 : vector<16xf32>
        %select_n3A_231 = arith.select %gt3A_225, %get3A_222, %select_n3A_193 : vector<16xi1>, vector<16xf32>
        %select_n3A_232 = arith.select %gt3A_225, %add3A_224, %select_n3A_194 : vector<16xi1>, vector<16xi32>
        %select_n3A_233 = arith.select %gt3A_226, %get3A_222, %select_n3A_196 : vector<16xi1>, vector<16xf32>
        %select_n3A_234 = arith.select %gt3A_225, %select_n3A_193, %select_n3A_233 : vector<16xi1>, vector<16xf32>
        %select_n3A_235 = arith.select %gt3A_226, %add3A_224, %select_n3A_198 : vector<16xi1>, vector<16xi32>
        %select_n3A_236 = arith.select %gt3A_225, %select_n3A_194, %select_n3A_235 : vector<16xi1>, vector<16xi32>
        %select_n3A_237 = arith.select %gt3A_227, %get3A_222, %select_n3A_200 : vector<16xi1>, vector<16xf32>
        %select_n3A_238 = arith.select %gt3A_226, %select_n3A_196, %select_n3A_237 : vector<16xi1>, vector<16xf32>
        %select_n3A_239 = arith.select %gt3A_227, %add3A_224, %select_n3A_202 : vector<16xi1>, vector<16xi32>
        %select_n3A_240 = arith.select %gt3A_226, %select_n3A_198, %select_n3A_239 : vector<16xi1>, vector<16xi32>
        %select_n3A_241 = arith.select %gt3A_228, %get3A_222, %select_n3A_204 : vector<16xi1>, vector<16xf32>
        %select_n3A_242 = arith.select %gt3A_227, %select_n3A_200, %select_n3A_241 : vector<16xi1>, vector<16xf32>
        %select_n3A_243 = arith.select %gt3A_228, %add3A_224, %select_n3A_206 : vector<16xi1>, vector<16xi32>
        %select_n3A_244 = arith.select %gt3A_227, %select_n3A_202, %select_n3A_243 : vector<16xi1>, vector<16xi32>
        %select_n3A_245 = arith.select %gt3A_229, %get3A_222, %select_n3A_208 : vector<16xi1>, vector<16xf32>
        %select_n3A_246 = arith.select %gt3A_228, %select_n3A_204, %select_n3A_245 : vector<16xi1>, vector<16xf32>
        %select_n3A_247 = arith.select %gt3A_229, %add3A_224, %select_n3A_210 : vector<16xi1>, vector<16xi32>
        %select_n3A_248 = arith.select %gt3A_228, %select_n3A_206, %select_n3A_247 : vector<16xi1>, vector<16xi32>
        %select_n3A_249 = arith.select %gt3A_230, %get3A_222, %select_n3A_212 : vector<16xi1>, vector<16xf32>
        %select_n3A_250 = arith.select %gt3A_229, %select_n3A_208, %select_n3A_249 : vector<16xi1>, vector<16xf32>
        %select_n3A_251 = arith.select %gt3A_230, %add3A_224, %select_n3A_214 : vector<16xi1>, vector<16xi32>
        %select_n3A_252 = arith.select %gt3A_229, %select_n3A_210, %select_n3A_251 : vector<16xi1>, vector<16xi32>
        scf.yield %select_n3A_231, %select_n3A_234, %select_n3A_238, %select_n3A_242, %select_n3A_246, %select_n3A_250, %select_n3A_232, %select_n3A_236, %select_n3A_240, %select_n3A_244, %select_n3A_248, %select_n3A_252 : vector<16xf32>, vector<16xf32>, vector<16xf32>, vector<16xf32>, vector<16xf32>, vector<16xf32>, vector<16xi32>, vector<16xi32>, vector<16xi32>, vector<16xi32>, vector<16xi32>, vector<16xi32>
      }
      %scan3A_19 = arith.constant 16 : i32
      %swap3A = arith.constant 0 : i32
      %swap3A_20 = arith.index_cast %swap3A : i32 to index
      %swap3A_21 = arith.index_cast %mul3A_13 : i32 to index
      %swap3A_22 = tpu.vector_load %arg6[%swap3A_20, %swap3A_21] {strides = array<i32>} : memref<6x256xf32, #tpu.memory_space<vmem>>, vector<1x16xf32>,
      %swap3A_23 = vector.shape_cast %swap3A_22 : vector<1x16xf32> to vector<16xf32>
      %swap3A_24 = vector.shape_cast %scan3A_18#0 : vector<16xf32> to vector<1x16xf32>
      tpu.vector_store %arg6[%swap3A_20, %swap3A_21], %swap3A_24 {strides = array<i32>} : memref<6x256xf32, #tpu.memory_space<vmem>>, vector<1x16xf32>,
      %swap3A_25 = arith.constant 0 : i32
      %swap3A_26 = arith.index_cast %swap3A_25 : i32 to index
      %swap3A_27 = arith.index_cast %mul3A_13 : i32 to index
      %swap3A_28 = tpu.vector_load %arg7[%swap3A_26, %swap3A_27] {strides = array<i32>} : memref<6x256xi32, #tpu.memory_space<vmem>>, vector<1x16xi32>,
      %swap3A_29 = vector.shape_cast %swap3A_28 : vector<1x16xi32> to vector<16xi32>
      %swap3A_30 = vector.shape_cast %scan3A_18#6 : vector<16xi32> to vector<1x16xi32>
      tpu.vector_store %arg7[%swap3A_26, %swap3A_27], %swap3A_30 {strides = array<i32>} : memref<6x256xi32, #tpu.memory_space<vmem>>, vector<1x16xi32>,
      %swap3A_31 = arith.constant 1 : i32
      %swap3A_32 = arith.index_cast %swap3A_31 : i32 to index
      %swap3A_33 = arith.index_cast %mul3A_13 : i32 to index
      %swap3A_34 = tpu.vector_load %arg6[%swap3A_32, %swap3A_33] {strides = array<i32>} : memref<6x256xf32, #tpu.memory_space<vmem>>, vector<1x16xf32>,
      %swap3A_35 = vector.shape_cast %swap3A_34 : vector<1x16xf32> to vector<16xf32>
      %swap3A_36 = vector.shape_cast %scan3A_18#1 : vector<16xf32> to vector<1x16xf32>
      tpu.vector_store %arg6[%swap3A_32, %swap3A_33], %swap3A_36 {strides = array<i32>} : memref<6x256xf32, #tpu.memory_space<vmem>>, vector<1x16xf32>,
      %swap3A_37 = arith.constant 1 : i32
      %swap3A_38 = arith.index_cast %swap3A_37 : i32 to index
      %swap3A_39 = arith.index_cast %mul3A_13 : i32 to index
      %swap3A_40 = tpu.vector_load %arg7[%swap3A_38, %swap3A_39] {strides = array<i32>} : memref<6x256xi32, #tpu.memory_space<vmem>>, vector<1x16xi32>,
      %swap3A_41 = vector.shape_cast %swap3A_40 : vector<1x16xi32> to vector<16xi32>
      %swap3A_42 = vector.shape_cast %scan3A_18#7 : vector<16xi32> to vector<1x16xi32>
      tpu.vector_store %arg7[%swap3A_38, %swap3A_39], %swap3A_42 {strides = array<i32>} : memref<6x256xi32, #tpu.memory_space<vmem>>, vector<1x16xi32>,
      %swap3A_43 = arith.constant 2 : i32
      %swap3A_44 = arith.index_cast %swap3A_43 : i32 to index
      %swap3A_45 = arith.index_cast %mul3A_13 : i32 to index
      %swap3A_46 = tpu.vector_load %arg6[%swap3A_44, %swap3A_45] {strides = array<i32>} : memref<6x256xf32, #tpu.memory_space<vmem>>, vector<1x16xf32>,
      %swap3A_47 = vector.shape_cast %swap3A_46 : vector<1x16xf32> to vector<16xf32>
      %swap3A_48 = vector.shape_cast %scan3A_18#2 : vector<16xf32> to vector<1x16xf32>
      tpu.vector_store %arg6[%swap3A_44, %swap3A_45], %swap3A_48 {strides = array<i32>} : memref<6x256xf32, #tpu.memory_space<vmem>>, vector<1x16xf32>,
      %swap3A_49 = arith.constant 2 : i32
      %swap3A_50 = arith.index_cast %swap3A_49 : i32 to index
      %swap3A_51 = arith.index_cast %mul3A_13 : i32 to index
      %swap3A_52 = tpu.vector_load %arg7[%swap3A_50, %swap3A_51] {strides = array<i32>} : memref<6x256xi32, #tpu.memory_space<vmem>>, vector<1x16xi32>,
      %swap3A_53 = vector.shape_cast %swap3A_52 : vector<1x16xi32> to vector<16xi32>
      %swap3A_54 = vector.shape_cast %scan3A_18#8 : vector<16xi32> to vector<1x16xi32>
      tpu.vector_store %arg7[%swap3A_50, %swap3A_51], %swap3A_54 {strides = array<i32>} : memref<6x256xi32, #tpu.memory_space<vmem>>, vector<1x16xi32>,
      %swap3A_55 = arith.constant 3 : i32
      %swap3A_56 = arith.index_cast %swap3A_55 : i32 to index
      %swap3A_57 = arith.index_cast %mul3A_13 : i32 to index
      %swap3A_58 = tpu.vector_load %arg6[%swap3A_56, %swap3A_57] {strides = array<i32>} : memref<6x256xf32, #tpu.memory_space<vmem>>, vector<1x16xf32>,
      %swap3A_59 = vector.shape_cast %swap3A_58 : vector<1x16xf32> to vector<16xf32>
      %swap3A_60 = vector.shape_cast %scan3A_18#3 : vector<16xf32> to vector<1x16xf32>
      tpu.vector_store %arg6[%swap3A_56, %swap3A_57], %swap3A_60 {strides = array<i32>} : memref<6x256xf32, #tpu.memory_space<vmem>>, vector<1x16xf32>,
      %swap3A_61 = arith.constant 3 : i32
      %swap3A_62 = arith.index_cast %swap3A_61 : i32 to index
      %swap3A_63 = arith.index_cast %mul3A_13 : i32 to index
      %swap3A_64 = tpu.vector_load %arg7[%swap3A_62, %swap3A_63] {strides = array<i32>} : memref<6x256xi32, #tpu.memory_space<vmem>>, vector<1x16xi32>,
      %swap3A_65 = vector.shape_cast %swap3A_64 : vector<1x16xi32> to vector<16xi32>
      %swap3A_66 = vector.shape_cast %scan3A_18#9 : vector<16xi32> to vector<1x16xi32>
      tpu.vector_store %arg7[%swap3A_62, %swap3A_63], %swap3A_66 {strides = array<i32>} : memref<6x256xi32, #tpu.memory_space<vmem>>, vector<1x16xi32>,
      %swap3A_67 = arith.constant 4 : i32
      %swap3A_68 = arith.index_cast %swap3A_67 : i32 to index
      %swap3A_69 = arith.index_cast %mul3A_13 : i32 to index
      %swap3A_70 = tpu.vector_load %arg6[%swap3A_68, %swap3A_69] {strides = array<i32>} : memref<6x256xf32, #tpu.memory_space<vmem>>, vector<1x16xf32>,
      %swap3A_71 = vector.shape_cast %swap3A_70 : vector<1x16xf32> to vector<16xf32>
      %swap3A_72 = vector.shape_cast %scan3A_18#4 : vector<16xf32> to vector<1x16xf32>
      tpu.vector_store %arg6[%swap3A_68, %swap3A_69], %swap3A_72 {strides = array<i32>} : memref<6x256xf32, #tpu.memory_space<vmem>>, vector<1x16xf32>,
      %swap3A_73 = arith.constant 4 : i32
      %swap3A_74 = arith.index_cast %swap3A_73 : i32 to index
      %swap3A_75 = arith.index_cast %mul3A_13 : i32 to index
      %swap3A_76 = tpu.vector_load %arg7[%swap3A_74, %swap3A_75] {strides = array<i32>} : memref<6x256xi32, #tpu.memory_space<vmem>>, vector<1x16xi32>,
      %swap3A_77 = vector.shape_cast %swap3A_76 : vector<1x16xi32> to vector<16xi32>
      %swap3A_78 = vector.shape_cast %scan3A_18#10 : vector<16xi32> to vector<1x16xi32>
      tpu.vector_store %arg7[%swap3A_74, %swap3A_75], %swap3A_78 {strides = array<i32>} : memref<6x256xi32, #tpu.memory_space<vmem>>, vector<1x16xi32>,
      %swap3A_79 = arith.constant 5 : i32
      %swap3A_80 = arith.index_cast %swap3A_79 : i32 to index
      %swap3A_81 = arith.index_cast %mul3A_13 : i32 to index
      %swap3A_82 = tpu.vector_load %arg6[%swap3A_80, %swap3A_81] {strides = array<i32>} : memref<6x256xf32, #tpu.memory_space<vmem>>, vector<1x16xf32>,
      %swap3A_83 = vector.shape_cast %swap3A_82 : vector<1x16xf32> to vector<16xf32>
      %swap3A_84 = vector.shape_cast %scan3A_18#5 : vector<16xf32> to vector<1x16xf32>
      tpu.vector_store %arg6[%swap3A_80, %swap3A_81], %swap3A_84 {strides = array<i32>} : memref<6x256xf32, #tpu.memory_space<vmem>>, vector<1x16xf32>,
      %swap3A_85 = arith.constant 5 : i32
      %swap3A_86 = arith.index_cast %swap3A_85 : i32 to index
      %swap3A_87 = arith.index_cast %mul3A_13 : i32 to index
      %swap3A_88 = tpu.vector_load %arg7[%swap3A_86, %swap3A_87] {strides = array<i32>} : memref<6x256xi32, #tpu.memory_space<vmem>>, vector<1x16xi32>,
      %swap3A_89 = vector.shape_cast %swap3A_88 : vector<1x16xi32> to vector<16xi32>
      %swap3A_90 = vector.shape_cast %scan3A_18#11 : vector<16xi32> to vector<1x16xi32>
      tpu.vector_store %arg7[%swap3A_86, %swap3A_87], %swap3A_90 {strides = array<i32>} : memref<6x256xi32, #tpu.memory_space<vmem>>, vector<1x16xi32>,
    }
    %scan3A_10 = arith.constant 16 : i32
    "tpu.region"() ({
      %run_scoped3A = tpu.sem_alloc : memref<!tpu.dma_semaphore, #tpu.memory_space<semaphore_mem>>
      %dma_start3A = arith.constant 0 : i32
      %dma_start3A_11 = tpu.memref_slice %arg3[%dma_start3A, %mul3A_2] : memref<6x8192xf32, #tpu.memory_space<hbm>> -> memref<6x256xf32, #tpu.memory_space<hbm>>
      %dma_start3A_12 = arith.constant 0 : i32
      %dma_start3A_13 = tpu.memref_slice %arg3[%dma_start3A_12, %mul3A_2] : memref<6x8192xf32, #tpu.memory_space<hbm>> -> memref<6x256xf32, #tpu.memory_space<hbm>>
      tpu.enqueue_dma source(%arg6 : memref<6x256xf32, #tpu.memory_space<vmem>>) target(%dma_start3A_13 : memref<6x256xf32, #tpu.memory_space<hbm>>) target_semaphore(%run_scoped3A : memref<!tpu.dma_semaphore, #tpu.memory_space<semaphore_mem>>)
      %dma_wait3A = arith.constant 0 : i32
      %dma_wait3A_14 = tpu.memref_slice %arg3[%dma_wait3A, %mul3A_2] : memref<6x8192xf32, #tpu.memory_space<hbm>> -> memref<6x256xf32, #tpu.memory_space<hbm>>
      %dma_wait3A_15 = arith.constant 0 : i32
      %dma_wait3A_16 = tpu.memref_slice %arg3[%dma_wait3A_15, %mul3A_2] : memref<6x8192xf32, #tpu.memory_space<hbm>> -> memref<6x256xf32, #tpu.memory_space<hbm>>
      tpu.wait_dma2 semaphore(%run_scoped3A : memref<!tpu.dma_semaphore, #tpu.memory_space<semaphore_mem>>) src(%arg6 : memref<6x256xf32, #tpu.memory_space<vmem>>) dst(%dma_wait3A_16 : memref<6x256xf32, #tpu.memory_space<hbm>>)
      tpu.yield
    }) : () -> ()
    "tpu.region"() ({
      %run_scoped3A = tpu.sem_alloc : memref<!tpu.dma_semaphore, #tpu.memory_space<semaphore_mem>>
      %dma_start3A = arith.constant 0 : i32
      %dma_start3A_11 = tpu.memref_slice %arg4[%dma_start3A, %mul3A_2] : memref<6x8192xi32, #tpu.memory_space<hbm>> -> memref<6x256xi32, #tpu.memory_space<hbm>>
      %dma_start3A_12 = arith.constant 0 : i32
      %dma_start3A_13 = tpu.memref_slice %arg4[%dma_start3A_12, %mul3A_2] : memref<6x8192xi32, #tpu.memory_space<hbm>> -> memref<6x256xi32, #tpu.memory_space<hbm>>
      tpu.enqueue_dma source(%arg7 : memref<6x256xi32, #tpu.memory_space<vmem>>) target(%dma_start3A_13 : memref<6x256xi32, #tpu.memory_space<hbm>>) target_semaphore(%run_scoped3A : memref<!tpu.dma_semaphore, #tpu.memory_space<semaphore_mem>>)
      %dma_wait3A = arith.constant 0 : i32
      %dma_wait3A_14 = tpu.memref_slice %arg4[%dma_wait3A, %mul3A_2] : memref<6x8192xi32, #tpu.memory_space<hbm>> -> memref<6x256xi32, #tpu.memory_space<hbm>>
      %dma_wait3A_15 = arith.constant 0 : i32
      %dma_wait3A_16 = tpu.memref_slice %arg4[%dma_wait3A_15, %mul3A_2] : memref<6x8192xi32, #tpu.memory_space<hbm>> -> memref<6x256xi32, #tpu.memory_space<hbm>>
      tpu.wait_dma2 semaphore(%run_scoped3A : memref<!tpu.dma_semaphore, #tpu.memory_space<semaphore_mem>>) src(%arg7 : memref<6x256xi32, #tpu.memory_space<vmem>>) dst(%dma_wait3A_16 : memref<6x256xi32, #tpu.memory_space<hbm>>)
      tpu.yield
    }) : () -> ()
    return
  }
}

#map = affine_map<(d0, d1) -> (0, 0)>
module attributes {stable_mosaic.version = 14 : i64} {
  func.func @sc_topk(%arg0: i32, %arg1: i32, %arg2: memref<64x8192xf32, #tpu.memory_space<hbm>>, %arg3: memref<6x8192xf32, #tpu.memory_space<hbm>>, %arg4: memref<6x8192xi32, #tpu.memory_space<hbm>>, %arg5: memref<64x256xf32, #tpu.memory_space<vmem>>, %arg6: memref<6x256xf32, #tpu.memory_space<vmem>>, %arg7: memref<6x256xi32, #tpu.memory_space<vmem>>) attributes {dimension_semantics = [#tpu.dimension_semantics<core_parallel>, #tpu.dimension_semantics<subcore_parallel>], iteration_bounds = array<i64: 2, 16>, scalar_prefetch = 0 : i64, scratch_operands = 3 : i64, tpu.core_type = #tpu.core_type<sc_vector_subcore>, window_params = [{transform_indices = #map}, {transform_indices = #map}, {transform_indices = #map}]} {
    %mul3A = arith.constant 2 : i32
    %mul3A_0 = arith.muli %arg1, %mul3A : i32
    %add3A = arith.addi %mul3A_0, %arg0 : i32
    %mul3A_1 = arith.constant 256 : i32
    %mul3A_2 = arith.muli %add3A, %mul3A_1 : i32
    "tpu.region"() ({
      %run_scoped3A = tpu.sem_alloc : memref<!tpu.dma_semaphore, #tpu.memory_space<semaphore_mem>>
      %dma_start3A = arith.constant 0 : i32
      %dma_start3A_11 = tpu.memref_slice %arg2[%dma_start3A, %mul3A_2] : memref<64x8192xf32, #tpu.memory_space<hbm>> -> memref<64x256xf32, #tpu.memory_space<hbm>>
      %dma_start3A_12 = arith.constant 0 : i32
      %dma_start3A_13 = tpu.memref_slice %arg2[%dma_start3A_12, %mul3A_2] : memref<64x8192xf32, #tpu.memory_space<hbm>> -> memref<64x256xf32, #tpu.memory_space<hbm>>
      tpu.enqueue_dma source(%dma_start3A_13 : memref<64x256xf32, #tpu.memory_space<hbm>>) target(%arg5 : memref<64x256xf32, #tpu.memory_space<vmem>>) target_semaphore(%run_scoped3A : memref<!tpu.dma_semaphore, #tpu.memory_space<semaphore_mem>>)
      %dma_wait3A = arith.constant 0 : i32
      %dma_wait3A_14 = tpu.memref_slice %arg2[%dma_wait3A, %mul3A_2] : memref<64x8192xf32, #tpu.memory_space<hbm>> -> memref<64x256xf32, #tpu.memory_space<hbm>>
      %dma_wait3A_15 = arith.constant 0 : i32
      %dma_wait3A_16 = tpu.memref_slice %arg2[%dma_wait3A_15, %mul3A_2] : memref<64x8192xf32, #tpu.memory_space<hbm>> -> memref<64x256xf32, #tpu.memory_space<hbm>>
      tpu.wait_dma2 semaphore(%run_scoped3A : memref<!tpu.dma_semaphore, #tpu.memory_space<semaphore_mem>>) src(%dma_wait3A_16 : memref<64x256xf32, #tpu.memory_space<hbm>>) dst(%arg5 : memref<64x256xf32, #tpu.memory_space<vmem>>)
      tpu.yield
    }) : () -> ()
    %iota3A = tpu.iota {dimensions = array<i32: 0>} : vector<16xi32>
    %broadcast_in_dim3A = arith.constant 0 : i32
    %broadcast_in_dim3A_3 = vector.broadcast %broadcast_in_dim3A : i32 to vector<16xi32>
    %broadcast_in_dim3A_4 = arith.constant -1.000000e+00 : f32
    %broadcast_in_dim3A_5 = vector.broadcast %broadcast_in_dim3A_4 : f32 to vector<16xf32>
    %scan3A = arith.constant 0 : i32
    %scan3A_6 = arith.constant 0 : i32
    %scan3A_7 = arith.constant 16 : i32
    %scan3A_8 = arith.addi %scan3A_6, %scan3A_7 : i32
    %scan3A_9 = arith.constant 1 : i32
    scf.for %scan3A_11 = %scan3A_6 to %scan3A_8 step %scan3A_9  : i32 {
      %mul3A_12 = arith.constant 16 : i32
      %mul3A_13 = arith.muli %scan3A_11, %mul3A_12 : i32
      %scan3A_14 = arith.constant 0 : i32
      %scan3A_15 = arith.constant 16 : i32
      %scan3A_16 = arith.addi %scan3A_14, %scan3A_15 : i32
      %scan3A_17 = arith.constant 1 : i32
      %scan3A_18:12 = scf.for %scan3A_91 = %scan3A_14 to %scan3A_16 step %scan3A_17 iter_args(%scan3A_92 = %broadcast_in_dim3A_5, %scan3A_93 = %broadcast_in_dim3A_5, %scan3A_94 = %broadcast_in_dim3A_5, %scan3A_95 = %broadcast_in_dim3A_5, %scan3A_96 = %broadcast_in_dim3A_5, %scan3A_97 = %broadcast_in_dim3A_5, %scan3A_98 = %broadcast_in_dim3A_3, %scan3A_99 = %broadcast_in_dim3A_3, %scan3A_100 = %broadcast_in_dim3A_3, %scan3A_101 = %broadcast_in_dim3A_3, %scan3A_102 = %broadcast_in_dim3A_3, %scan3A_103 = %broadcast_in_dim3A_3) -> (vector<16xf32>, vector<16xf32>, vector<16xf32>, vector<16xf32>, vector<16xf32>, vector<16xf32>, vector<16xi32>, vector<16xi32>, vector<16xi32>, vector<16xi32>, vector<16xi32>, vector<16xi32>)  : i32 {
        %mul3A_104 = arith.constant 4 : i32
        %mul3A_105 = arith.muli %scan3A_91, %mul3A_104 : i32
        %add3A_106 = arith.constant 0 : i32
        %add3A_107 = arith.addi %mul3A_105, %add3A_106 : i32
        %get3A = arith.index_cast %add3A_107 : i32 to index
        %get3A_108 = arith.index_cast %mul3A_13 : i32 to index
        %get3A_109 = tpu.vector_load %arg5[%get3A, %get3A_108] {strides = array<i32>} : memref<64x256xf32, #tpu.memory_space<vmem>>, vector<1x16xf32>,
        %get3A_110 = vector.shape_cast %get3A_109 : vector<1x16xf32> to vector<16xf32>
        %add3A_111 = vector.broadcast %add3A_107 : i32 to vector<16xi32>
        %add3A_112 = arith.addi %broadcast_in_dim3A_3, %add3A_111 : vector<16xi32>
        %gt3A = arith.cmpf ogt, %get3A_110, %scan3A_92 : vector<16xf32>
        %gt3A_113 = arith.cmpf ogt, %get3A_110, %scan3A_93 : vector<16xf32>
        %gt3A_114 = arith.cmpf ogt, %get3A_110, %scan3A_94 : vector<16xf32>
        %gt3A_115 = arith.cmpf ogt, %get3A_110, %scan3A_95 : vector<16xf32>
        %gt3A_116 = arith.cmpf ogt, %get3A_110, %scan3A_96 : vector<16xf32>
        %gt3A_117 = arith.cmpf ogt, %get3A_110, %scan3A_97 : vector<16xf32>
        %select_n3A = arith.select %gt3A, %get3A_110, %scan3A_92 : vector<16xi1>, vector<16xf32>
        %select_n3A_118 = arith.select %gt3A, %add3A_112, %scan3A_98 : vector<16xi1>, vector<16xi32>
        %select_n3A_119 = arith.select %gt3A_113, %get3A_110, %scan3A_93 : vector<16xi1>, vector<16xf32>
        %select_n3A_120 = arith.select %gt3A, %scan3A_92, %select_n3A_119 : vector<16xi1>, vector<16xf32>
        %select_n3A_121 = arith.select %gt3A_113, %add3A_112, %scan3A_99 : vector<16xi1>, vector<16xi32>
        %select_n3A_122 = arith.select %gt3A, %scan3A_98, %select_n3A_121 : vector<16xi1>, vector<16xi32>
        %select_n3A_123 = arith.select %gt3A_114, %get3A_110, %scan3A_94 : vector<16xi1>, vector<16xf32>
        %select_n3A_124 = arith.select %gt3A_113, %scan3A_93, %select_n3A_123 : vector<16xi1>, vector<16xf32>
        %select_n3A_125 = arith.select %gt3A_114, %add3A_112, %scan3A_100 : vector<16xi1>, vector<16xi32>
        %select_n3A_126 = arith.select %gt3A_113, %scan3A_99, %select_n3A_125 : vector<16xi1>, vector<16xi32>
        %select_n3A_127 = arith.select %gt3A_115, %get3A_110, %scan3A_95 : vector<16xi1>, vector<16xf32>
        %select_n3A_128 = arith.select %gt3A_114, %scan3A_94, %select_n3A_127 : vector<16xi1>, vector<16xf32>
        %select_n3A_129 = arith.select %gt3A_115, %add3A_112, %scan3A_101 : vector<16xi1>, vector<16xi32>
        %select_n3A_130 = arith.select %gt3A_114, %scan3A_100, %select_n3A_129 : vector<16xi1>, vector<16xi32>
        %select_n3A_131 = arith.select %gt3A_116, %get3A_110, %scan3A_96 : vector<16xi1>, vector<16xf32>
        %select_n3A_132 = arith.select %gt3A_115, %scan3A_95, %select_n3A_131 : vector<16xi1>, vector<16xf32>
        %select_n3A_133 = arith.select %gt3A_116, %add3A_112, %scan3A_102 : vector<16xi1>, vector<16xi32>
        %select_n3A_134 = arith.select %gt3A_115, %scan3A_101, %select_n3A_133 : vector<16xi1>, vector<16xi32>
        %select_n3A_135 = arith.select %gt3A_117, %get3A_110, %scan3A_97 : vector<16xi1>, vector<16xf32>
        %select_n3A_136 = arith.select %gt3A_116, %scan3A_96, %select_n3A_135 : vector<16xi1>, vector<16xf32>
        %select_n3A_137 = arith.select %gt3A_117, %add3A_112, %scan3A_103 : vector<16xi1>, vector<16xi32>
        %select_n3A_138 = arith.select %gt3A_116, %scan3A_102, %select_n3A_137 : vector<16xi1>, vector<16xi32>
        %mul3A_139 = arith.constant 4 : i32
        %mul3A_140 = arith.muli %scan3A_91, %mul3A_139 : i32
        %add3A_141 = arith.constant 1 : i32
        %add3A_142 = arith.addi %mul3A_140, %add3A_141 : i32
        %get3A_143 = arith.index_cast %add3A_142 : i32 to index
        %get3A_144 = arith.index_cast %mul3A_13 : i32 to index
        %get3A_145 = tpu.vector_load %arg5[%get3A_143, %get3A_144] {strides = array<i32>} : memref<64x256xf32, #tpu.memory_space<vmem>>, vector<1x16xf32>,
        %get3A_146 = vector.shape_cast %get3A_145 : vector<1x16xf32> to vector<16xf32>
        %add3A_147 = vector.broadcast %add3A_142 : i32 to vector<16xi32>
        %add3A_148 = arith.addi %broadcast_in_dim3A_3, %add3A_147 : vector<16xi32>
        %gt3A_149 = arith.cmpf ogt, %get3A_146, %select_n3A : vector<16xf32>
        %gt3A_150 = arith.cmpf ogt, %get3A_146, %select_n3A_120 : vector<16xf32>
        %gt3A_151 = arith.cmpf ogt, %get3A_146, %select_n3A_124 : vector<16xf32>
        %gt3A_152 = arith.cmpf ogt, %get3A_146, %select_n3A_128 : vector<16xf32>
        %gt3A_153 = arith.cmpf ogt, %get3A_146, %select_n3A_132 : vector<16xf32>
        %gt3A_154 = arith.cmpf ogt, %get3A_146, %select_n3A_136 : vector<16xf32>
        %select_n3A_155 = arith.select %gt3A_149, %get3A_146, %select_n3A : vector<16xi1>, vector<16xf32>
        %select_n3A_156 = arith.select %gt3A_149, %add3A_148, %select_n3A_118 : vector<16xi1>, vector<16xi32>
        %select_n3A_157 = arith.select %gt3A_150, %get3A_146, %select_n3A_120 : vector<16xi1>, vector<16xf32>
        %select_n3A_158 = arith.select %gt3A_149, %select_n3A, %select_n3A_157 : vector<16xi1>, vector<16xf32>
        %select_n3A_159 = arith.select %gt3A_150, %add3A_148, %select_n3A_122 : vector<16xi1>, vector<16xi32>
        %select_n3A_160 = arith.select %gt3A_149, %select_n3A_118, %select_n3A_159 : vector<16xi1>, vector<16xi32>
        %select_n3A_161 = arith.select %gt3A_151, %get3A_146, %select_n3A_124 : vector<16xi1>, vector<16xf32>
        %select_n3A_162 = arith.select %gt3A_150, %select_n3A_120, %select_n3A_161 : vector<16xi1>, vector<16xf32>
        %select_n3A_163 = arith.select %gt3A_151, %add3A_148, %select_n3A_126 : vector<16xi1>, vector<16xi32>
        %select_n3A_164 = arith.select %gt3A_150, %select_n3A_122, %select_n3A_163 : vector<16xi1>, vector<16xi32>
        %select_n3A_165 = arith.select %gt3A_152, %get3A_146, %select_n3A_128 : vector<16xi1>, vector<16xf32>
        %select_n3A_166 = arith.select %gt3A_151, %select_n3A_124, %select_n3A_165 : vector<16xi1>, vector<16xf32>
        %select_n3A_167 = arith.select %gt3A_152, %add3A_148, %select_n3A_130 : vector<16xi1>, vector<16xi32>
        %select_n3A_168 = arith.select %gt3A_151, %select_n3A_126, %select_n3A_167 : vector<16xi1>, vector<16xi32>
        %select_n3A_169 = arith.select %gt3A_153, %get3A_146, %select_n3A_132 : vector<16xi1>, vector<16xf32>
        %select_n3A_170 = arith.select %gt3A_152, %select_n3A_128, %select_n3A_169 : vector<16xi1>, vector<16xf32>
        %select_n3A_171 = arith.select %gt3A_153, %add3A_148, %select_n3A_134 : vector<16xi1>, vector<16xi32>
        %select_n3A_172 = arith.select %gt3A_152, %select_n3A_130, %select_n3A_171 : vector<16xi1>, vector<16xi32>
        %select_n3A_173 = arith.select %gt3A_154, %get3A_146, %select_n3A_136 : vector<16xi1>, vector<16xf32>
        %select_n3A_174 = arith.select %gt3A_153, %select_n3A_132, %select_n3A_173 : vector<16xi1>, vector<16xf32>
        %select_n3A_175 = arith.select %gt3A_154, %add3A_148, %select_n3A_138 : vector<16xi1>, vector<16xi32>
        %select_n3A_176 = arith.select %gt3A_153, %select_n3A_134, %select_n3A_175 : vector<16xi1>, vector<16xi32>
        %mul3A_177 = arith.constant 4 : i32
        %mul3A_178 = arith.muli %scan3A_91, %mul3A_177 : i32
        %add3A_179 = arith.constant 2 : i32
        %add3A_180 = arith.addi %mul3A_178, %add3A_179 : i32
        %get3A_181 = arith.index_cast %add3A_180 : i32 to index
        %get3A_182 = arith.index_cast %mul3A_13 : i32 to index
        %get3A_183 = tpu.vector_load %arg5[%get3A_181, %get3A_182] {strides = array<i32>} : memref<64x256xf32, #tpu.memory_space<vmem>>, vector<1x16xf32>,
        %get3A_184 = vector.shape_cast %get3A_183 : vector<1x16xf32> to vector<16xf32>
        %add3A_185 = vector.broadcast %add3A_180 : i32 to vector<16xi32>
        %add3A_186 = arith.addi %broadcast_in_dim3A_3, %add3A_185 : vector<16xi32>
        %gt3A_187 = arith.cmpf ogt, %get3A_184, %select_n3A_155 : vector<16xf32>
        %gt3A_188 = arith.cmpf ogt, %get3A_184, %select_n3A_158 : vector<16xf32>
        %gt3A_189 = arith.cmpf ogt, %get3A_184, %select_n3A_162 : vector<16xf32>
        %gt3A_190 = arith.cmpf ogt, %get3A_184, %select_n3A_166 : vector<16xf32>
        %gt3A_191 = arith.cmpf ogt, %get3A_184, %select_n3A_170 : vector<16xf32>
        %gt3A_192 = arith.cmpf ogt, %get3A_184, %select_n3A_174 : vector<16xf32>
        %select_n3A_193 = arith.select %gt3A_187, %get3A_184, %select_n3A_155 : vector<16xi1>, vector<16xf32>
        %select_n3A_194 = arith.select %gt3A_187, %add3A_186, %select_n3A_156 : vector<16xi1>, vector<16xi32>
        %select_n3A_195 = arith.select %gt3A_188, %get3A_184, %select_n3A_158 : vector<16xi1>, vector<16xf32>
        %select_n3A_196 = arith.select %gt3A_187, %select_n3A_155, %select_n3A_195 : vector<16xi1>, vector<16xf32>
        %select_n3A_197 = arith.select %gt3A_188, %add3A_186, %select_n3A_160 : vector<16xi1>, vector<16xi32>
        %select_n3A_198 = arith.select %gt3A_187, %select_n3A_156, %select_n3A_197 : vector<16xi1>, vector<16xi32>
        %select_n3A_199 = arith.select %gt3A_189, %get3A_184, %select_n3A_162 : vector<16xi1>, vector<16xf32>
        %select_n3A_200 = arith.select %gt3A_188, %select_n3A_158, %select_n3A_199 : vector<16xi1>, vector<16xf32>
        %select_n3A_201 = arith.select %gt3A_189, %add3A_186, %select_n3A_164 : vector<16xi1>, vector<16xi32>
        %select_n3A_202 = arith.select %gt3A_188, %select_n3A_160, %select_n3A_201 : vector<16xi1>, vector<16xi32>
        %select_n3A_203 = arith.select %gt3A_190, %get3A_184, %select_n3A_166 : vector<16xi1>, vector<16xf32>
        %select_n3A_204 = arith.select %gt3A_189, %select_n3A_162, %select_n3A_203 : vector<16xi1>, vector<16xf32>
        %select_n3A_205 = arith.select %gt3A_190, %add3A_186, %select_n3A_168 : vector<16xi1>, vector<16xi32>
        %select_n3A_206 = arith.select %gt3A_189, %select_n3A_164, %select_n3A_205 : vector<16xi1>, vector<16xi32>
        %select_n3A_207 = arith.select %gt3A_191, %get3A_184, %select_n3A_170 : vector<16xi1>, vector<16xf32>
        %select_n3A_208 = arith.select %gt3A_190, %select_n3A_166, %select_n3A_207 : vector<16xi1>, vector<16xf32>
        %select_n3A_209 = arith.select %gt3A_191, %add3A_186, %select_n3A_172 : vector<16xi1>, vector<16xi32>
        %select_n3A_210 = arith.select %gt3A_190, %select_n3A_168, %select_n3A_209 : vector<16xi1>, vector<16xi32>
        %select_n3A_211 = arith.select %gt3A_192, %get3A_184, %select_n3A_174 : vector<16xi1>, vector<16xf32>
        %select_n3A_212 = arith.select %gt3A_191, %select_n3A_170, %select_n3A_211 : vector<16xi1>, vector<16xf32>
        %select_n3A_213 = arith.select %gt3A_192, %add3A_186, %select_n3A_176 : vector<16xi1>, vector<16xi32>
        %select_n3A_214 = arith.select %gt3A_191, %select_n3A_172, %select_n3A_213 : vector<16xi1>, vector<16xi32>
        %mul3A_215 = arith.constant 4 : i32
        %mul3A_216 = arith.muli %scan3A_91, %mul3A_215 : i32
        %add3A_217 = arith.constant 3 : i32
        %add3A_218 = arith.addi %mul3A_216, %add3A_217 : i32
        %get3A_219 = arith.index_cast %add3A_218 : i32 to index
        %get3A_220 = arith.index_cast %mul3A_13 : i32 to index
        %get3A_221 = tpu.vector_load %arg5[%get3A_219, %get3A_220] {strides = array<i32>} : memref<64x256xf32, #tpu.memory_space<vmem>>, vector<1x16xf32>,
        %get3A_222 = vector.shape_cast %get3A_221 : vector<1x16xf32> to vector<16xf32>
        %add3A_223 = vector.broadcast %add3A_218 : i32 to vector<16xi32>
        %add3A_224 = arith.addi %broadcast_in_dim3A_3, %add3A_223 : vector<16xi32>
        %gt3A_225 = arith.cmpf ogt, %get3A_222, %select_n3A_193 : vector<16xf32>
        %gt3A_226 = arith.cmpf ogt, %get3A_222, %select_n3A_196 : vector<16xf32>
        %gt3A_227 = arith.cmpf ogt, %get3A_222, %select_n3A_200 : vector<16xf32>
        %gt3A_228 = arith.cmpf ogt, %get3A_222, %select_n3A_204 : vector<16xf32>
        %gt3A_229 = arith.cmpf ogt, %get3A_222, %select_n3A_208 : vector<16xf32>
        %gt3A_230 = arith.cmpf ogt, %get3A_222, %select_n3A_212 : vector<16xf32>
        %select_n3A_231 = arith.select %gt3A_225, %get3A_222, %select_n3A_193 : vector<16xi1>, vector<16xf32>
        %select_n3A_232 = arith.select %gt3A_225, %add3A_224, %select_n3A_194 : vector<16xi1>, vector<16xi32>
        %select_n3A_233 = arith.select %gt3A_226, %get3A_222, %select_n3A_196 : vector<16xi1>, vector<16xf32>
        %select_n3A_234 = arith.select %gt3A_225, %select_n3A_193, %select_n3A_233 : vector<16xi1>, vector<16xf32>
        %select_n3A_235 = arith.select %gt3A_226, %add3A_224, %select_n3A_198 : vector<16xi1>, vector<16xi32>
        %select_n3A_236 = arith.select %gt3A_225, %select_n3A_194, %select_n3A_235 : vector<16xi1>, vector<16xi32>
        %select_n3A_237 = arith.select %gt3A_227, %get3A_222, %select_n3A_200 : vector<16xi1>, vector<16xf32>
        %select_n3A_238 = arith.select %gt3A_226, %select_n3A_196, %select_n3A_237 : vector<16xi1>, vector<16xf32>
        %select_n3A_239 = arith.select %gt3A_227, %add3A_224, %select_n3A_202 : vector<16xi1>, vector<16xi32>
        %select_n3A_240 = arith.select %gt3A_226, %select_n3A_198, %select_n3A_239 : vector<16xi1>, vector<16xi32>
        %select_n3A_241 = arith.select %gt3A_228, %get3A_222, %select_n3A_204 : vector<16xi1>, vector<16xf32>
        %select_n3A_242 = arith.select %gt3A_227, %select_n3A_200, %select_n3A_241 : vector<16xi1>, vector<16xf32>
        %select_n3A_243 = arith.select %gt3A_228, %add3A_224, %select_n3A_206 : vector<16xi1>, vector<16xi32>
        %select_n3A_244 = arith.select %gt3A_227, %select_n3A_202, %select_n3A_243 : vector<16xi1>, vector<16xi32>
        %select_n3A_245 = arith.select %gt3A_229, %get3A_222, %select_n3A_208 : vector<16xi1>, vector<16xf32>
        %select_n3A_246 = arith.select %gt3A_228, %select_n3A_204, %select_n3A_245 : vector<16xi1>, vector<16xf32>
        %select_n3A_247 = arith.select %gt3A_229, %add3A_224, %select_n3A_210 : vector<16xi1>, vector<16xi32>
        %select_n3A_248 = arith.select %gt3A_228, %select_n3A_206, %select_n3A_247 : vector<16xi1>, vector<16xi32>
        %select_n3A_249 = arith.select %gt3A_230, %get3A_222, %select_n3A_212 : vector<16xi1>, vector<16xf32>
        %select_n3A_250 = arith.select %gt3A_229, %select_n3A_208, %select_n3A_249 : vector<16xi1>, vector<16xf32>
        %select_n3A_251 = arith.select %gt3A_230, %add3A_224, %select_n3A_214 : vector<16xi1>, vector<16xi32>
        %select_n3A_252 = arith.select %gt3A_229, %select_n3A_210, %select_n3A_251 : vector<16xi1>, vector<16xi32>
        scf.yield %select_n3A_231, %select_n3A_234, %select_n3A_238, %select_n3A_242, %select_n3A_246, %select_n3A_250, %select_n3A_232, %select_n3A_236, %select_n3A_240, %select_n3A_244, %select_n3A_248, %select_n3A_252 : vector<16xf32>, vector<16xf32>, vector<16xf32>, vector<16xf32>, vector<16xf32>, vector<16xf32>, vector<16xi32>, vector<16xi32>, vector<16xi32>, vector<16xi32>, vector<16xi32>, vector<16xi32>
      }
      %scan3A_19 = arith.constant 16 : i32
      %swap3A = arith.constant 0 : i32
      %swap3A_20 = arith.index_cast %swap3A : i32 to index
      %swap3A_21 = arith.index_cast %mul3A_13 : i32 to index
      %swap3A_22 = tpu.vector_load %arg6[%swap3A_20, %swap3A_21] {strides = array<i32>} : memref<6x256xf32, #tpu.memory_space<vmem>>, vector<1x16xf32>,
      %swap3A_23 = vector.shape_cast %swap3A_22 : vector<1x16xf32> to vector<16xf32>
      %swap3A_24 = vector.shape_cast %scan3A_18#0 : vector<16xf32> to vector<1x16xf32>
      tpu.vector_store %arg6[%swap3A_20, %swap3A_21], %swap3A_24 {strides = array<i32>} : memref<6x256xf32, #tpu.memory_space<vmem>>, vector<1x16xf32>,
      %swap3A_25 = arith.constant 0 : i32
      %swap3A_26 = arith.index_cast %swap3A_25 : i32 to index
      %swap3A_27 = arith.index_cast %mul3A_13 : i32 to index
      %swap3A_28 = tpu.vector_load %arg7[%swap3A_26, %swap3A_27] {strides = array<i32>} : memref<6x256xi32, #tpu.memory_space<vmem>>, vector<1x16xi32>,
      %swap3A_29 = vector.shape_cast %swap3A_28 : vector<1x16xi32> to vector<16xi32>
      %swap3A_30 = vector.shape_cast %scan3A_18#6 : vector<16xi32> to vector<1x16xi32>
      tpu.vector_store %arg7[%swap3A_26, %swap3A_27], %swap3A_30 {strides = array<i32>} : memref<6x256xi32, #tpu.memory_space<vmem>>, vector<1x16xi32>,
      %swap3A_31 = arith.constant 1 : i32
      %swap3A_32 = arith.index_cast %swap3A_31 : i32 to index
      %swap3A_33 = arith.index_cast %mul3A_13 : i32 to index
      %swap3A_34 = tpu.vector_load %arg6[%swap3A_32, %swap3A_33] {strides = array<i32>} : memref<6x256xf32, #tpu.memory_space<vmem>>, vector<1x16xf32>,
      %swap3A_35 = vector.shape_cast %swap3A_34 : vector<1x16xf32> to vector<16xf32>
      %swap3A_36 = vector.shape_cast %scan3A_18#1 : vector<16xf32> to vector<1x16xf32>
      tpu.vector_store %arg6[%swap3A_32, %swap3A_33], %swap3A_36 {strides = array<i32>} : memref<6x256xf32, #tpu.memory_space<vmem>>, vector<1x16xf32>,
      %swap3A_37 = arith.constant 1 : i32
      %swap3A_38 = arith.index_cast %swap3A_37 : i32 to index
      %swap3A_39 = arith.index_cast %mul3A_13 : i32 to index
      %swap3A_40 = tpu.vector_load %arg7[%swap3A_38, %swap3A_39] {strides = array<i32>} : memref<6x256xi32, #tpu.memory_space<vmem>>, vector<1x16xi32>,
      %swap3A_41 = vector.shape_cast %swap3A_40 : vector<1x16xi32> to vector<16xi32>
      %swap3A_42 = vector.shape_cast %scan3A_18#7 : vector<16xi32> to vector<1x16xi32>
      tpu.vector_store %arg7[%swap3A_38, %swap3A_39], %swap3A_42 {strides = array<i32>} : memref<6x256xi32, #tpu.memory_space<vmem>>, vector<1x16xi32>,
      %swap3A_43 = arith.constant 2 : i32
      %swap3A_44 = arith.index_cast %swap3A_43 : i32 to index
      %swap3A_45 = arith.index_cast %mul3A_13 : i32 to index
      %swap3A_46 = tpu.vector_load %arg6[%swap3A_44, %swap3A_45] {strides = array<i32>} : memref<6x256xf32, #tpu.memory_space<vmem>>, vector<1x16xf32>,
      %swap3A_47 = vector.shape_cast %swap3A_46 : vector<1x16xf32> to vector<16xf32>
      %swap3A_48 = vector.shape_cast %scan3A_18#2 : vector<16xf32> to vector<1x16xf32>
      tpu.vector_store %arg6[%swap3A_44, %swap3A_45], %swap3A_48 {strides = array<i32>} : memref<6x256xf32, #tpu.memory_space<vmem>>, vector<1x16xf32>,
      %swap3A_49 = arith.constant 2 : i32
      %swap3A_50 = arith.index_cast %swap3A_49 : i32 to index
      %swap3A_51 = arith.index_cast %mul3A_13 : i32 to index
      %swap3A_52 = tpu.vector_load %arg7[%swap3A_50, %swap3A_51] {strides = array<i32>} : memref<6x256xi32, #tpu.memory_space<vmem>>, vector<1x16xi32>,
      %swap3A_53 = vector.shape_cast %swap3A_52 : vector<1x16xi32> to vector<16xi32>
      %swap3A_54 = vector.shape_cast %scan3A_18#8 : vector<16xi32> to vector<1x16xi32>
      tpu.vector_store %arg7[%swap3A_50, %swap3A_51], %swap3A_54 {strides = array<i32>} : memref<6x256xi32, #tpu.memory_space<vmem>>, vector<1x16xi32>,
      %swap3A_55 = arith.constant 3 : i32
      %swap3A_56 = arith.index_cast %swap3A_55 : i32 to index
      %swap3A_57 = arith.index_cast %mul3A_13 : i32 to index
      %swap3A_58 = tpu.vector_load %arg6[%swap3A_56, %swap3A_57] {strides = array<i32>} : memref<6x256xf32, #tpu.memory_space<vmem>>, vector<1x16xf32>,
      %swap3A_59 = vector.shape_cast %swap3A_58 : vector<1x16xf32> to vector<16xf32>
      %swap3A_60 = vector.shape_cast %scan3A_18#3 : vector<16xf32> to vector<1x16xf32>
      tpu.vector_store %arg6[%swap3A_56, %swap3A_57], %swap3A_60 {strides = array<i32>} : memref<6x256xf32, #tpu.memory_space<vmem>>, vector<1x16xf32>,
      %swap3A_61 = arith.constant 3 : i32
      %swap3A_62 = arith.index_cast %swap3A_61 : i32 to index
      %swap3A_63 = arith.index_cast %mul3A_13 : i32 to index
      %swap3A_64 = tpu.vector_load %arg7[%swap3A_62, %swap3A_63] {strides = array<i32>} : memref<6x256xi32, #tpu.memory_space<vmem>>, vector<1x16xi32>,
      %swap3A_65 = vector.shape_cast %swap3A_64 : vector<1x16xi32> to vector<16xi32>
      %swap3A_66 = vector.shape_cast %scan3A_18#9 : vector<16xi32> to vector<1x16xi32>
      tpu.vector_store %arg7[%swap3A_62, %swap3A_63], %swap3A_66 {strides = array<i32>} : memref<6x256xi32, #tpu.memory_space<vmem>>, vector<1x16xi32>,
      %swap3A_67 = arith.constant 4 : i32
      %swap3A_68 = arith.index_cast %swap3A_67 : i32 to index
      %swap3A_69 = arith.index_cast %mul3A_13 : i32 to index
      %swap3A_70 = tpu.vector_load %arg6[%swap3A_68, %swap3A_69] {strides = array<i32>} : memref<6x256xf32, #tpu.memory_space<vmem>>, vector<1x16xf32>,
      %swap3A_71 = vector.shape_cast %swap3A_70 : vector<1x16xf32> to vector<16xf32>
      %swap3A_72 = vector.shape_cast %scan3A_18#4 : vector<16xf32> to vector<1x16xf32>
      tpu.vector_store %arg6[%swap3A_68, %swap3A_69], %swap3A_72 {strides = array<i32>} : memref<6x256xf32, #tpu.memory_space<vmem>>, vector<1x16xf32>,
      %swap3A_73 = arith.constant 4 : i32
      %swap3A_74 = arith.index_cast %swap3A_73 : i32 to index
      %swap3A_75 = arith.index_cast %mul3A_13 : i32 to index
      %swap3A_76 = tpu.vector_load %arg7[%swap3A_74, %swap3A_75] {strides = array<i32>} : memref<6x256xi32, #tpu.memory_space<vmem>>, vector<1x16xi32>,
      %swap3A_77 = vector.shape_cast %swap3A_76 : vector<1x16xi32> to vector<16xi32>
      %swap3A_78 = vector.shape_cast %scan3A_18#10 : vector<16xi32> to vector<1x16xi32>
      tpu.vector_store %arg7[%swap3A_74, %swap3A_75], %swap3A_78 {strides = array<i32>} : memref<6x256xi32, #tpu.memory_space<vmem>>, vector<1x16xi32>,
      %swap3A_79 = arith.constant 5 : i32
      %swap3A_80 = arith.index_cast %swap3A_79 : i32 to index
      %swap3A_81 = arith.index_cast %mul3A_13 : i32 to index
      %swap3A_82 = tpu.vector_load %arg6[%swap3A_80, %swap3A_81] {strides = array<i32>} : memref<6x256xf32, #tpu.memory_space<vmem>>, vector<1x16xf32>,
      %swap3A_83 = vector.shape_cast %swap3A_82 : vector<1x16xf32> to vector<16xf32>
      %swap3A_84 = vector.shape_cast %scan3A_18#5 : vector<16xf32> to vector<1x16xf32>
      tpu.vector_store %arg6[%swap3A_80, %swap3A_81], %swap3A_84 {strides = array<i32>} : memref<6x256xf32, #tpu.memory_space<vmem>>, vector<1x16xf32>,
      %swap3A_85 = arith.constant 5 : i32
      %swap3A_86 = arith.index_cast %swap3A_85 : i32 to index
      %swap3A_87 = arith.index_cast %mul3A_13 : i32 to index
      %swap3A_88 = tpu.vector_load %arg7[%swap3A_86, %swap3A_87] {strides = array<i32>} : memref<6x256xi32, #tpu.memory_space<vmem>>, vector<1x16xi32>,
      %swap3A_89 = vector.shape_cast %swap3A_88 : vector<1x16xi32> to vector<16xi32>
      %swap3A_90 = vector.shape_cast %scan3A_18#11 : vector<16xi32> to vector<1x16xi32>
      tpu.vector_store %arg7[%swap3A_86, %swap3A_87], %swap3A_90 {strides = array<i32>} : memref<6x256xi32, #tpu.memory_space<vmem>>, vector<1x16xi32>,
    }
    %scan3A_10 = arith.constant 16 : i32
    "tpu.region"() ({
      %run_scoped3A = tpu.sem_alloc : memref<!tpu.dma_semaphore, #tpu.memory_space<semaphore_mem>>
      %dma_start3A = arith.constant 0 : i32
      %dma_start3A_11 = tpu.memref_slice %arg3[%dma_start3A, %mul3A_2] : memref<6x8192xf32, #tpu.memory_space<hbm>> -> memref<6x256xf32, #tpu.memory_space<hbm>>
      %dma_start3A_12 = arith.constant 0 : i32
      %dma_start3A_13 = tpu.memref_slice %arg3[%dma_start3A_12, %mul3A_2] : memref<6x8192xf32, #tpu.memory_space<hbm>> -> memref<6x256xf32, #tpu.memory_space<hbm>>
      tpu.enqueue_dma source(%arg6 : memref<6x256xf32, #tpu.memory_space<vmem>>) target(%dma_start3A_13 : memref<6x256xf32, #tpu.memory_space<hbm>>) target_semaphore(%run_scoped3A : memref<!tpu.dma_semaphore, #tpu.memory_space<semaphore_mem>>)
      %dma_wait3A = arith.constant 0 : i32
      %dma_wait3A_14 = tpu.memref_slice %arg3[%dma_wait3A, %mul3A_2] : memref<6x8192xf32, #tpu.memory_space<hbm>> -> memref<6x256xf32, #tpu.memory_space<hbm>>
      %dma_wait3A_15 = arith.constant 0 : i32
      %dma_wait3A_16 = tpu.memref_slice %arg3[%dma_wait3A_15, %mul3A_2] : memref<6x8192xf32, #tpu.memory_space<hbm>> -> memref<6x256xf32, #tpu.memory_space<hbm>>
      tpu.wait_dma2 semaphore(%run_scoped3A : memref<!tpu.dma_semaphore, #tpu.memory_space<semaphore_mem>>) src(%arg6 : memref<6x256xf32, #tpu.memory_space<vmem>>) dst(%dma_wait3A_16 : memref<6x256xf32, #tpu.memory_space<hbm>>)
      tpu.yield
    }) : () -> ()
    "tpu.region"() ({
      %run_scoped3A = tpu.sem_alloc : memref<!tpu.dma_semaphore, #tpu.memory_space<semaphore_mem>>
      %dma_start3A = arith.constant 0 : i32
      %dma_start3A_11 = tpu.memref_slice %arg4[%dma_start3A, %mul3A_2] : memref<6x8192xi32, #tpu.memory_space<hbm>> -> memref<6x256xi32, #tpu.memory_space<hbm>>
      %dma_start3A_12 = arith.constant 0 : i32
      %dma_start3A_13 = tpu.memref_slice %arg4[%dma_start3A_12, %mul3A_2] : memref<6x8192xi32, #tpu.memory_space<hbm>> -> memref<6x256xi32, #tpu.memory_space<hbm>>
      tpu.enqueue_dma source(%arg7 : memref<6x256xi32, #tpu.memory_space<vmem>>) target(%dma_start3A_13 : memref<6x256xi32, #tpu.memory_space<hbm>>) target_semaphore(%run_scoped3A : memref<!tpu.dma_semaphore, #tpu.memory_space<semaphore_mem>>)
      %dma_wait3A = arith.constant 0 : i32
      %dma_wait3A_14 = tpu.memref_slice %arg4[%dma_wait3A, %mul3A_2] : memref<6x8192xi32, #tpu.memory_space<hbm>> -> memref<6x256xi32, #tpu.memory_space<hbm>>
      %dma_wait3A_15 = arith.constant 0 : i32
      %dma_wait3A_16 = tpu.memref_slice %arg4[%dma_wait3A_15, %mul3A_2] : memref<6x8192xi32, #tpu.memory_space<hbm>> -> memref<6x256xi32, #tpu.memory_space<hbm>>
      tpu.wait_dma2 semaphore(%run_scoped3A : memref<!tpu.dma_semaphore, #tpu.memory_space<semaphore_mem>>) src(%arg7 : memref<6x256xi32, #tpu.memory_space<vmem>>) dst(%dma_wait3A_16 : memref<6x256xi32, #tpu.memory_space<hbm>>)
      tpu.yield
    }) : () -> ()
    return
  }
}

#map = affine_map<(d0, d1) -> (0, 0)>
module attributes {stable_mosaic.version = 14 : i64} {
  func.func @sc_topk(%arg0: i32, %arg1: i32, %arg2: memref<64x8192xf32, #tpu.memory_space<hbm>>, %arg3: memref<6x8192xf32, #tpu.memory_space<hbm>>, %arg4: memref<6x8192xi32, #tpu.memory_space<hbm>>, %arg5: memref<64x256xf32, #tpu.memory_space<vmem>>, %arg6: memref<6x256xf32, #tpu.memory_space<vmem>>, %arg7: memref<6x256xi32, #tpu.memory_space<vmem>>) attributes {dimension_semantics = [#tpu.dimension_semantics<core_parallel>, #tpu.dimension_semantics<subcore_parallel>], iteration_bounds = array<i64: 2, 16>, scalar_prefetch = 0 : i64, scratch_operands = 3 : i64, tpu.core_type = #tpu.core_type<sc_vector_subcore>, window_params = [{transform_indices = #map}, {transform_indices = #map}, {transform_indices = #map}]} {
    %mul3A = arith.constant 2 : i32
    %mul3A_0 = arith.muli %arg1, %mul3A : i32
    %add3A = arith.addi %mul3A_0, %arg0 : i32
    %mul3A_1 = arith.constant 256 : i32
    %mul3A_2 = arith.muli %add3A, %mul3A_1 : i32
    "tpu.region"() ({
      %run_scoped3A = tpu.sem_alloc : memref<!tpu.dma_semaphore, #tpu.memory_space<semaphore_mem>>
      %dma_start3A = arith.constant 0 : i32
      %dma_start3A_11 = tpu.memref_slice %arg2[%dma_start3A, %mul3A_2] : memref<64x8192xf32, #tpu.memory_space<hbm>> -> memref<64x256xf32, #tpu.memory_space<hbm>>
      %dma_start3A_12 = arith.constant 0 : i32
      %dma_start3A_13 = tpu.memref_slice %arg2[%dma_start3A_12, %mul3A_2] : memref<64x8192xf32, #tpu.memory_space<hbm>> -> memref<64x256xf32, #tpu.memory_space<hbm>>
      tpu.enqueue_dma source(%dma_start3A_13 : memref<64x256xf32, #tpu.memory_space<hbm>>) target(%arg5 : memref<64x256xf32, #tpu.memory_space<vmem>>) target_semaphore(%run_scoped3A : memref<!tpu.dma_semaphore, #tpu.memory_space<semaphore_mem>>)
      %dma_wait3A = arith.constant 0 : i32
      %dma_wait3A_14 = tpu.memref_slice %arg2[%dma_wait3A, %mul3A_2] : memref<64x8192xf32, #tpu.memory_space<hbm>> -> memref<64x256xf32, #tpu.memory_space<hbm>>
      %dma_wait3A_15 = arith.constant 0 : i32
      %dma_wait3A_16 = tpu.memref_slice %arg2[%dma_wait3A_15, %mul3A_2] : memref<64x8192xf32, #tpu.memory_space<hbm>> -> memref<64x256xf32, #tpu.memory_space<hbm>>
      tpu.wait_dma2 semaphore(%run_scoped3A : memref<!tpu.dma_semaphore, #tpu.memory_space<semaphore_mem>>) src(%dma_wait3A_16 : memref<64x256xf32, #tpu.memory_space<hbm>>) dst(%arg5 : memref<64x256xf32, #tpu.memory_space<vmem>>)
      tpu.yield
    }) : () -> ()
    %iota3A = tpu.iota {dimensions = array<i32: 0>} : vector<16xi32>
    %broadcast_in_dim3A = arith.constant 0 : i32
    %broadcast_in_dim3A_3 = vector.broadcast %broadcast_in_dim3A : i32 to vector<16xi32>
    %broadcast_in_dim3A_4 = arith.constant -1.000000e+00 : f32
    %broadcast_in_dim3A_5 = vector.broadcast %broadcast_in_dim3A_4 : f32 to vector<16xf32>
    %scan3A = arith.constant 0 : i32
    %scan3A_6 = arith.constant 0 : i32
    %scan3A_7 = arith.constant 16 : i32
    %scan3A_8 = arith.addi %scan3A_6, %scan3A_7 : i32
    %scan3A_9 = arith.constant 1 : i32
    scf.for %scan3A_11 = %scan3A_6 to %scan3A_8 step %scan3A_9  : i32 {
      %mul3A_12 = arith.constant 16 : i32
      %mul3A_13 = arith.muli %scan3A_11, %mul3A_12 : i32
      %scan3A_14 = arith.constant 0 : i32
      %scan3A_15 = arith.constant 16 : i32
      %scan3A_16 = arith.addi %scan3A_14, %scan3A_15 : i32
      %scan3A_17 = arith.constant 1 : i32
      %scan3A_18:12 = scf.for %scan3A_91 = %scan3A_14 to %scan3A_16 step %scan3A_17 iter_args(%scan3A_92 = %broadcast_in_dim3A_5, %scan3A_93 = %broadcast_in_dim3A_5, %scan3A_94 = %broadcast_in_dim3A_5, %scan3A_95 = %broadcast_in_dim3A_5, %scan3A_96 = %broadcast_in_dim3A_5, %scan3A_97 = %broadcast_in_dim3A_5, %scan3A_98 = %broadcast_in_dim3A_3, %scan3A_99 = %broadcast_in_dim3A_3, %scan3A_100 = %broadcast_in_dim3A_3, %scan3A_101 = %broadcast_in_dim3A_3, %scan3A_102 = %broadcast_in_dim3A_3, %scan3A_103 = %broadcast_in_dim3A_3) -> (vector<16xf32>, vector<16xf32>, vector<16xf32>, vector<16xf32>, vector<16xf32>, vector<16xf32>, vector<16xi32>, vector<16xi32>, vector<16xi32>, vector<16xi32>, vector<16xi32>, vector<16xi32>)  : i32 {
        %mul3A_104 = arith.constant 4 : i32
        %mul3A_105 = arith.muli %scan3A_91, %mul3A_104 : i32
        %add3A_106 = arith.constant 0 : i32
        %add3A_107 = arith.addi %mul3A_105, %add3A_106 : i32
        %get3A = arith.index_cast %add3A_107 : i32 to index
        %get3A_108 = arith.index_cast %mul3A_13 : i32 to index
        %get3A_109 = tpu.vector_load %arg5[%get3A, %get3A_108] {strides = array<i32>} : memref<64x256xf32, #tpu.memory_space<vmem>>, vector<1x16xf32>,
        %get3A_110 = vector.shape_cast %get3A_109 : vector<1x16xf32> to vector<16xf32>
        %add3A_111 = vector.broadcast %add3A_107 : i32 to vector<16xi32>
        %add3A_112 = arith.addi %broadcast_in_dim3A_3, %add3A_111 : vector<16xi32>
        %gt3A = arith.cmpf ogt, %get3A_110, %scan3A_92 : vector<16xf32>
        %gt3A_113 = arith.cmpf ogt, %get3A_110, %scan3A_93 : vector<16xf32>
        %gt3A_114 = arith.cmpf ogt, %get3A_110, %scan3A_94 : vector<16xf32>
        %gt3A_115 = arith.cmpf ogt, %get3A_110, %scan3A_95 : vector<16xf32>
        %gt3A_116 = arith.cmpf ogt, %get3A_110, %scan3A_96 : vector<16xf32>
        %gt3A_117 = arith.cmpf ogt, %get3A_110, %scan3A_97 : vector<16xf32>
        %select_n3A = arith.select %gt3A, %get3A_110, %scan3A_92 : vector<16xi1>, vector<16xf32>
        %select_n3A_118 = arith.select %gt3A, %add3A_112, %scan3A_98 : vector<16xi1>, vector<16xi32>
        %select_n3A_119 = arith.select %gt3A_113, %get3A_110, %scan3A_93 : vector<16xi1>, vector<16xf32>
        %select_n3A_120 = arith.select %gt3A, %scan3A_92, %select_n3A_119 : vector<16xi1>, vector<16xf32>
        %select_n3A_121 = arith.select %gt3A_113, %add3A_112, %scan3A_99 : vector<16xi1>, vector<16xi32>
        %select_n3A_122 = arith.select %gt3A, %scan3A_98, %select_n3A_121 : vector<16xi1>, vector<16xi32>
        %select_n3A_123 = arith.select %gt3A_114, %get3A_110, %scan3A_94 : vector<16xi1>, vector<16xf32>
        %select_n3A_124 = arith.select %gt3A_113, %scan3A_93, %select_n3A_123 : vector<16xi1>, vector<16xf32>
        %select_n3A_125 = arith.select %gt3A_114, %add3A_112, %scan3A_100 : vector<16xi1>, vector<16xi32>
        %select_n3A_126 = arith.select %gt3A_113, %scan3A_99, %select_n3A_125 : vector<16xi1>, vector<16xi32>
        %select_n3A_127 = arith.select %gt3A_115, %get3A_110, %scan3A_95 : vector<16xi1>, vector<16xf32>
        %select_n3A_128 = arith.select %gt3A_114, %scan3A_94, %select_n3A_127 : vector<16xi1>, vector<16xf32>
        %select_n3A_129 = arith.select %gt3A_115, %add3A_112, %scan3A_101 : vector<16xi1>, vector<16xi32>
        %select_n3A_130 = arith.select %gt3A_114, %scan3A_100, %select_n3A_129 : vector<16xi1>, vector<16xi32>
        %select_n3A_131 = arith.select %gt3A_116, %get3A_110, %scan3A_96 : vector<16xi1>, vector<16xf32>
        %select_n3A_132 = arith.select %gt3A_115, %scan3A_95, %select_n3A_131 : vector<16xi1>, vector<16xf32>
        %select_n3A_133 = arith.select %gt3A_116, %add3A_112, %scan3A_102 : vector<16xi1>, vector<16xi32>
        %select_n3A_134 = arith.select %gt3A_115, %scan3A_101, %select_n3A_133 : vector<16xi1>, vector<16xi32>
        %select_n3A_135 = arith.select %gt3A_117, %get3A_110, %scan3A_97 : vector<16xi1>, vector<16xf32>
        %select_n3A_136 = arith.select %gt3A_116, %scan3A_96, %select_n3A_135 : vector<16xi1>, vector<16xf32>
        %select_n3A_137 = arith.select %gt3A_117, %add3A_112, %scan3A_103 : vector<16xi1>, vector<16xi32>
        %select_n3A_138 = arith.select %gt3A_116, %scan3A_102, %select_n3A_137 : vector<16xi1>, vector<16xi32>
        %mul3A_139 = arith.constant 4 : i32
        %mul3A_140 = arith.muli %scan3A_91, %mul3A_139 : i32
        %add3A_141 = arith.constant 1 : i32
        %add3A_142 = arith.addi %mul3A_140, %add3A_141 : i32
        %get3A_143 = arith.index_cast %add3A_142 : i32 to index
        %get3A_144 = arith.index_cast %mul3A_13 : i32 to index
        %get3A_145 = tpu.vector_load %arg5[%get3A_143, %get3A_144] {strides = array<i32>} : memref<64x256xf32, #tpu.memory_space<vmem>>, vector<1x16xf32>,
        %get3A_146 = vector.shape_cast %get3A_145 : vector<1x16xf32> to vector<16xf32>
        %add3A_147 = vector.broadcast %add3A_142 : i32 to vector<16xi32>
        %add3A_148 = arith.addi %broadcast_in_dim3A_3, %add3A_147 : vector<16xi32>
        %gt3A_149 = arith.cmpf ogt, %get3A_146, %select_n3A : vector<16xf32>
        %gt3A_150 = arith.cmpf ogt, %get3A_146, %select_n3A_120 : vector<16xf32>
        %gt3A_151 = arith.cmpf ogt, %get3A_146, %select_n3A_124 : vector<16xf32>
        %gt3A_152 = arith.cmpf ogt, %get3A_146, %select_n3A_128 : vector<16xf32>
        %gt3A_153 = arith.cmpf ogt, %get3A_146, %select_n3A_132 : vector<16xf32>
        %gt3A_154 = arith.cmpf ogt, %get3A_146, %select_n3A_136 : vector<16xf32>
        %select_n3A_155 = arith.select %gt3A_149, %get3A_146, %select_n3A : vector<16xi1>, vector<16xf32>
        %select_n3A_156 = arith.select %gt3A_149, %add3A_148, %select_n3A_118 : vector<16xi1>, vector<16xi32>
        %select_n3A_157 = arith.select %gt3A_150, %get3A_146, %select_n3A_120 : vector<16xi1>, vector<16xf32>
        %select_n3A_158 = arith.select %gt3A_149, %select_n3A, %select_n3A_157 : vector<16xi1>, vector<16xf32>
        %select_n3A_159 = arith.select %gt3A_150, %add3A_148, %select_n3A_122 : vector<16xi1>, vector<16xi32>
        %select_n3A_160 = arith.select %gt3A_149, %select_n3A_118, %select_n3A_159 : vector<16xi1>, vector<16xi32>
        %select_n3A_161 = arith.select %gt3A_151, %get3A_146, %select_n3A_124 : vector<16xi1>, vector<16xf32>
        %select_n3A_162 = arith.select %gt3A_150, %select_n3A_120, %select_n3A_161 : vector<16xi1>, vector<16xf32>
        %select_n3A_163 = arith.select %gt3A_151, %add3A_148, %select_n3A_126 : vector<16xi1>, vector<16xi32>
        %select_n3A_164 = arith.select %gt3A_150, %select_n3A_122, %select_n3A_163 : vector<16xi1>, vector<16xi32>
        %select_n3A_165 = arith.select %gt3A_152, %get3A_146, %select_n3A_128 : vector<16xi1>, vector<16xf32>
        %select_n3A_166 = arith.select %gt3A_151, %select_n3A_124, %select_n3A_165 : vector<16xi1>, vector<16xf32>
        %select_n3A_167 = arith.select %gt3A_152, %add3A_148, %select_n3A_130 : vector<16xi1>, vector<16xi32>
        %select_n3A_168 = arith.select %gt3A_151, %select_n3A_126, %select_n3A_167 : vector<16xi1>, vector<16xi32>
        %select_n3A_169 = arith.select %gt3A_153, %get3A_146, %select_n3A_132 : vector<16xi1>, vector<16xf32>
        %select_n3A_170 = arith.select %gt3A_152, %select_n3A_128, %select_n3A_169 : vector<16xi1>, vector<16xf32>
        %select_n3A_171 = arith.select %gt3A_153, %add3A_148, %select_n3A_134 : vector<16xi1>, vector<16xi32>
        %select_n3A_172 = arith.select %gt3A_152, %select_n3A_130, %select_n3A_171 : vector<16xi1>, vector<16xi32>
        %select_n3A_173 = arith.select %gt3A_154, %get3A_146, %select_n3A_136 : vector<16xi1>, vector<16xf32>
        %select_n3A_174 = arith.select %gt3A_153, %select_n3A_132, %select_n3A_173 : vector<16xi1>, vector<16xf32>
        %select_n3A_175 = arith.select %gt3A_154, %add3A_148, %select_n3A_138 : vector<16xi1>, vector<16xi32>
        %select_n3A_176 = arith.select %gt3A_153, %select_n3A_134, %select_n3A_175 : vector<16xi1>, vector<16xi32>
        %mul3A_177 = arith.constant 4 : i32
        %mul3A_178 = arith.muli %scan3A_91, %mul3A_177 : i32
        %add3A_179 = arith.constant 2 : i32
        %add3A_180 = arith.addi %mul3A_178, %add3A_179 : i32
        %get3A_181 = arith.index_cast %add3A_180 : i32 to index
        %get3A_182 = arith.index_cast %mul3A_13 : i32 to index
        %get3A_183 = tpu.vector_load %arg5[%get3A_181, %get3A_182] {strides = array<i32>} : memref<64x256xf32, #tpu.memory_space<vmem>>, vector<1x16xf32>,
        %get3A_184 = vector.shape_cast %get3A_183 : vector<1x16xf32> to vector<16xf32>
        %add3A_185 = vector.broadcast %add3A_180 : i32 to vector<16xi32>
        %add3A_186 = arith.addi %broadcast_in_dim3A_3, %add3A_185 : vector<16xi32>
        %gt3A_187 = arith.cmpf ogt, %get3A_184, %select_n3A_155 : vector<16xf32>
        %gt3A_188 = arith.cmpf ogt, %get3A_184, %select_n3A_158 : vector<16xf32>
        %gt3A_189 = arith.cmpf ogt, %get3A_184, %select_n3A_162 : vector<16xf32>
        %gt3A_190 = arith.cmpf ogt, %get3A_184, %select_n3A_166 : vector<16xf32>
        %gt3A_191 = arith.cmpf ogt, %get3A_184, %select_n3A_170 : vector<16xf32>
        %gt3A_192 = arith.cmpf ogt, %get3A_184, %select_n3A_174 : vector<16xf32>
        %select_n3A_193 = arith.select %gt3A_187, %get3A_184, %select_n3A_155 : vector<16xi1>, vector<16xf32>
        %select_n3A_194 = arith.select %gt3A_187, %add3A_186, %select_n3A_156 : vector<16xi1>, vector<16xi32>
        %select_n3A_195 = arith.select %gt3A_188, %get3A_184, %select_n3A_158 : vector<16xi1>, vector<16xf32>
        %select_n3A_196 = arith.select %gt3A_187, %select_n3A_155, %select_n3A_195 : vector<16xi1>, vector<16xf32>
        %select_n3A_197 = arith.select %gt3A_188, %add3A_186, %select_n3A_160 : vector<16xi1>, vector<16xi32>
        %select_n3A_198 = arith.select %gt3A_187, %select_n3A_156, %select_n3A_197 : vector<16xi1>, vector<16xi32>
        %select_n3A_199 = arith.select %gt3A_189, %get3A_184, %select_n3A_162 : vector<16xi1>, vector<16xf32>
        %select_n3A_200 = arith.select %gt3A_188, %select_n3A_158, %select_n3A_199 : vector<16xi1>, vector<16xf32>
        %select_n3A_201 = arith.select %gt3A_189, %add3A_186, %select_n3A_164 : vector<16xi1>, vector<16xi32>
        %select_n3A_202 = arith.select %gt3A_188, %select_n3A_160, %select_n3A_201 : vector<16xi1>, vector<16xi32>
        %select_n3A_203 = arith.select %gt3A_190, %get3A_184, %select_n3A_166 : vector<16xi1>, vector<16xf32>
        %select_n3A_204 = arith.select %gt3A_189, %select_n3A_162, %select_n3A_203 : vector<16xi1>, vector<16xf32>
        %select_n3A_205 = arith.select %gt3A_190, %add3A_186, %select_n3A_168 : vector<16xi1>, vector<16xi32>
        %select_n3A_206 = arith.select %gt3A_189, %select_n3A_164, %select_n3A_205 : vector<16xi1>, vector<16xi32>
        %select_n3A_207 = arith.select %gt3A_191, %get3A_184, %select_n3A_170 : vector<16xi1>, vector<16xf32>
        %select_n3A_208 = arith.select %gt3A_190, %select_n3A_166, %select_n3A_207 : vector<16xi1>, vector<16xf32>
        %select_n3A_209 = arith.select %gt3A_191, %add3A_186, %select_n3A_172 : vector<16xi1>, vector<16xi32>
        %select_n3A_210 = arith.select %gt3A_190, %select_n3A_168, %select_n3A_209 : vector<16xi1>, vector<16xi32>
        %select_n3A_211 = arith.select %gt3A_192, %get3A_184, %select_n3A_174 : vector<16xi1>, vector<16xf32>
        %select_n3A_212 = arith.select %gt3A_191, %select_n3A_170, %select_n3A_211 : vector<16xi1>, vector<16xf32>
        %select_n3A_213 = arith.select %gt3A_192, %add3A_186, %select_n3A_176 : vector<16xi1>, vector<16xi32>
        %select_n3A_214 = arith.select %gt3A_191, %select_n3A_172, %select_n3A_213 : vector<16xi1>, vector<16xi32>
        %mul3A_215 = arith.constant 4 : i32
        %mul3A_216 = arith.muli %scan3A_91, %mul3A_215 : i32
        %add3A_217 = arith.constant 3 : i32
        %add3A_218 = arith.addi %mul3A_216, %add3A_217 : i32
        %get3A_219 = arith.index_cast %add3A_218 : i32 to index
        %get3A_220 = arith.index_cast %mul3A_13 : i32 to index
        %get3A_221 = tpu.vector_load %arg5[%get3A_219, %get3A_220] {strides = array<i32>} : memref<64x256xf32, #tpu.memory_space<vmem>>, vector<1x16xf32>,
        %get3A_222 = vector.shape_cast %get3A_221 : vector<1x16xf32> to vector<16xf32>
        %add3A_223 = vector.broadcast %add3A_218 : i32 to vector<16xi32>
        %add3A_224 = arith.addi %broadcast_in_dim3A_3, %add3A_223 : vector<16xi32>
        %gt3A_225 = arith.cmpf ogt, %get3A_222, %select_n3A_193 : vector<16xf32>
        %gt3A_226 = arith.cmpf ogt, %get3A_222, %select_n3A_196 : vector<16xf32>
        %gt3A_227 = arith.cmpf ogt, %get3A_222, %select_n3A_200 : vector<16xf32>
        %gt3A_228 = arith.cmpf ogt, %get3A_222, %select_n3A_204 : vector<16xf32>
        %gt3A_229 = arith.cmpf ogt, %get3A_222, %select_n3A_208 : vector<16xf32>
        %gt3A_230 = arith.cmpf ogt, %get3A_222, %select_n3A_212 : vector<16xf32>
        %select_n3A_231 = arith.select %gt3A_225, %get3A_222, %select_n3A_193 : vector<16xi1>, vector<16xf32>
        %select_n3A_232 = arith.select %gt3A_225, %add3A_224, %select_n3A_194 : vector<16xi1>, vector<16xi32>
        %select_n3A_233 = arith.select %gt3A_226, %get3A_222, %select_n3A_196 : vector<16xi1>, vector<16xf32>
        %select_n3A_234 = arith.select %gt3A_225, %select_n3A_193, %select_n3A_233 : vector<16xi1>, vector<16xf32>
        %select_n3A_235 = arith.select %gt3A_226, %add3A_224, %select_n3A_198 : vector<16xi1>, vector<16xi32>
        %select_n3A_236 = arith.select %gt3A_225, %select_n3A_194, %select_n3A_235 : vector<16xi1>, vector<16xi32>
        %select_n3A_237 = arith.select %gt3A_227, %get3A_222, %select_n3A_200 : vector<16xi1>, vector<16xf32>
        %select_n3A_238 = arith.select %gt3A_226, %select_n3A_196, %select_n3A_237 : vector<16xi1>, vector<16xf32>
        %select_n3A_239 = arith.select %gt3A_227, %add3A_224, %select_n3A_202 : vector<16xi1>, vector<16xi32>
        %select_n3A_240 = arith.select %gt3A_226, %select_n3A_198, %select_n3A_239 : vector<16xi1>, vector<16xi32>
        %select_n3A_241 = arith.select %gt3A_228, %get3A_222, %select_n3A_204 : vector<16xi1>, vector<16xf32>
        %select_n3A_242 = arith.select %gt3A_227, %select_n3A_200, %select_n3A_241 : vector<16xi1>, vector<16xf32>
        %select_n3A_243 = arith.select %gt3A_228, %add3A_224, %select_n3A_206 : vector<16xi1>, vector<16xi32>
        %select_n3A_244 = arith.select %gt3A_227, %select_n3A_202, %select_n3A_243 : vector<16xi1>, vector<16xi32>
        %select_n3A_245 = arith.select %gt3A_229, %get3A_222, %select_n3A_208 : vector<16xi1>, vector<16xf32>
        %select_n3A_246 = arith.select %gt3A_228, %select_n3A_204, %select_n3A_245 : vector<16xi1>, vector<16xf32>
        %select_n3A_247 = arith.select %gt3A_229, %add3A_224, %select_n3A_210 : vector<16xi1>, vector<16xi32>
        %select_n3A_248 = arith.select %gt3A_228, %select_n3A_206, %select_n3A_247 : vector<16xi1>, vector<16xi32>
        %select_n3A_249 = arith.select %gt3A_230, %get3A_222, %select_n3A_212 : vector<16xi1>, vector<16xf32>
        %select_n3A_250 = arith.select %gt3A_229, %select_n3A_208, %select_n3A_249 : vector<16xi1>, vector<16xf32>
        %select_n3A_251 = arith.select %gt3A_230, %add3A_224, %select_n3A_214 : vector<16xi1>, vector<16xi32>
        %select_n3A_252 = arith.select %gt3A_229, %select_n3A_210, %select_n3A_251 : vector<16xi1>, vector<16xi32>
        scf.yield %select_n3A_231, %select_n3A_234, %select_n3A_238, %select_n3A_242, %select_n3A_246, %select_n3A_250, %select_n3A_232, %select_n3A_236, %select_n3A_240, %select_n3A_244, %select_n3A_248, %select_n3A_252 : vector<16xf32>, vector<16xf32>, vector<16xf32>, vector<16xf32>, vector<16xf32>, vector<16xf32>, vector<16xi32>, vector<16xi32>, vector<16xi32>, vector<16xi32>, vector<16xi32>, vector<16xi32>
      }
      %scan3A_19 = arith.constant 16 : i32
      %swap3A = arith.constant 0 : i32
      %swap3A_20 = arith.index_cast %swap3A : i32 to index
      %swap3A_21 = arith.index_cast %mul3A_13 : i32 to index
      %swap3A_22 = tpu.vector_load %arg6[%swap3A_20, %swap3A_21] {strides = array<i32>} : memref<6x256xf32, #tpu.memory_space<vmem>>, vector<1x16xf32>,
      %swap3A_23 = vector.shape_cast %swap3A_22 : vector<1x16xf32> to vector<16xf32>
      %swap3A_24 = vector.shape_cast %scan3A_18#0 : vector<16xf32> to vector<1x16xf32>
      tpu.vector_store %arg6[%swap3A_20, %swap3A_21], %swap3A_24 {strides = array<i32>} : memref<6x256xf32, #tpu.memory_space<vmem>>, vector<1x16xf32>,
      %swap3A_25 = arith.constant 0 : i32
      %swap3A_26 = arith.index_cast %swap3A_25 : i32 to index
      %swap3A_27 = arith.index_cast %mul3A_13 : i32 to index
      %swap3A_28 = tpu.vector_load %arg7[%swap3A_26, %swap3A_27] {strides = array<i32>} : memref<6x256xi32, #tpu.memory_space<vmem>>, vector<1x16xi32>,
      %swap3A_29 = vector.shape_cast %swap3A_28 : vector<1x16xi32> to vector<16xi32>
      %swap3A_30 = vector.shape_cast %scan3A_18#6 : vector<16xi32> to vector<1x16xi32>
      tpu.vector_store %arg7[%swap3A_26, %swap3A_27], %swap3A_30 {strides = array<i32>} : memref<6x256xi32, #tpu.memory_space<vmem>>, vector<1x16xi32>,
      %swap3A_31 = arith.constant 1 : i32
      %swap3A_32 = arith.index_cast %swap3A_31 : i32 to index
      %swap3A_33 = arith.index_cast %mul3A_13 : i32 to index
      %swap3A_34 = tpu.vector_load %arg6[%swap3A_32, %swap3A_33] {strides = array<i32>} : memref<6x256xf32, #tpu.memory_space<vmem>>, vector<1x16xf32>,
      %swap3A_35 = vector.shape_cast %swap3A_34 : vector<1x16xf32> to vector<16xf32>
      %swap3A_36 = vector.shape_cast %scan3A_18#1 : vector<16xf32> to vector<1x16xf32>
      tpu.vector_store %arg6[%swap3A_32, %swap3A_33], %swap3A_36 {strides = array<i32>} : memref<6x256xf32, #tpu.memory_space<vmem>>, vector<1x16xf32>,
      %swap3A_37 = arith.constant 1 : i32
      %swap3A_38 = arith.index_cast %swap3A_37 : i32 to index
      %swap3A_39 = arith.index_cast %mul3A_13 : i32 to index
      %swap3A_40 = tpu.vector_load %arg7[%swap3A_38, %swap3A_39] {strides = array<i32>} : memref<6x256xi32, #tpu.memory_space<vmem>>, vector<1x16xi32>,
      %swap3A_41 = vector.shape_cast %swap3A_40 : vector<1x16xi32> to vector<16xi32>
      %swap3A_42 = vector.shape_cast %scan3A_18#7 : vector<16xi32> to vector<1x16xi32>
      tpu.vector_store %arg7[%swap3A_38, %swap3A_39], %swap3A_42 {strides = array<i32>} : memref<6x256xi32, #tpu.memory_space<vmem>>, vector<1x16xi32>,
      %swap3A_43 = arith.constant 2 : i32
      %swap3A_44 = arith.index_cast %swap3A_43 : i32 to index
      %swap3A_45 = arith.index_cast %mul3A_13 : i32 to index
      %swap3A_46 = tpu.vector_load %arg6[%swap3A_44, %swap3A_45] {strides = array<i32>} : memref<6x256xf32, #tpu.memory_space<vmem>>, vector<1x16xf32>,
      %swap3A_47 = vector.shape_cast %swap3A_46 : vector<1x16xf32> to vector<16xf32>
      %swap3A_48 = vector.shape_cast %scan3A_18#2 : vector<16xf32> to vector<1x16xf32>
      tpu.vector_store %arg6[%swap3A_44, %swap3A_45], %swap3A_48 {strides = array<i32>} : memref<6x256xf32, #tpu.memory_space<vmem>>, vector<1x16xf32>,
      %swap3A_49 = arith.constant 2 : i32
      %swap3A_50 = arith.index_cast %swap3A_49 : i32 to index
      %swap3A_51 = arith.index_cast %mul3A_13 : i32 to index
      %swap3A_52 = tpu.vector_load %arg7[%swap3A_50, %swap3A_51] {strides = array<i32>} : memref<6x256xi32, #tpu.memory_space<vmem>>, vector<1x16xi32>,
      %swap3A_53 = vector.shape_cast %swap3A_52 : vector<1x16xi32> to vector<16xi32>
      %swap3A_54 = vector.shape_cast %scan3A_18#8 : vector<16xi32> to vector<1x16xi32>
      tpu.vector_store %arg7[%swap3A_50, %swap3A_51], %swap3A_54 {strides = array<i32>} : memref<6x256xi32, #tpu.memory_space<vmem>>, vector<1x16xi32>,
      %swap3A_55 = arith.constant 3 : i32
      %swap3A_56 = arith.index_cast %swap3A_55 : i32 to index
      %swap3A_57 = arith.index_cast %mul3A_13 : i32 to index
      %swap3A_58 = tpu.vector_load %arg6[%swap3A_56, %swap3A_57] {strides = array<i32>} : memref<6x256xf32, #tpu.memory_space<vmem>>, vector<1x16xf32>,
      %swap3A_59 = vector.shape_cast %swap3A_58 : vector<1x16xf32> to vector<16xf32>
      %swap3A_60 = vector.shape_cast %scan3A_18#3 : vector<16xf32> to vector<1x16xf32>
      tpu.vector_store %arg6[%swap3A_56, %swap3A_57], %swap3A_60 {strides = array<i32>} : memref<6x256xf32, #tpu.memory_space<vmem>>, vector<1x16xf32>,
      %swap3A_61 = arith.constant 3 : i32
      %swap3A_62 = arith.index_cast %swap3A_61 : i32 to index
      %swap3A_63 = arith.index_cast %mul3A_13 : i32 to index
      %swap3A_64 = tpu.vector_load %arg7[%swap3A_62, %swap3A_63] {strides = array<i32>} : memref<6x256xi32, #tpu.memory_space<vmem>>, vector<1x16xi32>,
      %swap3A_65 = vector.shape_cast %swap3A_64 : vector<1x16xi32> to vector<16xi32>
      %swap3A_66 = vector.shape_cast %scan3A_18#9 : vector<16xi32> to vector<1x16xi32>
      tpu.vector_store %arg7[%swap3A_62, %swap3A_63], %swap3A_66 {strides = array<i32>} : memref<6x256xi32, #tpu.memory_space<vmem>>, vector<1x16xi32>,
      %swap3A_67 = arith.constant 4 : i32
      %swap3A_68 = arith.index_cast %swap3A_67 : i32 to index
      %swap3A_69 = arith.index_cast %mul3A_13 : i32 to index
      %swap3A_70 = tpu.vector_load %arg6[%swap3A_68, %swap3A_69] {strides = array<i32>} : memref<6x256xf32, #tpu.memory_space<vmem>>, vector<1x16xf32>,
      %swap3A_71 = vector.shape_cast %swap3A_70 : vector<1x16xf32> to vector<16xf32>
      %swap3A_72 = vector.shape_cast %scan3A_18#4 : vector<16xf32> to vector<1x16xf32>
      tpu.vector_store %arg6[%swap3A_68, %swap3A_69], %swap3A_72 {strides = array<i32>} : memref<6x256xf32, #tpu.memory_space<vmem>>, vector<1x16xf32>,
      %swap3A_73 = arith.constant 4 : i32
      %swap3A_74 = arith.index_cast %swap3A_73 : i32 to index
      %swap3A_75 = arith.index_cast %mul3A_13 : i32 to index
      %swap3A_76 = tpu.vector_load %arg7[%swap3A_74, %swap3A_75] {strides = array<i32>} : memref<6x256xi32, #tpu.memory_space<vmem>>, vector<1x16xi32>,
      %swap3A_77 = vector.shape_cast %swap3A_76 : vector<1x16xi32> to vector<16xi32>
      %swap3A_78 = vector.shape_cast %scan3A_18#10 : vector<16xi32> to vector<1x16xi32>
      tpu.vector_store %arg7[%swap3A_74, %swap3A_75], %swap3A_78 {strides = array<i32>} : memref<6x256xi32, #tpu.memory_space<vmem>>, vector<1x16xi32>,
      %swap3A_79 = arith.constant 5 : i32
      %swap3A_80 = arith.index_cast %swap3A_79 : i32 to index
      %swap3A_81 = arith.index_cast %mul3A_13 : i32 to index
      %swap3A_82 = tpu.vector_load %arg6[%swap3A_80, %swap3A_81] {strides = array<i32>} : memref<6x256xf32, #tpu.memory_space<vmem>>, vector<1x16xf32>,
      %swap3A_83 = vector.shape_cast %swap3A_82 : vector<1x16xf32> to vector<16xf32>
      %swap3A_84 = vector.shape_cast %scan3A_18#5 : vector<16xf32> to vector<1x16xf32>
      tpu.vector_store %arg6[%swap3A_80, %swap3A_81], %swap3A_84 {strides = array<i32>} : memref<6x256xf32, #tpu.memory_space<vmem>>, vector<1x16xf32>,
      %swap3A_85 = arith.constant 5 : i32
      %swap3A_86 = arith.index_cast %swap3A_85 : i32 to index
      %swap3A_87 = arith.index_cast %mul3A_13 : i32 to index
      %swap3A_88 = tpu.vector_load %arg7[%swap3A_86, %swap3A_87] {strides = array<i32>} : memref<6x256xi32, #tpu.memory_space<vmem>>, vector<1x16xi32>,
      %swap3A_89 = vector.shape_cast %swap3A_88 : vector<1x16xi32> to vector<16xi32>
      %swap3A_90 = vector.shape_cast %scan3A_18#11 : vector<16xi32> to vector<1x16xi32>
      tpu.vector_store %arg7[%swap3A_86, %swap3A_87], %swap3A_90 {strides = array<i32>} : memref<6x256xi32, #tpu.memory_space<vmem>>, vector<1x16xi32>,
    }
    %scan3A_10 = arith.constant 16 : i32
    "tpu.region"() ({
      %run_scoped3A = tpu.sem_alloc : memref<!tpu.dma_semaphore, #tpu.memory_space<semaphore_mem>>
      %dma_start3A = arith.constant 0 : i32
      %dma_start3A_11 = tpu.memref_slice %arg3[%dma_start3A, %mul3A_2] : memref<6x8192xf32, #tpu.memory_space<hbm>> -> memref<6x256xf32, #tpu.memory_space<hbm>>
      %dma_start3A_12 = arith.constant 0 : i32
      %dma_start3A_13 = tpu.memref_slice %arg3[%dma_start3A_12, %mul3A_2] : memref<6x8192xf32, #tpu.memory_space<hbm>> -> memref<6x256xf32, #tpu.memory_space<hbm>>
      tpu.enqueue_dma source(%arg6 : memref<6x256xf32, #tpu.memory_space<vmem>>) target(%dma_start3A_13 : memref<6x256xf32, #tpu.memory_space<hbm>>) target_semaphore(%run_scoped3A : memref<!tpu.dma_semaphore, #tpu.memory_space<semaphore_mem>>)
      %dma_wait3A = arith.constant 0 : i32
      %dma_wait3A_14 = tpu.memref_slice %arg3[%dma_wait3A, %mul3A_2] : memref<6x8192xf32, #tpu.memory_space<hbm>> -> memref<6x256xf32, #tpu.memory_space<hbm>>
      %dma_wait3A_15 = arith.constant 0 : i32
      %dma_wait3A_16 = tpu.memref_slice %arg3[%dma_wait3A_15, %mul3A_2] : memref<6x8192xf32, #tpu.memory_space<hbm>> -> memref<6x256xf32, #tpu.memory_space<hbm>>
      tpu.wait_dma2 semaphore(%run_scoped3A : memref<!tpu.dma_semaphore, #tpu.memory_space<semaphore_mem>>) src(%arg6 : memref<6x256xf32, #tpu.memory_space<vmem>>) dst(%dma_wait3A_16 : memref<6x256xf32, #tpu.memory_space<hbm>>)
      tpu.yield
    }) : () -> ()
    "tpu.region"() ({
      %run_scoped3A = tpu.sem_alloc : memref<!tpu.dma_semaphore, #tpu.memory_space<semaphore_mem>>
      %dma_start3A = arith.constant 0 : i32
      %dma_start3A_11 = tpu.memref_slice %arg4[%dma_start3A, %mul3A_2] : memref<6x8192xi32, #tpu.memory_space<hbm>> -> memref<6x256xi32, #tpu.memory_space<hbm>>
      %dma_start3A_12 = arith.constant 0 : i32
      %dma_start3A_13 = tpu.memref_slice %arg4[%dma_start3A_12, %mul3A_2] : memref<6x8192xi32, #tpu.memory_space<hbm>> -> memref<6x256xi32, #tpu.memory_space<hbm>>
      tpu.enqueue_dma source(%arg7 : memref<6x256xi32, #tpu.memory_space<vmem>>) target(%dma_start3A_13 : memref<6x256xi32, #tpu.memory_space<hbm>>) target_semaphore(%run_scoped3A : memref<!tpu.dma_semaphore, #tpu.memory_space<semaphore_mem>>)
      %dma_wait3A = arith.constant 0 : i32
      %dma_wait3A_14 = tpu.memref_slice %arg4[%dma_wait3A, %mul3A_2] : memref<6x8192xi32, #tpu.memory_space<hbm>> -> memref<6x256xi32, #tpu.memory_space<hbm>>
      %dma_wait3A_15 = arith.constant 0 : i32
      %dma_wait3A_16 = tpu.memref_slice %arg4[%dma_wait3A_15, %mul3A_2] : memref<6x8192xi32, #tpu.memory_space<hbm>> -> memref<6x256xi32, #tpu.memory_space<hbm>>
      tpu.wait_dma2 semaphore(%run_scoped3A : memref<!tpu.dma_semaphore, #tpu.memory_space<semaphore_mem>>) src(%arg7 : memref<6x256xi32, #tpu.memory_space<vmem>>) dst(%dma_wait3A_16 : memref<6x256xi32, #tpu.memory_space<hbm>>)
      tpu.yield
    }) : () -> ()
    return
  }
}

module attributes {stable_mosaic.version = 14 : i64} {
  func.func @_probs_kernel(%arg0: i32, %arg1: memref<1024x2048xf32, #tpu.memory_space<vmem>>, %arg2: memref<64x2048xf32, #tpu.memory_space<vmem>>, %arg3: memref<64x1024xf32, #tpu.memory_space<vmem>>) attributes {dimension_semantics = [#tpu.dimension_semantics<arbitrary>], iteration_bounds = array<i64: 8>, scalar_prefetch = 0 : i64, scratch_operands = 0 : i64, tpu.core_type = #tpu.core_type<tc>, window_params = [{transform_indices = @transform_0, window_bounds = array<i64: 1024, 2048>}, {pipeline_mode = #tpu.pipeline_mode<synchronous>, transform_indices = @transform_1, window_bounds = array<i64: 64, 2048>}, {transform_indices = @transform_2, window_bounds = array<i64: 64, 1024>}]} {
    %get3A = arith.constant 0 : index
    %get3A_0 = arith.constant 0 : index
    %get3A_1 = vector.load %arg1[%get3A, %get3A_0] : memref<1024x2048xf32, #tpu.memory_space<vmem>>, vector<1024x2048xf32>
    %get3A_2 = arith.constant 0 : index
    %get3A_3 = arith.constant 0 : index
    %get3A_4 = vector.load %arg2[%get3A_2, %get3A_3] : memref<64x2048xf32, #tpu.memory_space<vmem>>, vector<64x2048xf32>
    %dot_general3A = arith.constant dense<0.000000e+00> : vector<64x1024xf32>
    %dot_general3A_5 = tpu.matmul %get3A_4, %get3A_1, %dot_general3A {dimension_numbers = #tpu.dot_dimension_numbers<[1], [1], [0], [0], [0, 0, 1, 0], [], []>, transpose_lhs_hint = false} : vector<64x2048xf32>, vector<1024x2048xf32>, vector<64x1024xf32> -> vector<64x1024xf32>
    %reduce_max3A = arith.constant dense<0xFF800000> : vector<1024xf32>
    %reduce_max3A_6 = vector.multi_reduction <maximumf>, %dot_general3A_5, %reduce_max3A [0] : vector<64x1024xf32> to vector<1024xf32>
    %broadcast_in_dim3A = vector.shape_cast %reduce_max3A_6 : vector<1024xf32> to vector<1x1024xf32>
    %sub3A = vector.broadcast %broadcast_in_dim3A : vector<1x1024xf32> to vector<64x1024xf32>
    %sub3A_7 = arith.subf %dot_general3A_5, %sub3A : vector<64x1024xf32>
    %exp3A = math.exp %sub3A_7 : vector<64x1024xf32>
    %reduce_sum3A = arith.constant dense<0.000000e+00> : vector<1024xf32>
    %reduce_sum3A_8 = vector.multi_reduction <add>, %exp3A, %reduce_sum3A [0] : vector<64x1024xf32> to vector<1024xf32>
    %broadcast_in_dim3A_9 = vector.shape_cast %reduce_sum3A_8 : vector<1024xf32> to vector<1x1024xf32>
    %div3A = vector.broadcast %broadcast_in_dim3A_9 : vector<1x1024xf32> to vector<64x1024xf32>
    %div3A_10 = arith.divf %exp3A, %div3A : vector<64x1024xf32>
    %swap3A = arith.constant 0 : index
    %swap3A_11 = arith.constant 0 : index
    %swap3A_12 = vector.load %arg3[%swap3A, %swap3A_11] : memref<64x1024xf32, #tpu.memory_space<vmem>>, vector<64x1024xf32>
    tpu.vector_store %arg3[%swap3A, %swap3A_11], %div3A_10 {strides = array<i32>} : memref<64x1024xf32, #tpu.memory_space<vmem>>, vector<64x1024xf32>,
    return
  }
  func.func @transform_0(%arg0: i32) -> (i32, i32) {
    %add3A = arith.constant 24 : i32
    %add3A_0 = arith.addi %add3A, %arg0 : i32
    %c0_i32 = arith.constant 0 : i32
    %c0_i32_1 = arith.constant 0 : i32
    return %add3A_0, %c0_i32 : i32, i32
  }
  func.func @transform_1(%arg0: i32) -> (i32, i32) {
    %c0_i32 = arith.constant 0 : i32
    %c0_i32_0 = arith.constant 0 : i32
    %c0_i32_1 = arith.constant 0 : i32
    return %c0_i32, %c0_i32_0 : i32, i32
  }
  func.func @transform_2(%arg0: i32) -> (i32, i32) {
    %c0_i32 = arith.constant 0 : i32
    %c0_i32_0 = arith.constant 0 : i32
    return %c0_i32, %arg0 : i32, i32
  }
}

module attributes {stable_mosaic.version = 14 : i64} {
  func.func @_probs_kernel(%arg0: i32, %arg1: memref<1024x2048xf32, #tpu.memory_space<vmem>>, %arg2: memref<64x2048xf32, #tpu.memory_space<vmem>>, %arg3: memref<64x1024xf32, #tpu.memory_space<vmem>>) attributes {dimension_semantics = [#tpu.dimension_semantics<arbitrary>], iteration_bounds = array<i64: 8>, scalar_prefetch = 0 : i64, scratch_operands = 0 : i64, tpu.core_type = #tpu.core_type<tc>, window_params = [{transform_indices = @transform_0, window_bounds = array<i64: 1024, 2048>}, {pipeline_mode = #tpu.pipeline_mode<synchronous>, transform_indices = @transform_1, window_bounds = array<i64: 64, 2048>}, {transform_indices = @transform_2, window_bounds = array<i64: 64, 1024>}]} {
    %get3A = arith.constant 0 : index
    %get3A_0 = arith.constant 0 : index
    %get3A_1 = vector.load %arg1[%get3A, %get3A_0] : memref<1024x2048xf32, #tpu.memory_space<vmem>>, vector<1024x2048xf32>
    %get3A_2 = arith.constant 0 : index
    %get3A_3 = arith.constant 0 : index
    %get3A_4 = vector.load %arg2[%get3A_2, %get3A_3] : memref<64x2048xf32, #tpu.memory_space<vmem>>, vector<64x2048xf32>
    %dot_general3A = arith.constant dense<0.000000e+00> : vector<64x1024xf32>
    %dot_general3A_5 = tpu.matmul %get3A_4, %get3A_1, %dot_general3A {dimension_numbers = #tpu.dot_dimension_numbers<[1], [1], [0], [0], [0, 0, 1, 0], [], []>, transpose_lhs_hint = false} : vector<64x2048xf32>, vector<1024x2048xf32>, vector<64x1024xf32> -> vector<64x1024xf32>
    %reduce_max3A = arith.constant dense<0xFF800000> : vector<1024xf32>
    %reduce_max3A_6 = vector.multi_reduction <maximumf>, %dot_general3A_5, %reduce_max3A [0] : vector<64x1024xf32> to vector<1024xf32>
    %broadcast_in_dim3A = vector.shape_cast %reduce_max3A_6 : vector<1024xf32> to vector<1x1024xf32>
    %sub3A = vector.broadcast %broadcast_in_dim3A : vector<1x1024xf32> to vector<64x1024xf32>
    %sub3A_7 = arith.subf %dot_general3A_5, %sub3A : vector<64x1024xf32>
    %exp3A = math.exp %sub3A_7 : vector<64x1024xf32>
    %reduce_sum3A = arith.constant dense<0.000000e+00> : vector<1024xf32>
    %reduce_sum3A_8 = vector.multi_reduction <add>, %exp3A, %reduce_sum3A [0] : vector<64x1024xf32> to vector<1024xf32>
    %broadcast_in_dim3A_9 = vector.shape_cast %reduce_sum3A_8 : vector<1024xf32> to vector<1x1024xf32>
    %div3A = vector.broadcast %broadcast_in_dim3A_9 : vector<1x1024xf32> to vector<64x1024xf32>
    %div3A_10 = arith.divf %exp3A, %div3A : vector<64x1024xf32>
    %swap3A = arith.constant 0 : index
    %swap3A_11 = arith.constant 0 : index
    %swap3A_12 = vector.load %arg3[%swap3A, %swap3A_11] : memref<64x1024xf32, #tpu.memory_space<vmem>>, vector<64x1024xf32>
    tpu.vector_store %arg3[%swap3A, %swap3A_11], %div3A_10 {strides = array<i32>} : memref<64x1024xf32, #tpu.memory_space<vmem>>, vector<64x1024xf32>,
    return
  }
  func.func @transform_0(%arg0: i32) -> (i32, i32) {
    %add3A = arith.constant 8 : i32
    %add3A_0 = arith.addi %add3A, %arg0 : i32
    %c0_i32 = arith.constant 0 : i32
    %c0_i32_1 = arith.constant 0 : i32
    return %add3A_0, %c0_i32 : i32, i32
  }
  func.func @transform_1(%arg0: i32) -> (i32, i32) {
    %c0_i32 = arith.constant 0 : i32
    %c0_i32_0 = arith.constant 0 : i32
    %c0_i32_1 = arith.constant 0 : i32
    return %c0_i32, %c0_i32_0 : i32, i32
  }
  func.func @transform_2(%arg0: i32) -> (i32, i32) {
    %c0_i32 = arith.constant 0 : i32
    %c0_i32_0 = arith.constant 0 : i32
    return %c0_i32, %arg0 : i32, i32
  }
}

module attributes {stable_mosaic.version = 14 : i64} {
  func.func @_probs_kernel(%arg0: i32, %arg1: memref<1024x2048xf32, #tpu.memory_space<vmem>>, %arg2: memref<64x2048xf32, #tpu.memory_space<vmem>>, %arg3: memref<64x1024xf32, #tpu.memory_space<vmem>>) attributes {dimension_semantics = [#tpu.dimension_semantics<arbitrary>], iteration_bounds = array<i64: 8>, scalar_prefetch = 0 : i64, scratch_operands = 0 : i64, tpu.core_type = #tpu.core_type<tc>, window_params = [{transform_indices = @transform_0, window_bounds = array<i64: 1024, 2048>}, {pipeline_mode = #tpu.pipeline_mode<synchronous>, transform_indices = @transform_1, window_bounds = array<i64: 64, 2048>}, {transform_indices = @transform_2, window_bounds = array<i64: 64, 1024>}]} {
    %get3A = arith.constant 0 : index
    %get3A_0 = arith.constant 0 : index
    %get3A_1 = vector.load %arg1[%get3A, %get3A_0] : memref<1024x2048xf32, #tpu.memory_space<vmem>>, vector<1024x2048xf32>
    %get3A_2 = arith.constant 0 : index
    %get3A_3 = arith.constant 0 : index
    %get3A_4 = vector.load %arg2[%get3A_2, %get3A_3] : memref<64x2048xf32, #tpu.memory_space<vmem>>, vector<64x2048xf32>
    %dot_general3A = arith.constant dense<0.000000e+00> : vector<64x1024xf32>
    %dot_general3A_5 = tpu.matmul %get3A_4, %get3A_1, %dot_general3A {dimension_numbers = #tpu.dot_dimension_numbers<[1], [1], [0], [0], [0, 0, 1, 0], [], []>, transpose_lhs_hint = false} : vector<64x2048xf32>, vector<1024x2048xf32>, vector<64x1024xf32> -> vector<64x1024xf32>
    %reduce_max3A = arith.constant dense<0xFF800000> : vector<1024xf32>
    %reduce_max3A_6 = vector.multi_reduction <maximumf>, %dot_general3A_5, %reduce_max3A [0] : vector<64x1024xf32> to vector<1024xf32>
    %broadcast_in_dim3A = vector.shape_cast %reduce_max3A_6 : vector<1024xf32> to vector<1x1024xf32>
    %sub3A = vector.broadcast %broadcast_in_dim3A : vector<1x1024xf32> to vector<64x1024xf32>
    %sub3A_7 = arith.subf %dot_general3A_5, %sub3A : vector<64x1024xf32>
    %exp3A = math.exp %sub3A_7 : vector<64x1024xf32>
    %reduce_sum3A = arith.constant dense<0.000000e+00> : vector<1024xf32>
    %reduce_sum3A_8 = vector.multi_reduction <add>, %exp3A, %reduce_sum3A [0] : vector<64x1024xf32> to vector<1024xf32>
    %broadcast_in_dim3A_9 = vector.shape_cast %reduce_sum3A_8 : vector<1024xf32> to vector<1x1024xf32>
    %div3A = vector.broadcast %broadcast_in_dim3A_9 : vector<1x1024xf32> to vector<64x1024xf32>
    %div3A_10 = arith.divf %exp3A, %div3A : vector<64x1024xf32>
    %swap3A = arith.constant 0 : index
    %swap3A_11 = arith.constant 0 : index
    %swap3A_12 = vector.load %arg3[%swap3A, %swap3A_11] : memref<64x1024xf32, #tpu.memory_space<vmem>>, vector<64x1024xf32>
    tpu.vector_store %arg3[%swap3A, %swap3A_11], %div3A_10 {strides = array<i32>} : memref<64x1024xf32, #tpu.memory_space<vmem>>, vector<64x1024xf32>,
    return
  }
  func.func @transform_0(%arg0: i32) -> (i32, i32) {
    %add3A = arith.constant 0 : i32
    %add3A_0 = arith.addi %add3A, %arg0 : i32
    %c0_i32 = arith.constant 0 : i32
    %c0_i32_1 = arith.constant 0 : i32
    return %add3A_0, %c0_i32 : i32, i32
  }
  func.func @transform_1(%arg0: i32) -> (i32, i32) {
    %c0_i32 = arith.constant 0 : i32
    %c0_i32_0 = arith.constant 0 : i32
    %c0_i32_1 = arith.constant 0 : i32
    return %c0_i32, %c0_i32_0 : i32, i32
  }
  func.func @transform_2(%arg0: i32) -> (i32, i32) {
    %c0_i32 = arith.constant 0 : i32
    %c0_i32_0 = arith.constant 0 : i32
    return %c0_i32, %arg0 : i32, i32
  }
}

module attributes {stable_mosaic.version = 14 : i64} {
  func.func @_probs_kernel(%arg0: i32, %arg1: memref<1024x2048xf32, #tpu.memory_space<vmem>>, %arg2: memref<64x2048xf32, #tpu.memory_space<vmem>>, %arg3: memref<64x1024xf32, #tpu.memory_space<vmem>>) attributes {dimension_semantics = [#tpu.dimension_semantics<arbitrary>], iteration_bounds = array<i64: 8>, scalar_prefetch = 0 : i64, scratch_operands = 0 : i64, tpu.core_type = #tpu.core_type<tc>, window_params = [{transform_indices = @transform_0, window_bounds = array<i64: 1024, 2048>}, {pipeline_mode = #tpu.pipeline_mode<synchronous>, transform_indices = @transform_1, window_bounds = array<i64: 64, 2048>}, {transform_indices = @transform_2, window_bounds = array<i64: 64, 1024>}]} {
    %get3A = arith.constant 0 : index
    %get3A_0 = arith.constant 0 : index
    %get3A_1 = vector.load %arg1[%get3A, %get3A_0] : memref<1024x2048xf32, #tpu.memory_space<vmem>>, vector<1024x2048xf32>
    %get3A_2 = arith.constant 0 : index
    %get3A_3 = arith.constant 0 : index
    %get3A_4 = vector.load %arg2[%get3A_2, %get3A_3] : memref<64x2048xf32, #tpu.memory_space<vmem>>, vector<64x2048xf32>
    %dot_general3A = arith.constant dense<0.000000e+00> : vector<64x1024xf32>
    %dot_general3A_5 = tpu.matmul %get3A_4, %get3A_1, %dot_general3A {dimension_numbers = #tpu.dot_dimension_numbers<[1], [1], [0], [0], [0, 0, 1, 0], [], []>, transpose_lhs_hint = false} : vector<64x2048xf32>, vector<1024x2048xf32>, vector<64x1024xf32> -> vector<64x1024xf32>
    %reduce_max3A = arith.constant dense<0xFF800000> : vector<1024xf32>
    %reduce_max3A_6 = vector.multi_reduction <maximumf>, %dot_general3A_5, %reduce_max3A [0] : vector<64x1024xf32> to vector<1024xf32>
    %broadcast_in_dim3A = vector.shape_cast %reduce_max3A_6 : vector<1024xf32> to vector<1x1024xf32>
    %sub3A = vector.broadcast %broadcast_in_dim3A : vector<1x1024xf32> to vector<64x1024xf32>
    %sub3A_7 = arith.subf %dot_general3A_5, %sub3A : vector<64x1024xf32>
    %exp3A = math.exp %sub3A_7 : vector<64x1024xf32>
    %reduce_sum3A = arith.constant dense<0.000000e+00> : vector<1024xf32>
    %reduce_sum3A_8 = vector.multi_reduction <add>, %exp3A, %reduce_sum3A [0] : vector<64x1024xf32> to vector<1024xf32>
    %broadcast_in_dim3A_9 = vector.shape_cast %reduce_sum3A_8 : vector<1024xf32> to vector<1x1024xf32>
    %div3A = vector.broadcast %broadcast_in_dim3A_9 : vector<1x1024xf32> to vector<64x1024xf32>
    %div3A_10 = arith.divf %exp3A, %div3A : vector<64x1024xf32>
    %swap3A = arith.constant 0 : index
    %swap3A_11 = arith.constant 0 : index
    %swap3A_12 = vector.load %arg3[%swap3A, %swap3A_11] : memref<64x1024xf32, #tpu.memory_space<vmem>>, vector<64x1024xf32>
    tpu.vector_store %arg3[%swap3A, %swap3A_11], %div3A_10 {strides = array<i32>} : memref<64x1024xf32, #tpu.memory_space<vmem>>, vector<64x1024xf32>,
    return
  }
  func.func @transform_0(%arg0: i32) -> (i32, i32) {
    %add3A = arith.constant 16 : i32
    %add3A_0 = arith.addi %add3A, %arg0 : i32
    %c0_i32 = arith.constant 0 : i32
    %c0_i32_1 = arith.constant 0 : i32
    return %add3A_0, %c0_i32 : i32, i32
  }
  func.func @transform_1(%arg0: i32) -> (i32, i32) {
    %c0_i32 = arith.constant 0 : i32
    %c0_i32_0 = arith.constant 0 : i32
    %c0_i32_1 = arith.constant 0 : i32
    return %c0_i32, %c0_i32_0 : i32, i32
  }
  func.func @transform_2(%arg0: i32) -> (i32, i32) {
    %c0_i32 = arith.constant 0 : i32
    %c0_i32_0 = arith.constant 0 : i32
    return %c0_i32, %arg0 : i32, i32
  }
}

</mosaic_0001>

<sc_bundles>
// kernel: kernel.10.cloned.1.call-start
scs
__scs_entry_jumppad:
0x0: {  	(pc) =	sbr.rel $0x88, $3  }
0x1: {  	(tag) =	ssettag $0x0;
	lr =	simm.s32 $0x1  }
0x2: {  	[smem:$0x3F9F] =	sst lr;
	_ =	strace $0xD0000000  }
0x3: {  	_ = 	snop  }
0x4: {  	_ = 	snop  }
0x5: {  	_ = 	snop  }
0x6: {  	_ = 	snop  }
0x7: {  	_ = 	snop  }
__scs_overlays_trampoline_lowered:
0x8: {  	[smem:$0x3FAE] =	sst s0  }
0x9: {  	[smem:$0x3FAF] =	sst s1  }
0xa: {  	[smem:$0x3FB0] =	sst s2  }
0xb: {  	[smem:$0x3FB1] =	sst s3  }
0xc: {  	[smem:$0x3FB2] =	sst s4  }
0xd: {  	[smem:$0x3FB3] =	sst s5  }
0xe: {  	[smem:$0x3FB4] =	sst s6  }
0xf: {  	[smem:$0x3FB5] =	sst s7  }
0x10: {  	[smem:$0x3FB6] =	sst s8  }
0x11: {  	[smem:$0x3FB7] =	sst s9;
	s0 =	simm.s32 @!p0 $0x0  }
0x12: {  	s1 =	sld [smem:$0x3F9D];
	s0 =	simm.s32 @p0 $0x1  }
0x13: {  	[smem:$0x3FB8] =	sst s0;
	s0 =	simm.s32 @!p1 $0x0  }
0x14: {  	s2 =	sld [smem:$0x3F9C];
	s0 =	simm.s32 @p1 $0x1  }
0x15: {  	[smem:$0x3FB9] =	sst s0;
	s0 =	simm.s32 @!p2 $0x0  }
0x16: {  	s3 =	sld [smem:$0x3FDB];
	s0 =	simm.s32 @p2 $0x1  }
0x17: {  	s4 =	simm.s32 $0x1BF5;
	[smem:$0x3FBB] =	sst s0  }
0x18: {  	s0 =	sld [smem:$0x3F9E];
	_ =	swait.ge [sflag:s4], $0x0  }
0x19: {  	s7 =	sld [smem:$0x3F9F]  }
0x1a: {  	s8 =	sadd.s32 $0xFFFFE003, lr  }
0x1b: {  	s9 =	sadd.s32 $0xFFFFFEF7, lr;
	s5 =	simm.s32 $0xFFFFFFFF;
	p2 =	slt.u32 s8, $0xFFFFF086  }
0x1c: {  	p1 =	slt.u32 s9, $0xF7A;
	s5 =	simm.s32 @!p2 $0x0  }
0x1d: {  	s5 =	simm.s32 @p1 $0x1;
	p0 =	seq.s32 s7, s2  }
0x1e: {  	s7 =	smul.u32 @!p0 $0xF7A, s2;
	p2 =	seq.s32 @!p0 s5, $0x0  }
0x1f: {  	s9 =	smul.u32 $0xF7A, s1;
	s8 =	simm.s32 @!p0 $0x1BF5;
	p2 =	por !p2, p0  }
0x20: {  	[sflag:s8] =	ssyncset.s32 @!p0 $0xFFFFF086;
	s6 =	sadd.s32 @!p0 s3, s7;
	s7 =	simm.s32 @!p0 $0x108  }
0x21: {  	s3 =	sadd.s32 s3, s9;
	s6 =	sadd.s32 @!p0 $0x88, s6;
	s7 =	simm.s32 @p2 $0x1082  }
0x22: {  	[simem:s7], [sflag:s8] =	dma.local @!p0 [hbm:s6], $0xF7A  }
0x23: {  	s9 =	sor.u32 $0xD0000000, s2;
	s6 =	simm.s32 $0x108;
	_ =	swait.ge @!p0 [sflag:s8], $0x0  }
0x24: {  	s3 =	sadd.s32 $0x88, s3;
	s6 =	simm.s32 @!p1 $0x1082;
	[sflag:s4] =	ssyncset.s32 $0xFFFFF086  }
0x25: {  	[simem:s6], [sflag:s4] =	dma.local [hbm:s3], $0xF7A  }
0x26: {  	[smem:$0x3F9F] =	sst s1;
	(tag) =	ssettag s2;
	_ =	strace s9  }
0x27: {  	s1 =	sld [smem:$0x3FAF]  }
0x28: {  	s2 =	sld [smem:$0x3FB0]  }
0x29: {  	s4 =	sld [smem:$0x3FB2]  }
0x2a: {  	p0 =	seq.s32 s5, $0x0;
	s5 =	sld [smem:$0x3FB3]  }
0x2b: {  	s6 =	sld [smem:$0x3FB4]  }
0x2c: {  	s7 =	sld [smem:$0x3FB5]  }
0x2d: {  	s3 =	simm.s32 $0x108;
	s8 =	sld [smem:$0x3FB6]  }
0x2e: {  	s3 =	simm.s32 @!p0 $0x1082;
	s9 =	sld [smem:$0x3FB7]  }
0x2f: {  	lr =	sadd.s32 s0, s3;
	s0 =	sld [smem:$0x3FAE]  }
0x30: {  	s3 =	sld [smem:$0x3FB1]  }
0x31: {  	[smem:$0x3FBA] =	sst s10  }
0x32: {  	s10 =	sld [smem:$0x3FB8];
	_ =	sdelay $0x3  }
0x33: {  	p0 =	seq.s32 s10, $0x1;
	s10 =	sld [smem:$0x3FBA];
	_ =	sdelay $0x3  }
0x34: {  	[smem:$0x3FBA] =	sst s10  }
0x35: {  	s10 =	sld [smem:$0x3FB9];
	_ =	sdelay $0x3  }
0x36: {  	p1 =	seq.s32 s10, $0x1;
	s10 =	sld [smem:$0x3FBA];
	_ =	sdelay $0x3  }
0x37: {  	[smem:$0x3FBA] =	sst s10  }
0x38: {  	s10 =	sld [smem:$0x3FBB]  }
0x39: {  	_ = 	snop;
	(pc) =	sbr.ind lr, $3  }
0x3a: {  	_ = 	snop  }
0x3b: {  	_ = 	snop  }
0x3c: {  	p2 =	seq.s32 s10, $0x1;
	s10 =	sld [smem:$0x3FBA]  }
0x3d: {  	_ =	shalt  }
0x3e: {  	_ =	shalt  }
0x3f: {  	_ =	shalt  }
0x40: {  	_ =	shalt  }
0x41: {  	_ =	shalt  }
0x42: {  	_ =	shalt  }
0x43: {  	_ =	shalt  }
0x44: {  	_ =	shalt  }
0x45: {  	_ =	shalt  }
0x46: {  	_ =	shalt  }
0x47: {  	_ =	shalt  }
0x48: {  	_ =	shalt  }
0x49: {  	_ =	shalt  }
0x4a: {  	_ =	shalt  }
0x4b: {  	_ =	shalt  }
0x4c: {  	_ =	shalt  }
0x4d: {  	_ =	shalt  }
0x4e: {  	_ =	shalt  }
0x4f: {  	_ =	shalt  }
0x50: {  	_ =	shalt  }
0x51: {  	_ =	shalt  }
0x52: {  	_ =	shalt  }
0x53: {  	_ =	shalt  }
0x54: {  	_ =	shalt  }
0x55: {  	_ =	shalt  }
0x56: {  	_ =	shalt  }
0x57: {  	_ =	shalt  }
0x58: {  	_ =	shalt  }
0x59: {  	_ =	shalt  }
0x5a: {  	_ =	shalt  }
0x5b: {  	_ =	shalt  }
0x5c: {  	_ =	shalt  }
0x5d: {  	_ =	shalt  }
0x5e: {  	_ =	shalt  }
0x5f: {  	_ =	shalt  }
0x60: {  	_ =	shalt  }
0x61: {  	_ =	shalt  }
0x62: {  	_ =	shalt  }
0x63: {  	_ =	shalt  }
0x64: {  	_ =	shalt  }
0x65: {  	_ =	shalt  }
0x66: {  	_ =	shalt  }
0x67: {  	_ =	shalt  }
0x68: {  	_ =	shalt  }
0x69: {  	_ =	shalt  }
0x6a: {  	_ =	shalt  }
0x6b: {  	_ =	shalt  }
0x6c: {  	_ =	shalt  }
0x6d: {  	_ =	shalt  }
0x6e: {  	_ =	shalt  }
0x6f: {  	_ =	shalt  }
0x70: {  	_ =	shalt  }
0x71: {  	_ =	shalt  }
0x72: {  	_ =	shalt  }
0x73: {  	_ =	shalt  }
0x74: {  	_ =	shalt  }
0x75: {  	_ =	shalt  }
0x76: {  	_ =	shalt  }
0x77: {  	_ =	shalt  }
0x78: {  	_ =	shalt  }
0x79: {  	_ =	shalt  }
0x7a: {  	_ =	shalt  }
0x7b: {  	_ =	shalt  }
0x7c: {  	_ =	shalt  }
0x7d: {  	_ =	shalt  }
0x7e: {  	_ =	shalt  }
0x7f: {  	_ =	shalt  }
0x80: {  	_ =	shalt  }
0x81: {  	_ =	shalt  }
0x82: {  	_ =	shalt  }
0x83: {  	_ =	shalt  }
0x84: {  	_ =	shalt  }
0x85: {  	_ =	shalt  }
0x86: {  	_ =	shalt  }
0x87: {  	_ =	shalt  }
.Lfunc_end0:
.L_simem_size_0:
called_computation_lowered:
.L_overlay_start_0:
0x88: {  	s2 =	sld [smem:$0x3FD9]  }
0x89: {  	s3 =	sld [smem:$0x3FFE];
	_ =	sdelay $0x1  }
0x8a: {  	s1 =	srdreg.scid  }
0x8b: {  	s0 =	sand.u32 $0x1, s1  }
0x8c: {  	s15 =	sshll.u32 s0, $0xA;
	s2 =	sadd.s32 s3, s2  }
0x8d: {  	s2 =	sadd.s32 s2, s15  }
0x8e: {  	[smem:$0x3FC6] =	sst s2  }
0x8f: {  	_ = 	snop  }
0x90: {  	s2 =	sld [smem:$0x3FD0];
	_ =	sdelay $0x2  }
0x91: {  	s16 =	simm.s32 $0xD;
	s4 =	simm.s32 $0x10  }
0x92: {  	[smem:s4], [sflag:s16] =	dma.local [hbm:s2], $0x1  }
0x93: {  	_ =	swait.eq [sflag:s16], $0x1  }
0x94: {  	[sflag:s16] =	ssyncset.done $0x0  }
0x95: {  	[sflag:s16] =	ssyncadd.s32 $0xFFFFFFFF  }
0x96: {  	s17 =	sld [smem:$0x11];
	(tm) =	ssettm $0x1  }
0x97: {  	s18 =	sld [smem:$0x3FFB];
	_ =	sdelay $0x3  }
0x98: {  	_ =	strace s18  }
0x99: {  	s2 =	sld [smem:$0x3FFC];
	_ =	sdelay $0x3  }
0x9a: {  	_ =	strace s2  }
0x9b: {  	s2 =	sld [smem:$0x3FFD];
	_ =	sdelay $0x3  }
0x9c: {  	_ =	strace s2  }
0x9d: {  	_ =	strace $0x8FFFFFFF  }
0x9e: {  	s19 =	sld [smem:$0x3FDB];
	_ =	sdelay $0x1  }
0x9f: {  	s20 =	simm.s32 $_scs_section_size  }
0xa0: {  	s5 =	simm.s32 $_size__tile_overlayer_lowered;
	s6 =	simm.s32 $_tile_overlayer_lowered  }
0xa1: {  	s7 =	simm.s32 $0x1BFF;
	s21 =	sshll.u32 s6, $0x1;
	s4 =	sadd.s32 s20, s19  }
0xa2: {  	s22 =	simm.s32 $0x0;
	s5 =	sshll.u32 s5, $0x1;
	s6 =	sadd.s32 s21, s4  }
0xa3: {  	[timem:s22], [sflag:s7] =	dma.local [hbm:s6], s5  }
0xa4: {  	_ =	swait.ge [sflag:s7], s5  }
0xa5: {  	s5 =	ssub.s32 $0x0, s5;
	[sflag:s7] =	ssyncset.done $0x0  }
0xa6: {  	[sflag:s7] =	ssyncadd.s32 s5;
	_ =	sdelay $0x1  }
0xa7: {  	s23 =	simm.s32 $0x1B8B  }
0xa8: {  	_ =	swait.ge [sflag:s23], $0x1  }
0xa9: {  	[sflag:s23] =	ssyncset.done $0x0  }
0xaa: {  	[sflag:s23] =	ssyncadd.s32 $0xFFFFFFFF  }
0xab: {  	s5 =	sld [smem:$0x0]  }
0xac: {  	s6 =	sand.u32 $0xFFFFFFFE, s1  }
0xad: {  	p0 =	sne.s32 s1, s6  }
0xae: {  	s6 =	sshll.u32 @p0 s6, $0xE  }
0xaf: {  	s6 =	sadd.s32 @p0 $0x11B8D, s6;
	s7 =	sshll.u32 @p0 s5, $0x11  }
0xb0: {  	s6 =	sor.u32 @p0 s7, s6  }
0xb1: {  	[sflag:s6] =	ssyncadd.remote.s32 @p0 $0x1;
	_ =	sdelay $0x1  }
0xb2: {  	s6 =	simm.s32 @p0 $0x1B8D  }
0xb3: {  	_ =	swait.eq @p0 [sflag:s6], $0x1  }
0xb4: {  	[sflag:s6] =	ssyncadd.s32 @p0 $0xFFFFFFFF  }
0xb5: {  	s7 =	sshll.u32 @!p0 s1, $0xE  }
0xb6: {  	s7 =	sor.u32 @!p0 $0x4000, s7;
	s6 =	simm.s32 @!p0 $0x1B8D  }
0xb7: {  	s5 =	sshll.u32 @!p0 s5, $0x11;
	s7 =	sadd.s32 @!p0 $0x11B8D, s7;
	_ =	swait.eq @!p0 [sflag:s6], $0x1  }
0xb8: {  	s5 =	sor.u32 @!p0 s5, s7;
	[sflag:s6] =	ssyncadd.s32 @!p0 $0xFFFFFFFF  }
0xb9: {  	s25 =	simm.s32 $0x1B8E;
	s24 =	sld [smem:$0x3FFE];
	[sflag:s5] =	ssyncadd.remote.s32 @!p0 $0x1  }
0xba: {  	s26 =	simm.s32 $execute0_lowered;
	[smem:$0x3FD2] =	sst s25  }
0xbb: {  	s6 =	sshll.u32 s26, $0x1;
	_ =	strace $0x8000004F;
	[dreg:$0x1] =	wrdreg $0xFFFFFFFF  }
0xbc: {  	s28 =	simm.s32 $_size_execute0_lowered;
	s4 =	sadd.s32 s4, s6;
	[dreg:$0x0] =	wrdreg $0x0  }
0xbd: {  	s6 =	sshll.u32 s28, $0x1;
	[dreg:$0x2] =	wrdreg s4  }
0xbe: {  	[dreg:$0x3] =	wrdreg s6  }
0xbf: {  	[dreg:$0x4] =	wrdreg $0xC0  }
0xc0: {  	_ =	task [dreg:s22], $0x5FFFF  }
0xc1: {  	[dreg:$0x1] =	wrdreg $0xFFFFFFFF  }
0xc2: {  	[dreg:$0x0] =	wrdreg $0x60  }
0xc3: {  	[dreg:$0x2] =	wrdreg s24  }
0xc4: {  	[dreg:$0x3] =	wrdreg s17  }
0xc5: {  	[dreg:$0x4] =	wrdreg $0x9  }
0xc6: {  	_ =	task.clear_ibuf [dreg:s22], $0x5FFFF;
	_ =	strace $0x9000004F  }
0xc7: {  	s29 =	simm.s32 $0x9;
	_ =	strace $0x80000051  }
0xc8: {  	_ =	swait.ge [sflag:s29], $0x1  }
0xc9: {  	[sflag:s29] =	ssyncadd.s32 $0xFFFFFFFF  }
0xca: {  	_ =	strace $0x90000051  }
0xcb: {  	_ =	sfence  }
0xcc: {  	s30 =	sld [smem:$0x0];
	_ =	sdelay $0x2  }
0xcd: {  	s31 =	sshll.u32 s1, $0xD;
	s1 =	sshrl.u32 s1, $0x2  }
0xce: {  	s4 =	sand.u32 $0x4000, s31;
	s1 =	sadd.s32 s1, s30  }
0xcf: {  	s0 =	sor.u32 s4, s0;
	s1 =	sshll.u32 s1, $0x11  }
0xd0: {  	s0 =	sor.u32 s1, s0  }
0xd1: {  	s0 =	sadd.s32 $0x8F2B, s0  }
0xd2: {  	[sflag:s0] =	ssyncadd.remote.s32 $0x1  }
0xd3: {  	_ =	sfence.sel $0xFFFF  }
0xd4: {  	[dreg:$0x0] =	wrdreg $0xFFFFFFFF;
	(pc) =	sbr.abs _section_cstart, $3  }
0xd5: {  	[dreg:$0x1] =	wrdreg $0xFFFFFFFF  }
0xd6: {  	_ =	task.clear_ibuf [dreg:s22], $0x2FFFF;
	_ =	strace $0x9FFFFFFF  }
0xd7: {  	(tm) =	ssettm $0x7FFFFFFF  }
tec
execute0_lowered:
.L_overlay_start_1:
0x0: {  	(tag) =	ssettag $0x1  }
0x1: {  	s3 =	rddreg [dreg:$0x0];
	s0 =	srdreg.scid  }
0x2: {  	s4 =	rddreg [dreg:$0x1];
	s1 =	stileid.u32;
	s2 =	simm.s32 $0x0  }
0x3: {  	s9 =	simm.s32 $0x1;
	s10 =	simm.s32 $0x4000;
	s11 =	simm.s32 $0x4800  }
0x4: {  	s12 =	simm.s32 $0x0;
	s5 =	sand.u32 $0x1, s0;
	s0 =	rddreg [dreg:$0x2]  }
0x5: {  	s6 =	sshll.u32 s1, $0x9;
	s7 =	sshll.u32 s5, $0x8;
	s5 =	ssub.s32 $0x2, s5  }
0x6: {  	[smem:$0x7FF] =	sst s2;
	s6 =	sor.u32 s7, s6;
	s31 =	sshrl.u32 s5, $0x1  }
0x7: {  	_ =	strace $0x80000050;
	s7 =	sadd.s32 s6, s3;
	s8 =	ssub.s32 s5, s31  }
0x8: {  	s4 =	sadd.s32 s4, s6;
	s3 =	sadd.s32 $0x3F200, s7;
	s5 =	sadd.s32 $0x4F200, s7  }
0x9: {  	s6 =	smax.u32 s8, $0x1;
	s7 =	simm.s32 $0x800;
	s8 =	simm.s32 $0x10000  }
.LBB2_1:
0xa: {  	[tilespmem:s2], [sflag:$0x1] =	stream.strided.gather [hbm4b:s3+s7], $0x4000, s8, s7, $0x38;
	[tilespmem:$0x5000] =	vst v63  }
0xb: {  	_ =	swait.ge [sflag:s9], $0x4000  }
0xc: {  	[sflag:s9] =	ssyncset.done $0x0  }
0xd: {  	s13 =	simm.s32 $0x0;
	[sflag:s9] =	ssyncadd.s32 $0xFFFFC000  }
.LBB2_2:
0xe: {  	s14 =	sshll.u32 s13, $0x4  }
0xf: {  	s16 =	sand.u32 $0x70, s14  }
0x10: {  	v0 =	vmov s16  }
0x11: {  	s15 =	sshll.u32 s13, $0x7;
	s17 =	simm.s32 $0x0  }
0x12: {  	s15 =	sand.u32 $0x400, s15;
	s18 =	sand.u32 $0x3800, s17  }
0x13: {  	s17 =	sand.u32 $0x200, s17;
	s18 =	sor.u32 s18, s15  }
0x14: {  	s17 =	sadd.s32 s17, s18  }
0x15: {  	s26 =	simm.s32 $0x80;
	v1 =	vld.idx.msk [tilespmem:v0+s17+$0x0 ss:$0x1], $0xffff  }
0x16: {  	s17 =	sand.u32 $0x280, s26  }
0x17: {  	s17 =	sadd.s32 s17, s18  }
0x18: {  	s28 =	simm.s32 $0x100;
	v3 =	vld.idx.msk [tilespmem:v0+s17+$0x0 ss:$0x1], $0xffff  }
0x19: {  	v2 =	vimm.f32 $-1.000000000e+00;
	s17 =	sand.u32 $0x300, s28  }
0x1a: {  	s17 =	sadd.s32 s17, s18;
	vm1 =	vgt.f32 v1, v2  }
0x1b: {  	s29 =	simm.s32 $0x180;
	v6 =	vimm.s32 $0x0;
	s30 =	simm.s32 $0x0;
	v5 =	vld.idx.msk [tilespmem:v0+s17+$0x0 ss:$0x1], $0xffff;
	v4 =	vsel vm1, v1, v2  }
0x1c: {  	s17 =	sand.u32 $0x380, s29;
	v9 =	vsel vm1, s30, v6;
	v2 =	vsel vm1, v2, v4  }
0x1d: {  	s31 =	simm.s32 $0x1;
	s17 =	sadd.s32 s17, s18;
	v6 =	vsel vm1, v6, v9;
	vm1 =	vgt.f32 v3, v4;
	vm2 =	vgt.f32 v3, v2  }
0x1e: {  	v1 =	vld.idx.msk [tilespmem:v0+s17+$0x0 ss:$0x1], $0xffff;
	v13 =	vsel vm1, s31, v9;
	v8 =	vsel vm2, v3, v2  }
0x1f: {  	v10 =	vsel vm2, s31, v6;
	v3 =	vsel vm1, v3, v4;
	v2 =	vsel vm2, v2, v8  }
0x20: {  	v6 =	vsel vm2, v6, v10;
	v8 =	vsel vm1, v4, v8;
	vm6 =	vgt.f32 v5, v3  }
0x21: {  	s21 =	simm.s32 $0x2;
	v15 =	vsel vm1, v9, v10;
	vm0 =	vgt.f32 v5, v2;
	vm4 =	vgt.f32 v5, v8  }
0x22: {  	v12 =	vsel vm6, v5, v3;
	v14 =	vsel vm6, s21, v13;
	v11 =	vsel vm0, v5, v2  }
0x23: {  	v4 =	vsel vm4, v5, v8;
	v16 =	vsel vm0, s21, v6;
	vm8 =	vgt.f32 v1, v12  }
0x24: {  	v9 =	vmovc v6;
	vm5 =	vmmov vm0;
	v7 =	vsel vm0, v2, v11;
	v10 =	vsel vm6, v3, v4  }
0x25: {  	v4 =	vsel vm0, v6, v16;
	v8 =	vsel vm4, v8, v11;
	v19 =	vmovc v16;
	vm2 =	vgt.f32 v1, v7  }
0x26: {  	s17 =	simm.s32 $0x3;
	v18 =	vmovc v16;
	vm3 =	vgt.f32 v1, v8;
	vm7 =	vgt.f32 v1, v10;
	v2 =	vsel vm2, v1, v7  }
0x27: {  	s19 =	simm.s32 $0x400;
	s20 =	simm.s32 $0x3;
	s18 =	simm.s32 $0x200;
	v3 =	vmovc v7;
	v5 =	vsel vm2, s17, v4;
	v17 =	vsel vm3, v1, v8;
	vm1 =	vmmov vm2;
	v11 =	vmovc v7  }
.LBB2_3:
0x28: {  	s23 =	sand.u32 $0x3800, s19  }
0x29: {  	p0 =	sne.s32 s18, $0x1E00;
	v20 =	vsel vm4, s21, v15;
	v6 =	vsel vm0, v6, v16;
	v16 =	vsel vm8, s17, v14;
	s20 =	sadd.s32 $0x4, s20;
	s22 =	smov.u32 s18  }
0x2a: {  	s18 =	sadd.s32 $0x200, s18;
	v15 =	vsel vm4, v15, v19;
	v19 =	vsel vm7, v1, v10;
	s24 =	sand.u32 $0x200, s22;
	s21 =	sor.u32 s23, s15  }
0x2b: {  	v9 =	vsel vm5, v9, v18;
	v7 =	vsel vm2, v1, v7;
	v18 =	vsel vm3, s17, v15;
	s23 =	sadd.s32 s24, s21  }
0x2c: {  	v13 =	vsel vm6, v13, v20;
	v19 =	vsel vm8, v12, v19;
	v6 =	vsel vm2, s17, v6;
	v21 =	vld.idx.msk [tilespmem:v0+s23+$0x0 ss:$0x1], $0xffff  }
0x2d: {  	v12 =	vsel vm8, v1, v12;
	v3 =	vsel vm1, v3, v7;
	v20 =	vsel vm7, s17, v13;
	s23 =	sadd.s32 $0x80, s22  }
0x2e: {  	vm0 =	vgt.f32 v1, v11;
	v4 =	vsel vm1, v4, v6;
	v7 =	vsel vm8, v14, v20;
	s23 =	sand.u32 $0x280, s23  }
0x2f: {  	v6 =	vsel vm7, v10, v17;
	v10 =	vsel vm7, v13, v18;
	v13 =	vsel vm0, s17, v9;
	s17 =	smov.u32 s20;
	s23 =	sadd.s32 s23, s21  }
0x30: {  	v1 =	vsel vm0, v1, v11;
	v5 =	vsel vm0, v9, v5;
	v13 =	vsel vm3, v15, v13;
	v14 =	vld.idx.msk [tilespmem:v0+s23+$0x0 ss:$0x1], $0xffff  }
0x31: {  	v2 =	vsel vm0, v11, v2;
	v1 =	vsel vm3, v8, v1  }
0x32: {  	s23 =	sadd.s32 $0xFFFFFFFD, s20;
	vm4 =	vgt.f32 v21, v19;
	vm5 =	vgt.f32 v21, v6;
	vm6 =	vgt.f32 v21, v1  }
0x33: {  	vm0 =	vgt.f32 v21, v2;
	vm3 =	vgt.f32 v21, v3;
	v8 =	vsel vm5, s23, v10  }
0x34: {  	v9 =	vsel vm4, v21, v19;
	v11 =	vsel vm4, s23, v7;
	v15 =	vsel vm0, v21, v2  }
0x35: {  	s24 =	sadd.s32 $0x100, s22;
	v17 =	vsel vm5, v21, v6;
	v18 =	vsel vm0, s23, v5;
	v15 =	vsel vm6, v1, v15  }
0x36: {  	s24 =	sand.u32 $0x300, s24;
	v20 =	vsel vm6, s23, v13;
	v1 =	vsel vm6, v21, v1;
	vm2 =	vgt.f32 v14, v15  }
0x37: {  	s24 =	sadd.s32 s24, s21;
	vm1 =	vgt.f32 v21, v12;
	v17 =	vsel vm4, v19, v17;
	v19 =	vsel vm2, v14, v15  }
0x38: {  	v10 =	vsel vm5, v10, v20;
	v6 =	vsel vm5, v6, v1;
	v1 =	vsel vm3, s23, v4;
	v4 =	vld.idx.msk [tilespmem:v0+s24+$0x0 ss:$0x1], $0xffff;
	s24 =	sadd.s32 $0x180, s22  }
0x39: {  	v7 =	vsel vm4, v7, v8;
	vm5 =	vgt.f32 v14, v17;
	vm4 =	vgt.f32 v14, v6;
	s22 =	sadd.s32 $0xFFFFFFFE, s20;
	s24 =	sand.u32 $0x380, s24  }
0x3a: {  	v8 =	vsel vm6, v13, v18;
	v5 =	vsel vm0, v5, v1;
	v13 =	vsel vm5, s22, v7;
	s21 =	sadd.s32 s24, s21  }
0x3b: {  	v3 =	vsel vm3, v21, v3;
	v18 =	vsel vm1, v12, v9;
	v19 =	vsel vm4, v6, v19;
	v1 =	vld.idx.msk [tilespmem:v0+s21+$0x0 ss:$0x1], $0xffff  }
0x3c: {  	v20 =	vsel vm0, v2, v3;
	v22 =	vsel vm5, v14, v17;
	v2 =	vsel vm4, v14, v6  }
0x3d: {  	v6 =	vsel vm1, v21, v12;
	v2 =	vsel vm5, v17, v2;
	v12 =	vsel vm2, s22, v8  }
0x3e: {  	v17 =	vsel vm4, s22, v10;
	vm3 =	vgt.f32 v4, v2;
	vm0 =	vgt.f32 v4, v19  }
0x3f: {  	v21 =	vsel vm1, s23, v16;
	v23 =	vsel vm3, v4, v2;
	v3 =	vsel vm0, v4, v19  }
0x40: {  	v11 =	vsel vm1, v16, v11;
	vm6 =	vgt.f32 v14, v18;
	v3 =	vsel vm3, v2, v3  }
0x41: {  	vm7 =	vgt.f32 v14, v6;
	v9 =	vsel vm6, v11, v13;
	vm1 =	vgt.f32 v1, v3  }
0x42: {  	vm8 =	vgt.f32 v14, v20;
	v13 =	vsel vm6, v14, v18;
	v2 =	vsel vm1, v1, v3  }
0x43: {  	v22 =	vsel vm6, v18, v22;
	v16 =	vsel vm7, v6, v13;
	v13 =	vsel vm8, v14, v20  }
0x44: {  	v11 =	vsel vm6, s22, v11;
	v17 =	vsel vm5, v7, v17;
	vm5 =	vgt.f32 v4, v22  }
0x45: {  	v5 =	vsel vm8, s22, v5;
	v7 =	vsel vm7, v14, v6;
	v18 =	vsel vm5, v4, v22  }
0x46: {  	v6 =	vsel vm4, v10, v12;
	v14 =	vsel vm2, v15, v13;
	vm4 =	vgt.f32 v4, v16  }
0x47: {  	vm6 =	vgt.f32 v4, v7;
	vm8 =	vgt.f32 v4, v14;
	v10 =	vsel vm4, v4, v16  }
0x48: {  	s21 =	sadd.s32 $0xFFFFFFFF, s20;
	v13 =	vsel vm7, s22, v21;
	v15 =	vsel vm7, v21, v11;
	v12 =	vsel vm6, v4, v7  }
0x49: {  	v11 =	vsel vm8, v4, v14;
	v10 =	vsel vm6, v7, v10;
	v7 =	vsel vm0, s21, v6  }
.Ltmp0:
0x4a: {  	v20 =	vsel vm2, v8, v5;
	v4 =	vsel vm3, v17, v7;
	v7 =	vsel vm0, v19, v11;
	(pc) =	sbr.rel @p0 .LBB2_3-.Ltmp0, $4  }
0x4b: {  	v14 =	vsel vm6, s21, v13;
	v19 =	vsel vm5, s21, v9;
	v5 =	vsel vm1, s20, v4  }
0x4c: {  	v8 =	vsel vm4, v16, v18;
	v16 =	vsel vm8, s21, v20;
	vm8 =	vgt.f32 v1, v12  }
0x4d: {  	v18 =	vsel vm3, s21, v17;
	vm3 =	vgt.f32 v1, v8;
	vm2 =	vgt.f32 v1, v7  }
0x4e: {  	s19 =	sadd.s32 $0x400, s19;
	v11 =	vsel vm5, v22, v23;
	vm7 =	vgt.f32 v1, v10;
	v17 =	vsel vm3, v1, v8  }
0x4f: {  	v0 =	vsel vm4, s21, v15;
	v20 =	vsel vm8, v1, v12;
	s16 =	sor.u32 s16, s15  }
0x50: {  	v52 =	vsel vm8, s17, v14;
	v53 =	vsel vm7, v1, v10;
	s14 =	sor.u32 s14, s15;
	v0 =	vsel vm6, v13, v0;
	[tilespmem:s16+$0x4000] =	vst v20  }
0x51: {  	v54 =	vsel vm8, v12, v53;
	[tilespmem:s16+$0x4800] =	vst v52;
	s15 =	sor.u32 $0x80, s14;
	v55 =	vsel vm7, s17, v0  }
0x52: {  	v56 =	vsel vm4, v15, v19;
	[tilespmem:s15+$0x4000] =	vst v54;
	v13 =	vsel vm8, v14, v55  }
0x53: {  	vm15 =	vgt.f32 v1, v11;
	v58 =	vsel vm7, v10, v17;
	v57 =	vsel vm3, s17, v56;
	s26 =	sor.u32 $0x4100, s16;
	[tilespmem:s15+$0x4800] =	vst v13  }
0x54: {  	v9 =	vsel vm5, v9, v18;
	v59 =	vsel vm15, v1, v11;
	s28 =	sor.u32 $0x4900, s16;
	v0 =	vsel vm7, v0, v57;
	[tilespmem:s26+$0x0] =	vst v58  }
0x55: {  	s13 =	sadd.s32 $0x1, s13;
	v60 =	vsel vm15, s17, v9;
	s29 =	sor.u32 $0x180, s14;
	v8 =	vsel vm3, v8, v59;
	[tilespmem:s28+$0x0] =	vst v0  }
0x56: {  	p0 =	sne.s32 s13, $0x10;
	v61 =	vsel vm3, v56, v60;
	[tilespmem:s29+$0x4000] =	vst v8  }
.Ltmp1:
0x57: {  	v2 =	vsel vm15, v11, v2;
	s30 =	sor.u32 $0x4200, s16;
	[tilespmem:s29+$0x4800] =	vst v61;
	(pc) =	sbr.rel @p0 .LBB2_2-.Ltmp1, $4  }
0x58: {  	v62 =	vsel vm0, v6, v16;
	v63 =	vsel vm2, v1, v7;
	v5 =	vsel vm15, v9, v5;
	s31 =	sor.u32 $0x4A00, s16;
	[tilespmem:s30+$0x0] =	vst v2  }
0x59: {  	v1 =	vsel vm1, v3, v63;
	s14 =	sor.u32 $0x280, s14;
	v0 =	vsel vm2, s17, v62;
	[tilespmem:s31+$0x0] =	vst v5  }
0x5a: {  	v0 =	vsel vm1, v4, v0;
	[tilespmem:s14+$0x4000] =	vst v1  }
0x5b: {  	[tilespmem:s14+$0x4800] =	vst v0  }
0x5c: {  	[hbm4b:s4+s2] =	stream.linear.scatter [tilespmem:s10], [sflag:$0x1], $0x800, $0x38;
	[tilespmem:$0x5000] =	vst v63  }
0x5d: {  	s12 =	sadd.s32 $0x1, s12;
	_ =	swait.ge [sflag:s9], $0x800  }
0x5e: {  	p0 =	sne.s32 s12, s6;
	[sflag:s9] =	ssyncset.done $0x0  }
.Ltmp2:
0x5f: {  	[sflag:s9] =	ssyncadd.s32 $0xFFFFF800;
	(pc) =	sbr.rel @p0 .LBB2_1-.Ltmp2, $4  }
0x60: {  	[hbm4b:s5+s2] =	stream.linear.scatter [tilespmem:s11], [sflag:$0x1], $0x800, $0x38;
	[tilespmem:$0x5000] =	vst v63  }
0x61: {  	_ =	swait.ge [sflag:s9], $0x800  }
0x62: {  	[sflag:s9] =	ssyncset.done $0x0  }
0x63: {  	[sflag:s9] =	ssyncadd.s32 $0xFFFFF800  }
0x64: {  	_ =	sfence.sel $0x180000  }
0x65: {  	[bflag:$0x0] =	sbarrier.arrive $0xFFFF  }
0x66: {  	p0 =	sne.s32 s1, $0x0;
	_ =	strace $0x90000050  }
0x67: {  	s0 =	sadd.s32 @!p0 $0x100000, s0;
	[bflag:$0x2] =	sbarrier.arrive $0xFFFF  }
0x68: {  	[sflag:s0] =	ssyncadd.tile.s32 @!p0 $0x1;
	_ =	shalt  }
.Lfunc_end2:
_tile_overlayer_lowered:
.L_overlay_start_2:
0x69: {  	(tag) =	ssettag $0x2  }
0x6a: {  	s0 =	rddreg [dreg:$0x0];
	s2 =	stileid.u32  }
0x6b: {  	s1 =	rddreg [dreg:$0x1];
	p0 =	sne.s32 s2, $0x0  }
0x6c: {  	s3 =	rddreg [dreg:$0x2];
	[bflag:$0x3] =	sbarrier.arrive $0xFFFF;
	s2 =	simm.s32 @!p0 $0x1C01  }
0x6d: {  	[timem:s3], [sflag:s2] =	dma.local @!p0 [hbm:s0], s1  }
0x6e: {  	s0 =	simm.s32 @!p0 $0x1  }
0x6f: {  	_ =	swait.ge @!p0 [sflag:s0], s1  }
0x70: {  	s1 =	ssub.s32 @!p0 $0x0, s1;
	[sflag:s0] =	ssyncset.done @!p0 $0x0  }
0x71: {  	[sflag:s0] =	ssyncadd.s32 @!p0 s1  }
0x72: {  	[bflag:$0x3] =	sbarrier.arrive $0xFFFF  }
0x73: {  	_ =	shalt  }

// kernel: kernel.13.cloned.1.call-start
scs
__scs_entry_jumppad:
0x0: {  	(pc) =	sbr.rel $0x88, $3  }
0x1: {  	(tag) =	ssettag $0x0;
	lr =	simm.s32 $0x1  }
0x2: {  	[smem:$0x3F9F] =	sst lr;
	_ =	strace $0xD0000000  }
0x3: {  	_ = 	snop  }
0x4: {  	_ = 	snop  }
0x5: {  	_ = 	snop  }
0x6: {  	_ = 	snop  }
0x7: {  	_ = 	snop  }
__scs_overlays_trampoline_lowered:
0x8: {  	[smem:$0x3FAE] =	sst s0  }
0x9: {  	[smem:$0x3FAF] =	sst s1  }
0xa: {  	[smem:$0x3FB0] =	sst s2  }
0xb: {  	[smem:$0x3FB1] =	sst s3  }
0xc: {  	[smem:$0x3FB2] =	sst s4  }
0xd: {  	[smem:$0x3FB3] =	sst s5  }
0xe: {  	[smem:$0x3FB4] =	sst s6  }
0xf: {  	[smem:$0x3FB5] =	sst s7  }
0x10: {  	[smem:$0x3FB6] =	sst s8  }
0x11: {  	[smem:$0x3FB7] =	sst s9;
	s0 =	simm.s32 @!p0 $0x0  }
0x12: {  	s1 =	sld [smem:$0x3F9D];
	s0 =	simm.s32 @p0 $0x1  }
0x13: {  	[smem:$0x3FB8] =	sst s0;
	s0 =	simm.s32 @!p1 $0x0  }
0x14: {  	s2 =	sld [smem:$0x3F9C];
	s0 =	simm.s32 @p1 $0x1  }
0x15: {  	[smem:$0x3FB9] =	sst s0;
	s0 =	simm.s32 @!p2 $0x0  }
0x16: {  	s3 =	sld [smem:$0x3FDB];
	s0 =	simm.s32 @p2 $0x1  }
0x17: {  	s4 =	simm.s32 $0x1BF5;
	[smem:$0x3FBB] =	sst s0  }
0x18: {  	s0 =	sld [smem:$0x3F9E];
	_ =	swait.ge [sflag:s4], $0x0  }
0x19: {  	s7 =	sld [smem:$0x3F9F]  }
0x1a: {  	s8 =	sadd.s32 $0xFFFFE003, lr  }
0x1b: {  	s9 =	sadd.s32 $0xFFFFFEF7, lr;
	s5 =	simm.s32 $0xFFFFFFFF;
	p2 =	slt.u32 s8, $0xFFFFF086  }
0x1c: {  	p1 =	slt.u32 s9, $0xF7A;
	s5 =	simm.s32 @!p2 $0x0  }
0x1d: {  	s5 =	simm.s32 @p1 $0x1;
	p0 =	seq.s32 s7, s2  }
0x1e: {  	s7 =	smul.u32 @!p0 $0xF7A, s2;
	p2 =	seq.s32 @!p0 s5, $0x0  }
0x1f: {  	s9 =	smul.u32 $0xF7A, s1;
	s8 =	simm.s32 @!p0 $0x1BF5;
	p2 =	por !p2, p0  }
0x20: {  	[sflag:s8] =	ssyncset.s32 @!p0 $0xFFFFF086;
	s6 =	sadd.s32 @!p0 s3, s7;
	s7 =	simm.s32 @!p0 $0x108  }
0x21: {  	s3 =	sadd.s32 s3, s9;
	s6 =	sadd.s32 @!p0 $0x88, s6;
	s7 =	simm.s32 @p2 $0x1082  }
0x22: {  	[simem:s7], [sflag:s8] =	dma.local @!p0 [hbm:s6], $0xF7A  }
0x23: {  	s9 =	sor.u32 $0xD0000000, s2;
	s6 =	simm.s32 $0x108;
	_ =	swait.ge @!p0 [sflag:s8], $0x0  }
0x24: {  	s3 =	sadd.s32 $0x88, s3;
	s6 =	simm.s32 @!p1 $0x1082;
	[sflag:s4] =	ssyncset.s32 $0xFFFFF086  }
0x25: {  	[simem:s6], [sflag:s4] =	dma.local [hbm:s3], $0xF7A  }
0x26: {  	[smem:$0x3F9F] =	sst s1;
	(tag) =	ssettag s2;
	_ =	strace s9  }
0x27: {  	s1 =	sld [smem:$0x3FAF]  }
0x28: {  	s2 =	sld [smem:$0x3FB0]  }
0x29: {  	s4 =	sld [smem:$0x3FB2]  }
0x2a: {  	p0 =	seq.s32 s5, $0x0;
	s5 =	sld [smem:$0x3FB3]  }
0x2b: {  	s6 =	sld [smem:$0x3FB4]  }
0x2c: {  	s7 =	sld [smem:$0x3FB5]  }
0x2d: {  	s3 =	simm.s32 $0x108;
	s8 =	sld [smem:$0x3FB6]  }
0x2e: {  	s3 =	simm.s32 @!p0 $0x1082;
	s9 =	sld [smem:$0x3FB7]  }
0x2f: {  	lr =	sadd.s32 s0, s3;
	s0 =	sld [smem:$0x3FAE]  }
0x30: {  	s3 =	sld [smem:$0x3FB1]  }
0x31: {  	[smem:$0x3FBA] =	sst s10  }
0x32: {  	s10 =	sld [smem:$0x3FB8];
	_ =	sdelay $0x3  }
0x33: {  	p0 =	seq.s32 s10, $0x1;
	s10 =	sld [smem:$0x3FBA];
	_ =	sdelay $0x3  }
0x34: {  	[smem:$0x3FBA] =	sst s10  }
0x35: {  	s10 =	sld [smem:$0x3FB9];
	_ =	sdelay $0x3  }
0x36: {  	p1 =	seq.s32 s10, $0x1;
	s10 =	sld [smem:$0x3FBA];
	_ =	sdelay $0x3  }
0x37: {  	[smem:$0x3FBA] =	sst s10  }
0x38: {  	s10 =	sld [smem:$0x3FBB]  }
0x39: {  	_ = 	snop;
	(pc) =	sbr.ind lr, $3  }
0x3a: {  	_ = 	snop  }
0x3b: {  	_ = 	snop  }
0x3c: {  	p2 =	seq.s32 s10, $0x1;
	s10 =	sld [smem:$0x3FBA]  }
0x3d: {  	_ =	shalt  }
0x3e: {  	_ =	shalt  }
0x3f: {  	_ =	shalt  }
0x40: {  	_ =	shalt  }
0x41: {  	_ =	shalt  }
0x42: {  	_ =	shalt  }
0x43: {  	_ =	shalt  }
0x44: {  	_ =	shalt  }
0x45: {  	_ =	shalt  }
0x46: {  	_ =	shalt  }
0x47: {  	_ =	shalt  }
0x48: {  	_ =	shalt  }
0x49: {  	_ =	shalt  }
0x4a: {  	_ =	shalt  }
0x4b: {  	_ =	shalt  }
0x4c: {  	_ =	shalt  }
0x4d: {  	_ =	shalt  }
0x4e: {  	_ =	shalt  }
0x4f: {  	_ =	shalt  }
0x50: {  	_ =	shalt  }
0x51: {  	_ =	shalt  }
0x52: {  	_ =	shalt  }
0x53: {  	_ =	shalt  }
0x54: {  	_ =	shalt  }
0x55: {  	_ =	shalt  }
0x56: {  	_ =	shalt  }
0x57: {  	_ =	shalt  }
0x58: {  	_ =	shalt  }
0x59: {  	_ =	shalt  }
0x5a: {  	_ =	shalt  }
0x5b: {  	_ =	shalt  }
0x5c: {  	_ =	shalt  }
0x5d: {  	_ =	shalt  }
0x5e: {  	_ =	shalt  }
0x5f: {  	_ =	shalt  }
0x60: {  	_ =	shalt  }
0x61: {  	_ =	shalt  }
0x62: {  	_ =	shalt  }
0x63: {  	_ =	shalt  }
0x64: {  	_ =	shalt  }
0x65: {  	_ =	shalt  }
0x66: {  	_ =	shalt  }
0x67: {  	_ =	shalt  }
0x68: {  	_ =	shalt  }
0x69: {  	_ =	shalt  }
0x6a: {  	_ =	shalt  }
0x6b: {  	_ =	shalt  }
0x6c: {  	_ =	shalt  }
0x6d: {  	_ =	shalt  }
0x6e: {  	_ =	shalt  }
0x6f: {  	_ =	shalt  }
0x70: {  	_ =	shalt  }
0x71: {  	_ =	shalt  }
0x72: {  	_ =	shalt  }
0x73: {  	_ =	shalt  }
0x74: {  	_ =	shalt  }
0x75: {  	_ =	shalt  }
0x76: {  	_ =	shalt  }
0x77: {  	_ =	shalt  }
0x78: {  	_ =	shalt  }
0x79: {  	_ =	shalt  }
0x7a: {  	_ =	shalt  }
0x7b: {  	_ =	shalt  }
0x7c: {  	_ =	shalt  }
0x7d: {  	_ =	shalt  }
0x7e: {  	_ =	shalt  }
0x7f: {  	_ =	shalt  }
0x80: {  	_ =	shalt  }
0x81: {  	_ =	shalt  }
0x82: {  	_ =	shalt  }
0x83: {  	_ =	shalt  }
0x84: {  	_ =	shalt  }
0x85: {  	_ =	shalt  }
0x86: {  	_ =	shalt  }
0x87: {  	_ =	shalt  }
.Lfunc_end0:
.L_simem_size_0:
called_computation.1_lowered:
.L_overlay_start_0:
0x88: {  	s2 =	sld [smem:$0x3FD9]  }
0x89: {  	s3 =	sld [smem:$0x3FFE];
	_ =	sdelay $0x1  }
0x8a: {  	s1 =	srdreg.scid  }
0x8b: {  	s0 =	sand.u32 $0x1, s1  }
0x8c: {  	s17 =	sshll.u32 s0, $0xA;
	s2 =	sadd.s32 s3, s2  }
0x8d: {  	s2 =	sadd.s32 s2, s17  }
0x8e: {  	[smem:$0x3FC6] =	sst s2  }
0x8f: {  	_ = 	snop  }
0x90: {  	(tm) =	ssettm $0x1  }
0x91: {  	s18 =	sld [smem:$0x3FFB];
	_ =	sdelay $0x3  }
0x92: {  	_ =	strace s18  }
0x93: {  	s2 =	sld [smem:$0x3FFC];
	_ =	sdelay $0x3  }
0x94: {  	_ =	strace s2  }
0x95: {  	s2 =	sld [smem:$0x3FFD];
	_ =	sdelay $0x3  }
0x96: {  	_ =	strace s2  }
0x97: {  	_ =	strace $0x8FFFFFFF  }
0x98: {  	s19 =	sld [smem:$0x3FDB];
	_ =	sdelay $0x1  }
0x99: {  	s20 =	simm.s32 $_scs_section_size  }
0x9a: {  	s4 =	simm.s32 $_size__tile_overlayer_lowered;
	s5 =	simm.s32 $_tile_overlayer_lowered  }
0x9b: {  	s6 =	simm.s32 $0x1BFF;
	s21 =	sshll.u32 s5, $0x1;
	s3 =	sadd.s32 s20, s19  }
0x9c: {  	s22 =	simm.s32 $0x0;
	s4 =	sshll.u32 s4, $0x1;
	s5 =	sadd.s32 s21, s3  }
0x9d: {  	[timem:s22], [sflag:s6] =	dma.local [hbm:s5], s4  }
0x9e: {  	_ =	swait.ge [sflag:s6], s4  }
0x9f: {  	s4 =	ssub.s32 $0x0, s4;
	[sflag:s6] =	ssyncset.done $0x0  }
0xa0: {  	[sflag:s6] =	ssyncadd.s32 s4;
	_ =	sdelay $0x1  }
0xa1: {  	s23 =	simm.s32 $0x1B8B  }
0xa2: {  	_ =	swait.ge [sflag:s23], $0x1  }
0xa3: {  	[sflag:s23] =	ssyncset.done $0x0  }
0xa4: {  	[sflag:s23] =	ssyncadd.s32 $0xFFFFFFFF  }
0xa5: {  	s4 =	sld [smem:$0x0]  }
0xa6: {  	s5 =	sand.u32 $0xFFFFFFFE, s1  }
0xa7: {  	p0 =	sne.s32 s1, s5  }
0xa8: {  	s5 =	sshll.u32 @p0 s5, $0xE  }
0xa9: {  	s5 =	sadd.s32 @p0 $0x11B8D, s5;
	s6 =	sshll.u32 @p0 s4, $0x11  }
0xaa: {  	s5 =	sor.u32 @p0 s6, s5  }
0xab: {  	[sflag:s5] =	ssyncadd.remote.s32 @p0 $0x1;
	_ =	sdelay $0x1  }
0xac: {  	s5 =	simm.s32 @p0 $0x1B8D  }
0xad: {  	_ =	swait.eq @p0 [sflag:s5], $0x1  }
0xae: {  	[sflag:s5] =	ssyncadd.s32 @p0 $0xFFFFFFFF  }
0xaf: {  	s6 =	sshll.u32 @!p0 s1, $0xE  }
0xb0: {  	s6 =	sor.u32 @!p0 $0x4000, s6;
	s5 =	simm.s32 @!p0 $0x1B8D  }
0xb1: {  	s4 =	sshll.u32 @!p0 s4, $0x11;
	s6 =	sadd.s32 @!p0 $0x11B8D, s6;
	_ =	swait.eq @!p0 [sflag:s5], $0x1  }
0xb2: {  	s4 =	sor.u32 @!p0 s4, s6;
	[sflag:s5] =	ssyncadd.s32 @!p0 $0xFFFFFFFF  }
0xb3: {  	s25 =	simm.s32 $0x1B8E;
	s24 =	sld [smem:$0x3FFE];
	[sflag:s4] =	ssyncadd.remote.s32 @!p0 $0x1  }
0xb4: {  	s26 =	simm.s32 $execute0_lowered;
	[smem:$0x3FD2] =	sst s25  }
0xb5: {  	s5 =	sshll.u32 s26, $0x1;
	_ =	strace $0x8000004C;
	[dreg:$0x1] =	wrdreg $0xFFFFFFFF  }
0xb6: {  	s28 =	simm.s32 $_size_execute0_lowered;
	s3 =	sadd.s32 s3, s5;
	[dreg:$0x0] =	wrdreg $0x0  }
0xb7: {  	s5 =	sshll.u32 s28, $0x1;
	[dreg:$0x2] =	wrdreg s3  }
0xb8: {  	[dreg:$0x3] =	wrdreg s5  }
0xb9: {  	[dreg:$0x4] =	wrdreg $0xC0  }
0xba: {  	_ =	task [dreg:s22], $0x5FFFF  }
0xbb: {  	[dreg:$0x1] =	wrdreg $0xFFFFFFFF  }
0xbc: {  	[dreg:$0x0] =	wrdreg $0x60  }
0xbd: {  	[dreg:$0x2] =	wrdreg s24  }
0xbe: {  	[dreg:$0x3] =	wrdreg $0xA  }
0xbf: {  	_ =	task.clear_ibuf [dreg:s22], $0x4FFFF;
	_ =	strace $0x9000004C  }
0xc0: {  	s29 =	simm.s32 $0xA;
	_ =	strace $0x8000004E  }
0xc1: {  	_ =	swait.ge [sflag:s29], $0x1  }
0xc2: {  	[sflag:s29] =	ssyncadd.s32 $0xFFFFFFFF  }
0xc3: {  	_ =	strace $0x9000004E  }
0xc4: {  	_ =	sfence  }
0xc5: {  	s30 =	sld [smem:$0x0];
	_ =	sdelay $0x2  }
0xc6: {  	s31 =	sshll.u32 s1, $0xD;
	s1 =	sshrl.u32 s1, $0x2  }
0xc7: {  	s4 =	sand.u32 $0x4000, s31;
	s1 =	sadd.s32 s1, s30  }
0xc8: {  	s0 =	sor.u32 s4, s0;
	s1 =	sshll.u32 s1, $0x11  }
0xc9: {  	s0 =	sor.u32 s1, s0  }
0xca: {  	s0 =	sadd.s32 $0x8F2B, s0  }
0xcb: {  	[sflag:s0] =	ssyncadd.remote.s32 $0x1  }
0xcc: {  	_ =	sfence.sel $0xFFFF  }
0xcd: {  	[dreg:$0x0] =	wrdreg $0xFFFFFFFF;
	(pc) =	sbr.abs _section_cstart, $3  }
0xce: {  	[dreg:$0x1] =	wrdreg $0xFFFFFFFF  }
0xcf: {  	_ =	task.clear_ibuf [dreg:s22], $0x2FFFF;
	_ =	strace $0x9FFFFFFF  }
0xd0: {  	(tm) =	ssettm $0x7FFFFFFF  }
0xd1: {  	_ =	shalt  }
tec
execute0_lowered:
.L_overlay_start_1:
0x0: {  	(tag) =	ssettag $0x1  }
0x1: {  	s0 =	srdreg.scid  }
0x2: {  	s3 =	rddreg [dreg:$0x0];
	s1 =	stileid.u32;
	s2 =	simm.s32 $0x0  }
0x3: {  	s7 =	simm.s32 $0x800;
	s8 =	simm.s32 $0x10000;
	s9 =	simm.s32 $0x1  }
0x4: {  	s10 =	simm.s32 $0x4000;
	s11 =	simm.s32 $0x4800;
	s4 =	sand.u32 $0x1, s0  }
0x5: {  	s12 =	simm.s32 $0x0;
	s5 =	sshll.u32 s1, $0x9;
	s6 =	sshll.u32 s4, $0x8  }
0x6: {  	s0 =	rddreg [dreg:$0x1];
	s4 =	ssub.s32 $0x2, s4;
	s5 =	sor.u32 s6, s5  }
0x7: {  	[smem:$0x7FF] =	sst s2;
	s30 =	sshrl.u32 s4, $0x1;
	s5 =	sadd.s32 s5, s3  }
0x8: {  	_ =	strace $0x8000004D;
	s31 =	ssub.s32 s4, s30;
	s3 =	sadd.s32 $0x2B200, s5  }
0x9: {  	s4 =	sadd.s32 $0x3B200, s5;
	s5 =	sadd.s32 $0x3D200, s5;
	s6 =	smax.u32 s31, $0x1  }
.LBB2_1:
0xa: {  	[tilespmem:s2], [sflag:$0x1] =	stream.strided.gather [hbm4b:s3+s7], $0x4000, s8, s7, $0x38;
	[tilespmem:$0x5000] =	vst v63  }
0xb: {  	_ =	swait.ge [sflag:s9], $0x4000  }
0xc: {  	[sflag:s9] =	ssyncset.done $0x0  }
0xd: {  	s13 =	simm.s32 $0x0;
	[sflag:s9] =	ssyncadd.s32 $0xFFFFC000  }
.LBB2_2:
0xe: {  	s14 =	sshll.u32 s13, $0x4  }
0xf: {  	s16 =	sand.u32 $0x70, s14  }
0x10: {  	v0 =	vmov s16  }
0x11: {  	s15 =	sshll.u32 s13, $0x7;
	s17 =	simm.s32 $0x0  }
0x12: {  	s15 =	sand.u32 $0x400, s15;
	s18 =	sand.u32 $0x3800, s17  }
0x13: {  	s17 =	sand.u32 $0x200, s17;
	s18 =	sor.u32 s18, s15  }
0x14: {  	s17 =	sadd.s32 s17, s18  }
0x15: {  	s26 =	simm.s32 $0x80;
	v1 =	vld.idx.msk [tilespmem:v0+s17+$0x0 ss:$0x1], $0xffff  }
0x16: {  	s17 =	sand.u32 $0x280, s26  }
0x17: {  	s17 =	sadd.s32 s17, s18  }
0x18: {  	s28 =	simm.s32 $0x100;
	v3 =	vld.idx.msk [tilespmem:v0+s17+$0x0 ss:$0x1], $0xffff  }
0x19: {  	v2 =	vimm.f32 $-1.000000000e+00;
	s17 =	sand.u32 $0x300, s28  }
0x1a: {  	s17 =	sadd.s32 s17, s18;
	vm1 =	vgt.f32 v1, v2  }
0x1b: {  	s29 =	simm.s32 $0x180;
	v6 =	vimm.s32 $0x0;
	s30 =	simm.s32 $0x0;
	v5 =	vld.idx.msk [tilespmem:v0+s17+$0x0 ss:$0x1], $0xffff;
	v4 =	vsel vm1, v1, v2  }
0x1c: {  	s17 =	sand.u32 $0x380, s29;
	v9 =	vsel vm1, s30, v6;
	v2 =	vsel vm1, v2, v4  }
0x1d: {  	s31 =	simm.s32 $0x1;
	s17 =	sadd.s32 s17, s18;
	v6 =	vsel vm1, v6, v9;
	vm1 =	vgt.f32 v3, v4;
	vm2 =	vgt.f32 v3, v2  }
0x1e: {  	v1 =	vld.idx.msk [tilespmem:v0+s17+$0x0 ss:$0x1], $0xffff;
	v13 =	vsel vm1, s31, v9;
	v8 =	vsel vm2, v3, v2  }
0x1f: {  	v10 =	vsel vm2, s31, v6;
	v3 =	vsel vm1, v3, v4;
	v2 =	vsel vm2, v2, v8  }
0x20: {  	v6 =	vsel vm2, v6, v10;
	v8 =	vsel vm1, v4, v8;
	vm6 =	vgt.f32 v5, v3  }
0x21: {  	s21 =	simm.s32 $0x2;
	v15 =	vsel vm1, v9, v10;
	vm0 =	vgt.f32 v5, v2;
	vm4 =	vgt.f32 v5, v8  }
0x22: {  	v12 =	vsel vm6, v5, v3;
	v14 =	vsel vm6, s21, v13;
	v11 =	vsel vm0, v5, v2  }
0x23: {  	v4 =	vsel vm4, v5, v8;
	v16 =	vsel vm0, s21, v6;
	vm8 =	vgt.f32 v1, v12  }
0x24: {  	v9 =	vmovc v6;
	vm5 =	vmmov vm0;
	v7 =	vsel vm0, v2, v11;
	v10 =	vsel vm6, v3, v4  }
0x25: {  	v4 =	vsel vm0, v6, v16;
	v8 =	vsel vm4, v8, v11;
	v19 =	vmovc v16;
	vm2 =	vgt.f32 v1, v7  }
0x26: {  	s17 =	simm.s32 $0x3;
	v18 =	vmovc v16;
	vm3 =	vgt.f32 v1, v8;
	vm7 =	vgt.f32 v1, v10;
	v2 =	vsel vm2, v1, v7  }
0x27: {  	s19 =	simm.s32 $0x400;
	s20 =	simm.s32 $0x3;
	s18 =	simm.s32 $0x200;
	v3 =	vmovc v7;
	v5 =	vsel vm2, s17, v4;
	v17 =	vsel vm3, v1, v8;
	vm1 =	vmmov vm2;
	v11 =	vmovc v7  }
.LBB2_3:
0x28: {  	s23 =	sand.u32 $0x3800, s19  }
0x29: {  	p0 =	sne.s32 s18, $0x1E00;
	v20 =	vsel vm4, s21, v15;
	v6 =	vsel vm0, v6, v16;
	v16 =	vsel vm8, s17, v14;
	s20 =	sadd.s32 $0x4, s20;
	s22 =	smov.u32 s18  }
0x2a: {  	s18 =	sadd.s32 $0x200, s18;
	v15 =	vsel vm4, v15, v19;
	v19 =	vsel vm7, v1, v10;
	s24 =	sand.u32 $0x200, s22;
	s21 =	sor.u32 s23, s15  }
0x2b: {  	v9 =	vsel vm5, v9, v18;
	v7 =	vsel vm2, v1, v7;
	v18 =	vsel vm3, s17, v15;
	s23 =	sadd.s32 s24, s21  }
0x2c: {  	v13 =	vsel vm6, v13, v20;
	v19 =	vsel vm8, v12, v19;
	v6 =	vsel vm2, s17, v6;
	v21 =	vld.idx.msk [tilespmem:v0+s23+$0x0 ss:$0x1], $0xffff  }
0x2d: {  	v12 =	vsel vm8, v1, v12;
	v3 =	vsel vm1, v3, v7;
	v20 =	vsel vm7, s17, v13;
	s23 =	sadd.s32 $0x80, s22  }
0x2e: {  	vm0 =	vgt.f32 v1, v11;
	v4 =	vsel vm1, v4, v6;
	v7 =	vsel vm8, v14, v20;
	s23 =	sand.u32 $0x280, s23  }
0x2f: {  	v6 =	vsel vm7, v10, v17;
	v10 =	vsel vm7, v13, v18;
	v13 =	vsel vm0, s17, v9;
	s17 =	smov.u32 s20;
	s23 =	sadd.s32 s23, s21  }
0x30: {  	v1 =	vsel vm0, v1, v11;
	v5 =	vsel vm0, v9, v5;
	v13 =	vsel vm3, v15, v13;
	v14 =	vld.idx.msk [tilespmem:v0+s23+$0x0 ss:$0x1], $0xffff  }
0x31: {  	v2 =	vsel vm0, v11, v2;
	v1 =	vsel vm3, v8, v1  }
0x32: {  	s23 =	sadd.s32 $0xFFFFFFFD, s20;
	vm4 =	vgt.f32 v21, v19;
	vm5 =	vgt.f32 v21, v6;
	vm6 =	vgt.f32 v21, v1  }
0x33: {  	vm0 =	vgt.f32 v21, v2;
	vm3 =	vgt.f32 v21, v3;
	v8 =	vsel vm5, s23, v10  }
0x34: {  	v9 =	vsel vm4, v21, v19;
	v11 =	vsel vm4, s23, v7;
	v15 =	vsel vm0, v21, v2  }
0x35: {  	s24 =	sadd.s32 $0x100, s22;
	v17 =	vsel vm5, v21, v6;
	v18 =	vsel vm0, s23, v5;
	v15 =	vsel vm6, v1, v15  }
0x36: {  	s24 =	sand.u32 $0x300, s24;
	v20 =	vsel vm6, s23, v13;
	v1 =	vsel vm6, v21, v1;
	vm2 =	vgt.f32 v14, v15  }
0x37: {  	s24 =	sadd.s32 s24, s21;
	vm1 =	vgt.f32 v21, v12;
	v17 =	vsel vm4, v19, v17;
	v19 =	vsel vm2, v14, v15  }
0x38: {  	v10 =	vsel vm5, v10, v20;
	v6 =	vsel vm5, v6, v1;
	v1 =	vsel vm3, s23, v4;
	v4 =	vld.idx.msk [tilespmem:v0+s24+$0x0 ss:$0x1], $0xffff;
	s24 =	sadd.s32 $0x180, s22  }
0x39: {  	v7 =	vsel vm4, v7, v8;
	vm5 =	vgt.f32 v14, v17;
	vm4 =	vgt.f32 v14, v6;
	s22 =	sadd.s32 $0xFFFFFFFE, s20;
	s24 =	sand.u32 $0x380, s24  }
0x3a: {  	v8 =	vsel vm6, v13, v18;
	v5 =	vsel vm0, v5, v1;
	v13 =	vsel vm5, s22, v7;
	s21 =	sadd.s32 s24, s21  }
0x3b: {  	v3 =	vsel vm3, v21, v3;
	v18 =	vsel vm1, v12, v9;
	v19 =	vsel vm4, v6, v19;
	v1 =	vld.idx.msk [tilespmem:v0+s21+$0x0 ss:$0x1], $0xffff  }
0x3c: {  	v20 =	vsel vm0, v2, v3;
	v22 =	vsel vm5, v14, v17;
	v2 =	vsel vm4, v14, v6  }
0x3d: {  	v6 =	vsel vm1, v21, v12;
	v2 =	vsel vm5, v17, v2;
	v12 =	vsel vm2, s22, v8  }
0x3e: {  	v17 =	vsel vm4, s22, v10;
	vm3 =	vgt.f32 v4, v2;
	vm0 =	vgt.f32 v4, v19  }
0x3f: {  	v21 =	vsel vm1, s23, v16;
	v23 =	vsel vm3, v4, v2;
	v3 =	vsel vm0, v4, v19  }
0x40: {  	v11 =	vsel vm1, v16, v11;
	vm6 =	vgt.f32 v14, v18;
	v3 =	vsel vm3, v2, v3  }
0x41: {  	vm7 =	vgt.f32 v14, v6;
	v9 =	vsel vm6, v11, v13;
	vm1 =	vgt.f32 v1, v3  }
0x42: {  	vm8 =	vgt.f32 v14, v20;
	v13 =	vsel vm6, v14, v18;
	v2 =	vsel vm1, v1, v3  }
0x43: {  	v22 =	vsel vm6, v18, v22;
	v16 =	vsel vm7, v6, v13;
	v13 =	vsel vm8, v14, v20  }
0x44: {  	v11 =	vsel vm6, s22, v11;
	v17 =	vsel vm5, v7, v17;
	vm5 =	vgt.f32 v4, v22  }
0x45: {  	v5 =	vsel vm8, s22, v5;
	v7 =	vsel vm7, v14, v6;
	v18 =	vsel vm5, v4, v22  }
0x46: {  	v6 =	vsel vm4, v10, v12;
	v14 =	vsel vm2, v15, v13;
	vm4 =	vgt.f32 v4, v16  }
0x47: {  	vm6 =	vgt.f32 v4, v7;
	vm8 =	vgt.f32 v4, v14;
	v10 =	vsel vm4, v4, v16  }
0x48: {  	s21 =	sadd.s32 $0xFFFFFFFF, s20;
	v13 =	vsel vm7, s22, v21;
	v15 =	vsel vm7, v21, v11;
	v12 =	vsel vm6, v4, v7  }
0x49: {  	v11 =	vsel vm8, v4, v14;
	v10 =	vsel vm6, v7, v10;
	v7 =	vsel vm0, s21, v6  }
.Ltmp0:
0x4a: {  	v20 =	vsel vm2, v8, v5;
	v4 =	vsel vm3, v17, v7;
	v7 =	vsel vm0, v19, v11;
	(pc) =	sbr.rel @p0 .LBB2_3-.Ltmp0, $4  }
0x4b: {  	v14 =	vsel vm6, s21, v13;
	v19 =	vsel vm5, s21, v9;
	v5 =	vsel vm1, s20, v4  }
0x4c: {  	v8 =	vsel vm4, v16, v18;
	v16 =	vsel vm8, s21, v20;
	vm8 =	vgt.f32 v1, v12  }
0x4d: {  	v18 =	vsel vm3, s21, v17;
	vm3 =	vgt.f32 v1, v8;
	vm2 =	vgt.f32 v1, v7  }
0x4e: {  	s19 =	sadd.s32 $0x400, s19;
	v11 =	vsel vm5, v22, v23;
	vm7 =	vgt.f32 v1, v10;
	v17 =	vsel vm3, v1, v8  }
0x4f: {  	v0 =	vsel vm4, s21, v15;
	v20 =	vsel vm8, v1, v12;
	s16 =	sor.u32 s16, s15  }
0x50: {  	v52 =	vsel vm8, s17, v14;
	v53 =	vsel vm7, v1, v10;
	s14 =	sor.u32 s14, s15;
	v0 =	vsel vm6, v13, v0;
	[tilespmem:s16+$0x4000] =	vst v20  }
0x51: {  	v54 =	vsel vm8, v12, v53;
	[tilespmem:s16+$0x4800] =	vst v52;
	s15 =	sor.u32 $0x80, s14;
	v55 =	vsel vm7, s17, v0  }
0x52: {  	v56 =	vsel vm4, v15, v19;
	[tilespmem:s15+$0x4000] =	vst v54;
	v13 =	vsel vm8, v14, v55  }
0x53: {  	vm15 =	vgt.f32 v1, v11;
	v58 =	vsel vm7, v10, v17;
	v57 =	vsel vm3, s17, v56;
	s26 =	sor.u32 $0x4100, s16;
	[tilespmem:s15+$0x4800] =	vst v13  }
0x54: {  	v9 =	vsel vm5, v9, v18;
	v59 =	vsel vm15, v1, v11;
	s28 =	sor.u32 $0x4900, s16;
	v0 =	vsel vm7, v0, v57;
	[tilespmem:s26+$0x0] =	vst v58  }
0x55: {  	s13 =	sadd.s32 $0x1, s13;
	v60 =	vsel vm15, s17, v9;
	s29 =	sor.u32 $0x180, s14;
	v8 =	vsel vm3, v8, v59;
	[tilespmem:s28+$0x0] =	vst v0  }
0x56: {  	p0 =	sne.s32 s13, $0x10;
	v61 =	vsel vm3, v56, v60;
	[tilespmem:s29+$0x4000] =	vst v8  }
.Ltmp1:
0x57: {  	v2 =	vsel vm15, v11, v2;
	s30 =	sor.u32 $0x4200, s16;
	[tilespmem:s29+$0x4800] =	vst v61;
	(pc) =	sbr.rel @p0 .LBB2_2-.Ltmp1, $4  }
0x58: {  	v62 =	vsel vm0, v6, v16;
	v63 =	vsel vm2, v1, v7;
	v5 =	vsel vm15, v9, v5;
	s31 =	sor.u32 $0x4A00, s16;
	[tilespmem:s30+$0x0] =	vst v2  }
0x59: {  	v1 =	vsel vm1, v3, v63;
	s14 =	sor.u32 $0x280, s14;
	v0 =	vsel vm2, s17, v62;
	[tilespmem:s31+$0x0] =	vst v5  }
0x5a: {  	v0 =	vsel vm1, v4, v0;
	[tilespmem:s14+$0x4000] =	vst v1  }
0x5b: {  	[tilespmem:s14+$0x4800] =	vst v0  }
0x5c: {  	[hbm4b:s4+s2] =	stream.linear.scatter [tilespmem:s10], [sflag:$0x1], $0x800, $0x38;
	[tilespmem:$0x5000] =	vst v63  }
0x5d: {  	s12 =	sadd.s32 $0x1, s12;
	_ =	swait.ge [sflag:s9], $0x800  }
0x5e: {  	p0 =	sne.s32 s12, s6;
	[sflag:s9] =	ssyncset.done $0x0  }
.Ltmp2:
0x5f: {  	[sflag:s9] =	ssyncadd.s32 $0xFFFFF800;
	(pc) =	sbr.rel @p0 .LBB2_1-.Ltmp2, $4  }
0x60: {  	[hbm4b:s5+s2] =	stream.linear.scatter [tilespmem:s11], [sflag:$0x1], $0x800, $0x38;
	[tilespmem:$0x5000] =	vst v63  }
0x61: {  	_ =	swait.ge [sflag:s9], $0x800  }
0x62: {  	[sflag:s9] =	ssyncset.done $0x0  }
0x63: {  	[sflag:s9] =	ssyncadd.s32 $0xFFFFF800  }
0x64: {  	_ =	sfence.sel $0x180000  }
0x65: {  	[bflag:$0x0] =	sbarrier.arrive $0xFFFF  }
0x66: {  	p0 =	sne.s32 s1, $0x0;
	_ =	strace $0x9000004D  }
0x67: {  	s0 =	sadd.s32 @!p0 $0x100000, s0;
	[bflag:$0x2] =	sbarrier.arrive $0xFFFF  }
0x68: {  	[sflag:s0] =	ssyncadd.tile.s32 @!p0 $0x1;
	_ =	shalt  }
.Lfunc_end2:
_tile_overlayer_lowered:
.L_overlay_start_2:
0x69: {  	(tag) =	ssettag $0x2  }
0x6a: {  	s0 =	rddreg [dreg:$0x0];
	s2 =	stileid.u32  }
0x6b: {  	s1 =	rddreg [dreg:$0x1];
	p0 =	sne.s32 s2, $0x0  }
0x6c: {  	s3 =	rddreg [dreg:$0x2];
	[bflag:$0x3] =	sbarrier.arrive $0xFFFF;
	s2 =	simm.s32 @!p0 $0x1C01  }
0x6d: {  	[timem:s3], [sflag:s2] =	dma.local @!p0 [hbm:s0], s1  }
0x6e: {  	s0 =	simm.s32 @!p0 $0x1  }
0x6f: {  	_ =	swait.ge @!p0 [sflag:s0], s1  }
0x70: {  	s1 =	ssub.s32 @!p0 $0x0, s1;
	[sflag:s0] =	ssyncset.done @!p0 $0x0  }
0x71: {  	[sflag:s0] =	ssyncadd.s32 @!p0 s1  }
0x72: {  	[bflag:$0x3] =	sbarrier.arrive $0xFFFF  }
0x73: {  	_ =	shalt  }

// kernel: kernel.16.cloned.1.call-start
scs
__scs_entry_jumppad:
0x0: {  	(pc) =	sbr.rel $0x88, $3  }
0x1: {  	(tag) =	ssettag $0x0;
	lr =	simm.s32 $0x1  }
0x2: {  	[smem:$0x3F9F] =	sst lr;
	_ =	strace $0xD0000000  }
0x3: {  	_ = 	snop  }
0x4: {  	_ = 	snop  }
0x5: {  	_ = 	snop  }
0x6: {  	_ = 	snop  }
0x7: {  	_ = 	snop  }
__scs_overlays_trampoline_lowered:
0x8: {  	[smem:$0x3FAE] =	sst s0  }
0x9: {  	[smem:$0x3FAF] =	sst s1  }
0xa: {  	[smem:$0x3FB0] =	sst s2  }
0xb: {  	[smem:$0x3FB1] =	sst s3  }
0xc: {  	[smem:$0x3FB2] =	sst s4  }
0xd: {  	[smem:$0x3FB3] =	sst s5  }
0xe: {  	[smem:$0x3FB4] =	sst s6  }
0xf: {  	[smem:$0x3FB5] =	sst s7  }
0x10: {  	[smem:$0x3FB6] =	sst s8  }
0x11: {  	[smem:$0x3FB7] =	sst s9;
	s0 =	simm.s32 @!p0 $0x0  }
0x12: {  	s1 =	sld [smem:$0x3F9D];
	s0 =	simm.s32 @p0 $0x1  }
0x13: {  	[smem:$0x3FB8] =	sst s0;
	s0 =	simm.s32 @!p1 $0x0  }
0x14: {  	s2 =	sld [smem:$0x3F9C];
	s0 =	simm.s32 @p1 $0x1  }
0x15: {  	[smem:$0x3FB9] =	sst s0;
	s0 =	simm.s32 @!p2 $0x0  }
0x16: {  	s3 =	sld [smem:$0x3FDB];
	s0 =	simm.s32 @p2 $0x1  }
0x17: {  	s4 =	simm.s32 $0x1BF5;
	[smem:$0x3FBB] =	sst s0  }
0x18: {  	s0 =	sld [smem:$0x3F9E];
	_ =	swait.ge [sflag:s4], $0x0  }
0x19: {  	s7 =	sld [smem:$0x3F9F]  }
0x1a: {  	s8 =	sadd.s32 $0xFFFFE003, lr  }
0x1b: {  	s9 =	sadd.s32 $0xFFFFFEF7, lr;
	s5 =	simm.s32 $0xFFFFFFFF;
	p2 =	slt.u32 s8, $0xFFFFF086  }
0x1c: {  	p1 =	slt.u32 s9, $0xF7A;
	s5 =	simm.s32 @!p2 $0x0  }
0x1d: {  	s5 =	simm.s32 @p1 $0x1;
	p0 =	seq.s32 s7, s2  }
0x1e: {  	s7 =	smul.u32 @!p0 $0xF7A, s2;
	p2 =	seq.s32 @!p0 s5, $0x0  }
0x1f: {  	s9 =	smul.u32 $0xF7A, s1;
	s8 =	simm.s32 @!p0 $0x1BF5;
	p2 =	por !p2, p0  }
0x20: {  	[sflag:s8] =	ssyncset.s32 @!p0 $0xFFFFF086;
	s6 =	sadd.s32 @!p0 s3, s7;
	s7 =	simm.s32 @!p0 $0x108  }
0x21: {  	s3 =	sadd.s32 s3, s9;
	s6 =	sadd.s32 @!p0 $0x88, s6;
	s7 =	simm.s32 @p2 $0x1082  }
0x22: {  	[simem:s7], [sflag:s8] =	dma.local @!p0 [hbm:s6], $0xF7A  }
0x23: {  	s9 =	sor.u32 $0xD0000000, s2;
	s6 =	simm.s32 $0x108;
	_ =	swait.ge @!p0 [sflag:s8], $0x0  }
0x24: {  	s3 =	sadd.s32 $0x88, s3;
	s6 =	simm.s32 @!p1 $0x1082;
	[sflag:s4] =	ssyncset.s32 $0xFFFFF086  }
0x25: {  	[simem:s6], [sflag:s4] =	dma.local [hbm:s3], $0xF7A  }
0x26: {  	[smem:$0x3F9F] =	sst s1;
	(tag) =	ssettag s2;
	_ =	strace s9  }
0x27: {  	s1 =	sld [smem:$0x3FAF]  }
0x28: {  	s2 =	sld [smem:$0x3FB0]  }
0x29: {  	s4 =	sld [smem:$0x3FB2]  }
0x2a: {  	p0 =	seq.s32 s5, $0x0;
	s5 =	sld [smem:$0x3FB3]  }
0x2b: {  	s6 =	sld [smem:$0x3FB4]  }
0x2c: {  	s7 =	sld [smem:$0x3FB5]  }
0x2d: {  	s3 =	simm.s32 $0x108;
	s8 =	sld [smem:$0x3FB6]  }
0x2e: {  	s3 =	simm.s32 @!p0 $0x1082;
	s9 =	sld [smem:$0x3FB7]  }
0x2f: {  	lr =	sadd.s32 s0, s3;
	s0 =	sld [smem:$0x3FAE]  }
0x30: {  	s3 =	sld [smem:$0x3FB1]  }
0x31: {  	[smem:$0x3FBA] =	sst s10  }
0x32: {  	s10 =	sld [smem:$0x3FB8];
	_ =	sdelay $0x3  }
0x33: {  	p0 =	seq.s32 s10, $0x1;
	s10 =	sld [smem:$0x3FBA];
	_ =	sdelay $0x3  }
0x34: {  	[smem:$0x3FBA] =	sst s10  }
0x35: {  	s10 =	sld [smem:$0x3FB9];
	_ =	sdelay $0x3  }
0x36: {  	p1 =	seq.s32 s10, $0x1;
	s10 =	sld [smem:$0x3FBA];
	_ =	sdelay $0x3  }
0x37: {  	[smem:$0x3FBA] =	sst s10  }
0x38: {  	s10 =	sld [smem:$0x3FBB]  }
0x39: {  	_ = 	snop;
	(pc) =	sbr.ind lr, $3  }
0x3a: {  	_ = 	snop  }
0x3b: {  	_ = 	snop  }
0x3c: {  	p2 =	seq.s32 s10, $0x1;
	s10 =	sld [smem:$0x3FBA]  }
0x3d: {  	_ =	shalt  }
0x3e: {  	_ =	shalt  }
0x3f: {  	_ =	shalt  }
0x40: {  	_ =	shalt  }
0x41: {  	_ =	shalt  }
0x42: {  	_ =	shalt  }
0x43: {  	_ =	shalt  }
0x44: {  	_ =	shalt  }
0x45: {  	_ =	shalt  }
0x46: {  	_ =	shalt  }
0x47: {  	_ =	shalt  }
0x48: {  	_ =	shalt  }
0x49: {  	_ =	shalt  }
0x4a: {  	_ =	shalt  }
0x4b: {  	_ =	shalt  }
0x4c: {  	_ =	shalt  }
0x4d: {  	_ =	shalt  }
0x4e: {  	_ =	shalt  }
0x4f: {  	_ =	shalt  }
0x50: {  	_ =	shalt  }
0x51: {  	_ =	shalt  }
0x52: {  	_ =	shalt  }
0x53: {  	_ =	shalt  }
0x54: {  	_ =	shalt  }
0x55: {  	_ =	shalt  }
0x56: {  	_ =	shalt  }
0x57: {  	_ =	shalt  }
0x58: {  	_ =	shalt  }
0x59: {  	_ =	shalt  }
0x5a: {  	_ =	shalt  }
0x5b: {  	_ =	shalt  }
0x5c: {  	_ =	shalt  }
0x5d: {  	_ =	shalt  }
0x5e: {  	_ =	shalt  }
0x5f: {  	_ =	shalt  }
0x60: {  	_ =	shalt  }
0x61: {  	_ =	shalt  }
0x62: {  	_ =	shalt  }
0x63: {  	_ =	shalt  }
0x64: {  	_ =	shalt  }
0x65: {  	_ =	shalt  }
0x66: {  	_ =	shalt  }
0x67: {  	_ =	shalt  }
0x68: {  	_ =	shalt  }
0x69: {  	_ =	shalt  }
0x6a: {  	_ =	shalt  }
0x6b: {  	_ =	shalt  }
0x6c: {  	_ =	shalt  }
0x6d: {  	_ =	shalt  }
0x6e: {  	_ =	shalt  }
0x6f: {  	_ =	shalt  }
0x70: {  	_ =	shalt  }
0x71: {  	_ =	shalt  }
0x72: {  	_ =	shalt  }
0x73: {  	_ =	shalt  }
0x74: {  	_ =	shalt  }
0x75: {  	_ =	shalt  }
0x76: {  	_ =	shalt  }
0x77: {  	_ =	shalt  }
0x78: {  	_ =	shalt  }
0x79: {  	_ =	shalt  }
0x7a: {  	_ =	shalt  }
0x7b: {  	_ =	shalt  }
0x7c: {  	_ =	shalt  }
0x7d: {  	_ =	shalt  }
0x7e: {  	_ =	shalt  }
0x7f: {  	_ =	shalt  }
0x80: {  	_ =	shalt  }
0x81: {  	_ =	shalt  }
0x82: {  	_ =	shalt  }
0x83: {  	_ =	shalt  }
0x84: {  	_ =	shalt  }
0x85: {  	_ =	shalt  }
0x86: {  	_ =	shalt  }
0x87: {  	_ =	shalt  }
.Lfunc_end0:
.L_simem_size_0:
called_computation.2_lowered:
.L_overlay_start_0:
0x88: {  	s2 =	sld [smem:$0x3FD9]  }
0x89: {  	s3 =	sld [smem:$0x3FFE];
	_ =	sdelay $0x1  }
0x8a: {  	s1 =	srdreg.scid  }
0x8b: {  	s0 =	sand.u32 $0x1, s1  }
0x8c: {  	s17 =	sshll.u32 s0, $0xA;
	s2 =	sadd.s32 s3, s2  }
0x8d: {  	s2 =	sadd.s32 s2, s17  }
0x8e: {  	[smem:$0x3FC6] =	sst s2  }
0x8f: {  	_ = 	snop  }
0x90: {  	(tm) =	ssettm $0x1  }
0x91: {  	s18 =	sld [smem:$0x3FFB];
	_ =	sdelay $0x3  }
0x92: {  	_ =	strace s18  }
0x93: {  	s2 =	sld [smem:$0x3FFC];
	_ =	sdelay $0x3  }
0x94: {  	_ =	strace s2  }
0x95: {  	s2 =	sld [smem:$0x3FFD];
	_ =	sdelay $0x3  }
0x96: {  	_ =	strace s2  }
0x97: {  	_ =	strace $0x8FFFFFFF  }
0x98: {  	s19 =	sld [smem:$0x3FDB];
	_ =	sdelay $0x1  }
0x99: {  	s20 =	simm.s32 $_scs_section_size  }
0x9a: {  	s4 =	simm.s32 $_size__tile_overlayer_lowered;
	s5 =	simm.s32 $_tile_overlayer_lowered  }
0x9b: {  	s6 =	simm.s32 $0x1BFF;
	s21 =	sshll.u32 s5, $0x1;
	s3 =	sadd.s32 s20, s19  }
0x9c: {  	s22 =	simm.s32 $0x0;
	s4 =	sshll.u32 s4, $0x1;
	s5 =	sadd.s32 s21, s3  }
0x9d: {  	[timem:s22], [sflag:s6] =	dma.local [hbm:s5], s4  }
0x9e: {  	_ =	swait.ge [sflag:s6], s4  }
0x9f: {  	s4 =	ssub.s32 $0x0, s4;
	[sflag:s6] =	ssyncset.done $0x0  }
0xa0: {  	[sflag:s6] =	ssyncadd.s32 s4;
	_ =	sdelay $0x1  }
0xa1: {  	s23 =	simm.s32 $0x1B8B  }
0xa2: {  	_ =	swait.ge [sflag:s23], $0x1  }
0xa3: {  	[sflag:s23] =	ssyncset.done $0x0  }
0xa4: {  	[sflag:s23] =	ssyncadd.s32 $0xFFFFFFFF  }
0xa5: {  	s4 =	sld [smem:$0x0]  }
0xa6: {  	s5 =	sand.u32 $0xFFFFFFFE, s1  }
0xa7: {  	p0 =	sne.s32 s1, s5  }
0xa8: {  	s5 =	sshll.u32 @p0 s5, $0xE  }
0xa9: {  	s5 =	sadd.s32 @p0 $0x11B8D, s5;
	s6 =	sshll.u32 @p0 s4, $0x11  }
0xaa: {  	s5 =	sor.u32 @p0 s6, s5  }
0xab: {  	[sflag:s5] =	ssyncadd.remote.s32 @p0 $0x1;
	_ =	sdelay $0x1  }
0xac: {  	s5 =	simm.s32 @p0 $0x1B8D  }
0xad: {  	_ =	swait.eq @p0 [sflag:s5], $0x1  }
0xae: {  	[sflag:s5] =	ssyncadd.s32 @p0 $0xFFFFFFFF  }
0xaf: {  	s6 =	sshll.u32 @!p0 s1, $0xE  }
0xb0: {  	s6 =	sor.u32 @!p0 $0x4000, s6;
	s5 =	simm.s32 @!p0 $0x1B8D  }
0xb1: {  	s4 =	sshll.u32 @!p0 s4, $0x11;
	s6 =	sadd.s32 @!p0 $0x11B8D, s6;
	_ =	swait.eq @!p0 [sflag:s5], $0x1  }
0xb2: {  	s4 =	sor.u32 @!p0 s4, s6;
	[sflag:s5] =	ssyncadd.s32 @!p0 $0xFFFFFFFF  }
0xb3: {  	s25 =	simm.s32 $0x1B8E;
	s24 =	sld [smem:$0x3FFE];
	[sflag:s4] =	ssyncadd.remote.s32 @!p0 $0x1  }
0xb4: {  	s26 =	simm.s32 $execute0_lowered;
	[smem:$0x3FD2] =	sst s25  }
0xb5: {  	s5 =	sshll.u32 s26, $0x1;
	_ =	strace $0x80000049;
	[dreg:$0x1] =	wrdreg $0xFFFFFFFF  }
0xb6: {  	s28 =	simm.s32 $_size_execute0_lowered;
	s3 =	sadd.s32 s3, s5;
	[dreg:$0x0] =	wrdreg $0x0  }
0xb7: {  	s5 =	sshll.u32 s28, $0x1;
	[dreg:$0x2] =	wrdreg s3  }
0xb8: {  	[dreg:$0x3] =	wrdreg s5  }
0xb9: {  	[dreg:$0x4] =	wrdreg $0xC0  }
0xba: {  	_ =	task [dreg:s22], $0x5FFFF  }
0xbb: {  	[dreg:$0x1] =	wrdreg $0xFFFFFFFF  }
0xbc: {  	[dreg:$0x0] =	wrdreg $0x60  }
0xbd: {  	[dreg:$0x2] =	wrdreg s24  }
0xbe: {  	[dreg:$0x3] =	wrdreg $0xB  }
0xbf: {  	_ =	task.clear_ibuf [dreg:s22], $0x4FFFF;
	_ =	strace $0x90000049  }
0xc0: {  	s29 =	simm.s32 $0xB;
	_ =	strace $0x8000004B  }
0xc1: {  	_ =	swait.ge [sflag:s29], $0x1  }
0xc2: {  	[sflag:s29] =	ssyncadd.s32 $0xFFFFFFFF  }
0xc3: {  	_ =	strace $0x9000004B  }
0xc4: {  	_ =	sfence  }
0xc5: {  	s30 =	sld [smem:$0x0];
	_ =	sdelay $0x2  }
0xc6: {  	s31 =	sshll.u32 s1, $0xD;
	s1 =	sshrl.u32 s1, $0x2  }
0xc7: {  	s4 =	sand.u32 $0x4000, s31;
	s1 =	sadd.s32 s1, s30  }
0xc8: {  	s0 =	sor.u32 s4, s0;
	s1 =	sshll.u32 s1, $0x11  }
0xc9: {  	s0 =	sor.u32 s1, s0  }
0xca: {  	s0 =	sadd.s32 $0x8F2B, s0  }
0xcb: {  	[sflag:s0] =	ssyncadd.remote.s32 $0x1  }
0xcc: {  	_ =	sfence.sel $0xFFFF  }
0xcd: {  	[dreg:$0x0] =	wrdreg $0xFFFFFFFF;
	(pc) =	sbr.abs _section_cstart, $3  }
0xce: {  	[dreg:$0x1] =	wrdreg $0xFFFFFFFF  }
0xcf: {  	_ =	task.clear_ibuf [dreg:s22], $0x2FFFF;
	_ =	strace $0x9FFFFFFF  }
0xd0: {  	(tm) =	ssettm $0x7FFFFFFF  }
0xd1: {  	_ =	shalt  }
tec
execute0_lowered:
.L_overlay_start_1:
0x0: {  	(tag) =	ssettag $0x1  }
0x1: {  	s0 =	srdreg.scid  }
0x2: {  	s3 =	rddreg [dreg:$0x0];
	s1 =	stileid.u32;
	s2 =	simm.s32 $0x0  }
0x3: {  	s7 =	simm.s32 $0x800;
	s8 =	simm.s32 $0x10000;
	s9 =	simm.s32 $0x1  }
0x4: {  	s10 =	simm.s32 $0x4000;
	s11 =	simm.s32 $0x4800;
	s4 =	sand.u32 $0x1, s0  }
0x5: {  	s12 =	simm.s32 $0x0;
	s5 =	sshll.u32 s1, $0x9;
	s6 =	sshll.u32 s4, $0x8  }
0x6: {  	s0 =	rddreg [dreg:$0x1];
	s4 =	ssub.s32 $0x2, s4;
	s5 =	sor.u32 s6, s5  }
0x7: {  	[smem:$0x7FF] =	sst s2;
	s30 =	sshrl.u32 s4, $0x1;
	s5 =	sadd.s32 s5, s3  }
0x8: {  	_ =	strace $0x8000004A;
	s31 =	ssub.s32 s4, s30;
	s3 =	sadd.s32 $0x17200, s5  }
0x9: {  	s4 =	sadd.s32 $0x27200, s5;
	s5 =	sadd.s32 $0x29200, s5;
	s6 =	smax.u32 s31, $0x1  }
.LBB2_1:
0xa: {  	[tilespmem:s2], [sflag:$0x1] =	stream.strided.gather [hbm4b:s3+s7], $0x4000, s8, s7, $0x38;
	[tilespmem:$0x5000] =	vst v63  }
0xb: {  	_ =	swait.ge [sflag:s9], $0x4000  }
0xc: {  	[sflag:s9] =	ssyncset.done $0x0  }
0xd: {  	s13 =	simm.s32 $0x0;
	[sflag:s9] =	ssyncadd.s32 $0xFFFFC000  }
.LBB2_2:
0xe: {  	s14 =	sshll.u32 s13, $0x4  }
0xf: {  	s16 =	sand.u32 $0x70, s14  }
0x10: {  	v0 =	vmov s16  }
0x11: {  	s15 =	sshll.u32 s13, $0x7;
	s17 =	simm.s32 $0x0  }
0x12: {  	s15 =	sand.u32 $0x400, s15;
	s18 =	sand.u32 $0x3800, s17  }
0x13: {  	s17 =	sand.u32 $0x200, s17;
	s18 =	sor.u32 s18, s15  }
0x14: {  	s17 =	sadd.s32 s17, s18  }
0x15: {  	s26 =	simm.s32 $0x80;
	v1 =	vld.idx.msk [tilespmem:v0+s17+$0x0 ss:$0x1], $0xffff  }
0x16: {  	s17 =	sand.u32 $0x280, s26  }
0x17: {  	s17 =	sadd.s32 s17, s18  }
0x18: {  	s28 =	simm.s32 $0x100;
	v3 =	vld.idx.msk [tilespmem:v0+s17+$0x0 ss:$0x1], $0xffff  }
0x19: {  	v2 =	vimm.f32 $-1.000000000e+00;
	s17 =	sand.u32 $0x300, s28  }
0x1a: {  	s17 =	sadd.s32 s17, s18;
	vm1 =	vgt.f32 v1, v2  }
0x1b: {  	s29 =	simm.s32 $0x180;
	v6 =	vimm.s32 $0x0;
	s30 =	simm.s32 $0x0;
	v5 =	vld.idx.msk [tilespmem:v0+s17+$0x0 ss:$0x1], $0xffff;
	v4 =	vsel vm1, v1, v2  }
0x1c: {  	s17 =	sand.u32 $0x380, s29;
	v9 =	vsel vm1, s30, v6;
	v2 =	vsel vm1, v2, v4  }
0x1d: {  	s31 =	simm.s32 $0x1;
	s17 =	sadd.s32 s17, s18;
	v6 =	vsel vm1, v6, v9;
	vm1 =	vgt.f32 v3, v4;
	vm2 =	vgt.f32 v3, v2  }
0x1e: {  	v1 =	vld.idx.msk [tilespmem:v0+s17+$0x0 ss:$0x1], $0xffff;
	v13 =	vsel vm1, s31, v9;
	v8 =	vsel vm2, v3, v2  }
0x1f: {  	v10 =	vsel vm2, s31, v6;
	v3 =	vsel vm1, v3, v4;
	v2 =	vsel vm2, v2, v8  }
0x20: {  	v6 =	vsel vm2, v6, v10;
	v8 =	vsel vm1, v4, v8;
	vm6 =	vgt.f32 v5, v3  }
0x21: {  	s21 =	simm.s32 $0x2;
	v15 =	vsel vm1, v9, v10;
	vm0 =	vgt.f32 v5, v2;
	vm4 =	vgt.f32 v5, v8  }
0x22: {  	v12 =	vsel vm6, v5, v3;
	v14 =	vsel vm6, s21, v13;
	v11 =	vsel vm0, v5, v2  }
0x23: {  	v4 =	vsel vm4, v5, v8;
	v16 =	vsel vm0, s21, v6;
	vm8 =	vgt.f32 v1, v12  }
0x24: {  	v9 =	vmovc v6;
	vm5 =	vmmov vm0;
	v7 =	vsel vm0, v2, v11;
	v10 =	vsel vm6, v3, v4  }
0x25: {  	v4 =	vsel vm0, v6, v16;
	v8 =	vsel vm4, v8, v11;
	v19 =	vmovc v16;
	vm2 =	vgt.f32 v1, v7  }
0x26: {  	s17 =	simm.s32 $0x3;
	v18 =	vmovc v16;
	vm3 =	vgt.f32 v1, v8;
	vm7 =	vgt.f32 v1, v10;
	v2 =	vsel vm2, v1, v7  }
0x27: {  	s19 =	simm.s32 $0x400;
	s20 =	simm.s32 $0x3;
	s18 =	simm.s32 $0x200;
	v3 =	vmovc v7;
	v5 =	vsel vm2, s17, v4;
	v17 =	vsel vm3, v1, v8;
	vm1 =	vmmov vm2;
	v11 =	vmovc v7  }
.LBB2_3:
0x28: {  	s23 =	sand.u32 $0x3800, s19  }
0x29: {  	p0 =	sne.s32 s18, $0x1E00;
	v20 =	vsel vm4, s21, v15;
	v6 =	vsel vm0, v6, v16;
	v16 =	vsel vm8, s17, v14;
	s20 =	sadd.s32 $0x4, s20;
	s22 =	smov.u32 s18  }
0x2a: {  	s18 =	sadd.s32 $0x200, s18;
	v15 =	vsel vm4, v15, v19;
	v19 =	vsel vm7, v1, v10;
	s24 =	sand.u32 $0x200, s22;
	s21 =	sor.u32 s23, s15  }
0x2b: {  	v9 =	vsel vm5, v9, v18;
	v7 =	vsel vm2, v1, v7;
	v18 =	vsel vm3, s17, v15;
	s23 =	sadd.s32 s24, s21  }
0x2c: {  	v13 =	vsel vm6, v13, v20;
	v19 =	vsel vm8, v12, v19;
	v6 =	vsel vm2, s17, v6;
	v21 =	vld.idx.msk [tilespmem:v0+s23+$0x0 ss:$0x1], $0xffff  }
0x2d: {  	v12 =	vsel vm8, v1, v12;
	v3 =	vsel vm1, v3, v7;
	v20 =	vsel vm7, s17, v13;
	s23 =	sadd.s32 $0x80, s22  }
0x2e: {  	vm0 =	vgt.f32 v1, v11;
	v4 =	vsel vm1, v4, v6;
	v7 =	vsel vm8, v14, v20;
	s23 =	sand.u32 $0x280, s23  }
0x2f: {  	v6 =	vsel vm7, v10, v17;
	v10 =	vsel vm7, v13, v18;
	v13 =	vsel vm0, s17, v9;
	s17 =	smov.u32 s20;
	s23 =	sadd.s32 s23, s21  }
0x30: {  	v1 =	vsel vm0, v1, v11;
	v5 =	vsel vm0, v9, v5;
	v13 =	vsel vm3, v15, v13;
	v14 =	vld.idx.msk [tilespmem:v0+s23+$0x0 ss:$0x1], $0xffff  }
0x31: {  	v2 =	vsel vm0, v11, v2;
	v1 =	vsel vm3, v8, v1  }
0x32: {  	s23 =	sadd.s32 $0xFFFFFFFD, s20;
	vm4 =	vgt.f32 v21, v19;
	vm5 =	vgt.f32 v21, v6;
	vm6 =	vgt.f32 v21, v1  }
0x33: {  	vm0 =	vgt.f32 v21, v2;
	vm3 =	vgt.f32 v21, v3;
	v8 =	vsel vm5, s23, v10  }
0x34: {  	v9 =	vsel vm4, v21, v19;
	v11 =	vsel vm4, s23, v7;
	v15 =	vsel vm0, v21, v2  }
0x35: {  	s24 =	sadd.s32 $0x100, s22;
	v17 =	vsel vm5, v21, v6;
	v18 =	vsel vm0, s23, v5;
	v15 =	vsel vm6, v1, v15  }
0x36: {  	s24 =	sand.u32 $0x300, s24;
	v20 =	vsel vm6, s23, v13;
	v1 =	vsel vm6, v21, v1;
	vm2 =	vgt.f32 v14, v15  }
0x37: {  	s24 =	sadd.s32 s24, s21;
	vm1 =	vgt.f32 v21, v12;
	v17 =	vsel vm4, v19, v17;
	v19 =	vsel vm2, v14, v15  }
0x38: {  	v10 =	vsel vm5, v10, v20;
	v6 =	vsel vm5, v6, v1;
	v1 =	vsel vm3, s23, v4;
	v4 =	vld.idx.msk [tilespmem:v0+s24+$0x0 ss:$0x1], $0xffff;
	s24 =	sadd.s32 $0x180, s22  }
0x39: {  	v7 =	vsel vm4, v7, v8;
	vm5 =	vgt.f32 v14, v17;
	vm4 =	vgt.f32 v14, v6;
	s22 =	sadd.s32 $0xFFFFFFFE, s20;
	s24 =	sand.u32 $0x380, s24  }
0x3a: {  	v8 =	vsel vm6, v13, v18;
	v5 =	vsel vm0, v5, v1;
	v13 =	vsel vm5, s22, v7;
	s21 =	sadd.s32 s24, s21  }
0x3b: {  	v3 =	vsel vm3, v21, v3;
	v18 =	vsel vm1, v12, v9;
	v19 =	vsel vm4, v6, v19;
	v1 =	vld.idx.msk [tilespmem:v0+s21+$0x0 ss:$0x1], $0xffff  }
0x3c: {  	v20 =	vsel vm0, v2, v3;
	v22 =	vsel vm5, v14, v17;
	v2 =	vsel vm4, v14, v6  }
0x3d: {  	v6 =	vsel vm1, v21, v12;
	v2 =	vsel vm5, v17, v2;
	v12 =	vsel vm2, s22, v8  }
0x3e: {  	v17 =	vsel vm4, s22, v10;
	vm3 =	vgt.f32 v4, v2;
	vm0 =	vgt.f32 v4, v19  }
0x3f: {  	v21 =	vsel vm1, s23, v16;
	v23 =	vsel vm3, v4, v2;
	v3 =	vsel vm0, v4, v19  }
0x40: {  	v11 =	vsel vm1, v16, v11;
	vm6 =	vgt.f32 v14, v18;
	v3 =	vsel vm3, v2, v3  }
0x41: {  	vm7 =	vgt.f32 v14, v6;
	v9 =	vsel vm6, v11, v13;
	vm1 =	vgt.f32 v1, v3  }
0x42: {  	vm8 =	vgt.f32 v14, v20;
	v13 =	vsel vm6, v14, v18;
	v2 =	vsel vm1, v1, v3  }
0x43: {  	v22 =	vsel vm6, v18, v22;
	v16 =	vsel vm7, v6, v13;
	v13 =	vsel vm8, v14, v20  }
0x44: {  	v11 =	vsel vm6, s22, v11;
	v17 =	vsel vm5, v7, v17;
	vm5 =	vgt.f32 v4, v22  }
0x45: {  	v5 =	vsel vm8, s22, v5;
	v7 =	vsel vm7, v14, v6;
	v18 =	vsel vm5, v4, v22  }
0x46: {  	v6 =	vsel vm4, v10, v12;
	v14 =	vsel vm2, v15, v13;
	vm4 =	vgt.f32 v4, v16  }
0x47: {  	vm6 =	vgt.f32 v4, v7;
	vm8 =	vgt.f32 v4, v14;
	v10 =	vsel vm4, v4, v16  }
0x48: {  	s21 =	sadd.s32 $0xFFFFFFFF, s20;
	v13 =	vsel vm7, s22, v21;
	v15 =	vsel vm7, v21, v11;
	v12 =	vsel vm6, v4, v7  }
0x49: {  	v11 =	vsel vm8, v4, v14;
	v10 =	vsel vm6, v7, v10;
	v7 =	vsel vm0, s21, v6  }
.Ltmp0:
0x4a: {  	v20 =	vsel vm2, v8, v5;
	v4 =	vsel vm3, v17, v7;
	v7 =	vsel vm0, v19, v11;
	(pc) =	sbr.rel @p0 .LBB2_3-.Ltmp0, $4  }
0x4b: {  	v14 =	vsel vm6, s21, v13;
	v19 =	vsel vm5, s21, v9;
	v5 =	vsel vm1, s20, v4  }
0x4c: {  	v8 =	vsel vm4, v16, v18;
	v16 =	vsel vm8, s21, v20;
	vm8 =	vgt.f32 v1, v12  }
0x4d: {  	v18 =	vsel vm3, s21, v17;
	vm3 =	vgt.f32 v1, v8;
	vm2 =	vgt.f32 v1, v7  }
0x4e: {  	s19 =	sadd.s32 $0x400, s19;
	v11 =	vsel vm5, v22, v23;
	vm7 =	vgt.f32 v1, v10;
	v17 =	vsel vm3, v1, v8  }
0x4f: {  	v0 =	vsel vm4, s21, v15;
	v20 =	vsel vm8, v1, v12;
	s16 =	sor.u32 s16, s15  }
0x50: {  	v52 =	vsel vm8, s17, v14;
	v53 =	vsel vm7, v1, v10;
	s14 =	sor.u32 s14, s15;
	v0 =	vsel vm6, v13, v0;
	[tilespmem:s16+$0x4000] =	vst v20  }
0x51: {  	v54 =	vsel vm8, v12, v53;
	[tilespmem:s16+$0x4800] =	vst v52;
	s15 =	sor.u32 $0x80, s14;
	v55 =	vsel vm7, s17, v0  }
0x52: {  	v56 =	vsel vm4, v15, v19;
	[tilespmem:s15+$0x4000] =	vst v54;
	v13 =	vsel vm8, v14, v55  }
0x53: {  	vm15 =	vgt.f32 v1, v11;
	v58 =	vsel vm7, v10, v17;
	v57 =	vsel vm3, s17, v56;
	s26 =	sor.u32 $0x4100, s16;
	[tilespmem:s15+$0x4800] =	vst v13  }
0x54: {  	v9 =	vsel vm5, v9, v18;
	v59 =	vsel vm15, v1, v11;
	s28 =	sor.u32 $0x4900, s16;
	v0 =	vsel vm7, v0, v57;
	[tilespmem:s26+$0x0] =	vst v58  }
0x55: {  	s13 =	sadd.s32 $0x1, s13;
	v60 =	vsel vm15, s17, v9;
	s29 =	sor.u32 $0x180, s14;
	v8 =	vsel vm3, v8, v59;
	[tilespmem:s28+$0x0] =	vst v0  }
0x56: {  	p0 =	sne.s32 s13, $0x10;
	v61 =	vsel vm3, v56, v60;
	[tilespmem:s29+$0x4000] =	vst v8  }
.Ltmp1:
0x57: {  	v2 =	vsel vm15, v11, v2;
	s30 =	sor.u32 $0x4200, s16;
	[tilespmem:s29+$0x4800] =	vst v61;
	(pc) =	sbr.rel @p0 .LBB2_2-.Ltmp1, $4  }
0x58: {  	v62 =	vsel vm0, v6, v16;
	v63 =	vsel vm2, v1, v7;
	v5 =	vsel vm15, v9, v5;
	s31 =	sor.u32 $0x4A00, s16;
	[tilespmem:s30+$0x0] =	vst v2  }
0x59: {  	v1 =	vsel vm1, v3, v63;
	s14 =	sor.u32 $0x280, s14;
	v0 =	vsel vm2, s17, v62;
	[tilespmem:s31+$0x0] =	vst v5  }
0x5a: {  	v0 =	vsel vm1, v4, v0;
	[tilespmem:s14+$0x4000] =	vst v1  }
0x5b: {  	[tilespmem:s14+$0x4800] =	vst v0  }
0x5c: {  	[hbm4b:s4+s2] =	stream.linear.scatter [tilespmem:s10], [sflag:$0x1], $0x800, $0x38;
	[tilespmem:$0x5000] =	vst v63  }
0x5d: {  	s12 =	sadd.s32 $0x1, s12;
	_ =	swait.ge [sflag:s9], $0x800  }
0x5e: {  	p0 =	sne.s32 s12, s6;
	[sflag:s9] =	ssyncset.done $0x0  }
.Ltmp2:
0x5f: {  	[sflag:s9] =	ssyncadd.s32 $0xFFFFF800;
	(pc) =	sbr.rel @p0 .LBB2_1-.Ltmp2, $4  }
0x60: {  	[hbm4b:s5+s2] =	stream.linear.scatter [tilespmem:s11], [sflag:$0x1], $0x800, $0x38;
	[tilespmem:$0x5000] =	vst v63  }
0x61: {  	_ =	swait.ge [sflag:s9], $0x800  }
0x62: {  	[sflag:s9] =	ssyncset.done $0x0  }
0x63: {  	[sflag:s9] =	ssyncadd.s32 $0xFFFFF800  }
0x64: {  	_ =	sfence.sel $0x180000  }
0x65: {  	[bflag:$0x0] =	sbarrier.arrive $0xFFFF  }
0x66: {  	p0 =	sne.s32 s1, $0x0;
	_ =	strace $0x9000004A  }
0x67: {  	s0 =	sadd.s32 @!p0 $0x100000, s0;
	[bflag:$0x2] =	sbarrier.arrive $0xFFFF  }
0x68: {  	[sflag:s0] =	ssyncadd.tile.s32 @!p0 $0x1;
	_ =	shalt  }
.Lfunc_end2:
_tile_overlayer_lowered:
.L_overlay_start_2:
0x69: {  	(tag) =	ssettag $0x2  }
0x6a: {  	s0 =	rddreg [dreg:$0x0];
	s2 =	stileid.u32  }
0x6b: {  	s1 =	rddreg [dreg:$0x1];
	p0 =	sne.s32 s2, $0x0  }
0x6c: {  	s3 =	rddreg [dreg:$0x2];
	[bflag:$0x3] =	sbarrier.arrive $0xFFFF;
	s2 =	simm.s32 @!p0 $0x1C01  }
0x6d: {  	[timem:s3], [sflag:s2] =	dma.local @!p0 [hbm:s0], s1  }
0x6e: {  	s0 =	simm.s32 @!p0 $0x1  }
0x6f: {  	_ =	swait.ge @!p0 [sflag:s0], s1  }
0x70: {  	s1 =	ssub.s32 @!p0 $0x0, s1;
	[sflag:s0] =	ssyncset.done @!p0 $0x0  }
0x71: {  	[sflag:s0] =	ssyncadd.s32 @!p0 s1  }
0x72: {  	[bflag:$0x3] =	sbarrier.arrive $0xFFFF  }
0x73: {  	_ =	shalt  }

// kernel: kernel.19.cloned.1.call-start
scs
__scs_entry_jumppad:
0x0: {  	(pc) =	sbr.rel $0x88, $3  }
0x1: {  	(tag) =	ssettag $0x0;
	lr =	simm.s32 $0x1  }
0x2: {  	[smem:$0x3F9F] =	sst lr;
	_ =	strace $0xD0000000  }
0x3: {  	_ = 	snop  }
0x4: {  	_ = 	snop  }
0x5: {  	_ = 	snop  }
0x6: {  	_ = 	snop  }
0x7: {  	_ = 	snop  }
__scs_overlays_trampoline_lowered:
0x8: {  	[smem:$0x3FAE] =	sst s0  }
0x9: {  	[smem:$0x3FAF] =	sst s1  }
0xa: {  	[smem:$0x3FB0] =	sst s2  }
0xb: {  	[smem:$0x3FB1] =	sst s3  }
0xc: {  	[smem:$0x3FB2] =	sst s4  }
0xd: {  	[smem:$0x3FB3] =	sst s5  }
0xe: {  	[smem:$0x3FB4] =	sst s6  }
0xf: {  	[smem:$0x3FB5] =	sst s7  }
0x10: {  	[smem:$0x3FB6] =	sst s8  }
0x11: {  	[smem:$0x3FB7] =	sst s9;
	s0 =	simm.s32 @!p0 $0x0  }
0x12: {  	s1 =	sld [smem:$0x3F9D];
	s0 =	simm.s32 @p0 $0x1  }
0x13: {  	[smem:$0x3FB8] =	sst s0;
	s0 =	simm.s32 @!p1 $0x0  }
0x14: {  	s2 =	sld [smem:$0x3F9C];
	s0 =	simm.s32 @p1 $0x1  }
0x15: {  	[smem:$0x3FB9] =	sst s0;
	s0 =	simm.s32 @!p2 $0x0  }
0x16: {  	s3 =	sld [smem:$0x3FDB];
	s0 =	simm.s32 @p2 $0x1  }
0x17: {  	s4 =	simm.s32 $0x1BF5;
	[smem:$0x3FBB] =	sst s0  }
0x18: {  	s0 =	sld [smem:$0x3F9E];
	_ =	swait.ge [sflag:s4], $0x0  }
0x19: {  	s7 =	sld [smem:$0x3F9F]  }
0x1a: {  	s8 =	sadd.s32 $0xFFFFE003, lr  }
0x1b: {  	s9 =	sadd.s32 $0xFFFFFEF7, lr;
	s5 =	simm.s32 $0xFFFFFFFF;
	p2 =	slt.u32 s8, $0xFFFFF086  }
0x1c: {  	p1 =	slt.u32 s9, $0xF7A;
	s5 =	simm.s32 @!p2 $0x0  }
0x1d: {  	s5 =	simm.s32 @p1 $0x1;
	p0 =	seq.s32 s7, s2  }
0x1e: {  	s7 =	smul.u32 @!p0 $0xF7A, s2;
	p2 =	seq.s32 @!p0 s5, $0x0  }
0x1f: {  	s9 =	smul.u32 $0xF7A, s1;
	s8 =	simm.s32 @!p0 $0x1BF5;
	p2 =	por !p2, p0  }
0x20: {  	[sflag:s8] =	ssyncset.s32 @!p0 $0xFFFFF086;
	s6 =	sadd.s32 @!p0 s3, s7;
	s7 =	simm.s32 @!p0 $0x108  }
0x21: {  	s3 =	sadd.s32 s3, s9;
	s6 =	sadd.s32 @!p0 $0x88, s6;
	s7 =	simm.s32 @p2 $0x1082  }
0x22: {  	[simem:s7], [sflag:s8] =	dma.local @!p0 [hbm:s6], $0xF7A  }
0x23: {  	s9 =	sor.u32 $0xD0000000, s2;
	s6 =	simm.s32 $0x108;
	_ =	swait.ge @!p0 [sflag:s8], $0x0  }
0x24: {  	s3 =	sadd.s32 $0x88, s3;
	s6 =	simm.s32 @!p1 $0x1082;
	[sflag:s4] =	ssyncset.s32 $0xFFFFF086  }
0x25: {  	[simem:s6], [sflag:s4] =	dma.local [hbm:s3], $0xF7A  }
0x26: {  	[smem:$0x3F9F] =	sst s1;
	(tag) =	ssettag s2;
	_ =	strace s9  }
0x27: {  	s1 =	sld [smem:$0x3FAF]  }
0x28: {  	s2 =	sld [smem:$0x3FB0]  }
0x29: {  	s4 =	sld [smem:$0x3FB2]  }
0x2a: {  	p0 =	seq.s32 s5, $0x0;
	s5 =	sld [smem:$0x3FB3]  }
0x2b: {  	s6 =	sld [smem:$0x3FB4]  }
0x2c: {  	s7 =	sld [smem:$0x3FB5]  }
0x2d: {  	s3 =	simm.s32 $0x108;
	s8 =	sld [smem:$0x3FB6]  }
0x2e: {  	s3 =	simm.s32 @!p0 $0x1082;
	s9 =	sld [smem:$0x3FB7]  }
0x2f: {  	lr =	sadd.s32 s0, s3;
	s0 =	sld [smem:$0x3FAE]  }
0x30: {  	s3 =	sld [smem:$0x3FB1]  }
0x31: {  	[smem:$0x3FBA] =	sst s10  }
0x32: {  	s10 =	sld [smem:$0x3FB8];
	_ =	sdelay $0x3  }
0x33: {  	p0 =	seq.s32 s10, $0x1;
	s10 =	sld [smem:$0x3FBA];
	_ =	sdelay $0x3  }
0x34: {  	[smem:$0x3FBA] =	sst s10  }
0x35: {  	s10 =	sld [smem:$0x3FB9];
	_ =	sdelay $0x3  }
0x36: {  	p1 =	seq.s32 s10, $0x1;
	s10 =	sld [smem:$0x3FBA];
	_ =	sdelay $0x3  }
0x37: {  	[smem:$0x3FBA] =	sst s10  }
0x38: {  	s10 =	sld [smem:$0x3FBB]  }
0x39: {  	_ = 	snop;
	(pc) =	sbr.ind lr, $3  }
0x3a: {  	_ = 	snop  }
0x3b: {  	_ = 	snop  }
0x3c: {  	p2 =	seq.s32 s10, $0x1;
	s10 =	sld [smem:$0x3FBA]  }
0x3d: {  	_ =	shalt  }
0x3e: {  	_ =	shalt  }
0x3f: {  	_ =	shalt  }
0x40: {  	_ =	shalt  }
0x41: {  	_ =	shalt  }
0x42: {  	_ =	shalt  }
0x43: {  	_ =	shalt  }
0x44: {  	_ =	shalt  }
0x45: {  	_ =	shalt  }
0x46: {  	_ =	shalt  }
0x47: {  	_ =	shalt  }
0x48: {  	_ =	shalt  }
0x49: {  	_ =	shalt  }
0x4a: {  	_ =	shalt  }
0x4b: {  	_ =	shalt  }
0x4c: {  	_ =	shalt  }
0x4d: {  	_ =	shalt  }
0x4e: {  	_ =	shalt  }
0x4f: {  	_ =	shalt  }
0x50: {  	_ =	shalt  }
0x51: {  	_ =	shalt  }
0x52: {  	_ =	shalt  }
0x53: {  	_ =	shalt  }
0x54: {  	_ =	shalt  }
0x55: {  	_ =	shalt  }
0x56: {  	_ =	shalt  }
0x57: {  	_ =	shalt  }
0x58: {  	_ =	shalt  }
0x59: {  	_ =	shalt  }
0x5a: {  	_ =	shalt  }
0x5b: {  	_ =	shalt  }
0x5c: {  	_ =	shalt  }
0x5d: {  	_ =	shalt  }
0x5e: {  	_ =	shalt  }
0x5f: {  	_ =	shalt  }
0x60: {  	_ =	shalt  }
0x61: {  	_ =	shalt  }
0x62: {  	_ =	shalt  }
0x63: {  	_ =	shalt  }
0x64: {  	_ =	shalt  }
0x65: {  	_ =	shalt  }
0x66: {  	_ =	shalt  }
0x67: {  	_ =	shalt  }
0x68: {  	_ =	shalt  }
0x69: {  	_ =	shalt  }
0x6a: {  	_ =	shalt  }
0x6b: {  	_ =	shalt  }
0x6c: {  	_ =	shalt  }
0x6d: {  	_ =	shalt  }
0x6e: {  	_ =	shalt  }
0x6f: {  	_ =	shalt  }
0x70: {  	_ =	shalt  }
0x71: {  	_ =	shalt  }
0x72: {  	_ =	shalt  }
0x73: {  	_ =	shalt  }
0x74: {  	_ =	shalt  }
0x75: {  	_ =	shalt  }
0x76: {  	_ =	shalt  }
0x77: {  	_ =	shalt  }
0x78: {  	_ =	shalt  }
0x79: {  	_ =	shalt  }
0x7a: {  	_ =	shalt  }
0x7b: {  	_ =	shalt  }
0x7c: {  	_ =	shalt  }
0x7d: {  	_ =	shalt  }
0x7e: {  	_ =	shalt  }
0x7f: {  	_ =	shalt  }
0x80: {  	_ =	shalt  }
0x81: {  	_ =	shalt  }
0x82: {  	_ =	shalt  }
0x83: {  	_ =	shalt  }
0x84: {  	_ =	shalt  }
0x85: {  	_ =	shalt  }
0x86: {  	_ =	shalt  }
0x87: {  	_ =	shalt  }
.Lfunc_end0:
.L_simem_size_0:
called_computation.3_lowered:
.L_overlay_start_0:
0x88: {  	s2 =	sld [smem:$0x3FD9]  }
0x89: {  	s3 =	sld [smem:$0x3FFE];
	_ =	sdelay $0x1  }
0x8a: {  	s1 =	srdreg.scid  }
0x8b: {  	s0 =	sand.u32 $0x1, s1  }
0x8c: {  	s16 =	sshll.u32 s0, $0xA;
	s2 =	sadd.s32 s3, s2  }
0x8d: {  	s2 =	sadd.s32 s2, s16  }
0x8e: {  	[smem:$0x3FC6] =	sst s2  }
0x8f: {  	_ = 	snop  }
0x90: {  	(tm) =	ssettm $0x1  }
0x91: {  	s17 =	sld [smem:$0x3FFB];
	_ =	sdelay $0x3  }
0x92: {  	_ =	strace s17  }
0x93: {  	s2 =	sld [smem:$0x3FFC];
	_ =	sdelay $0x3  }
0x94: {  	_ =	strace s2  }
0x95: {  	s2 =	sld [smem:$0x3FFD];
	_ =	sdelay $0x3  }
0x96: {  	_ =	strace s2  }
0x97: {  	_ =	strace $0x8FFFFFFF  }
0x98: {  	s18 =	sld [smem:$0x3FDB];
	_ =	sdelay $0x1  }
0x99: {  	s19 =	simm.s32 $_scs_section_size  }
0x9a: {  	s4 =	simm.s32 $_size__tile_overlayer_lowered;
	s5 =	simm.s32 $_tile_overlayer_lowered  }
0x9b: {  	s22 =	simm.s32 $0x1BFF;
	s21 =	sshll.u32 s5, $0x1;
	s2 =	sadd.s32 s19, s18  }
0x9c: {  	s6 =	simm.s32 $0x0;
	s20 =	sshll.u32 s4, $0x1;
	s4 =	sadd.s32 s21, s2  }
0x9d: {  	[timem:s6], [sflag:s22] =	dma.local [hbm:s4], s20  }
0x9e: {  	_ =	swait.ge [sflag:s22], s20  }
0x9f: {  	s3 =	ssub.s32 $0x0, s20;
	[sflag:s22] =	ssyncset.done $0x0  }
0xa0: {  	[sflag:s22] =	ssyncadd.s32 s3;
	_ =	sdelay $0x1  }
0xa1: {  	s23 =	simm.s32 $0x1B8B  }
0xa2: {  	_ =	swait.ge [sflag:s23], $0x1  }
0xa3: {  	[sflag:s23] =	ssyncset.done $0x0  }
0xa4: {  	s25 =	simm.s32 $0x1B8E;
	s24 =	sld [smem:$0x3FFE];
	[sflag:s23] =	ssyncadd.s32 $0xFFFFFFFF  }
0xa5: {  	s26 =	simm.s32 $execute0_lowered;
	[smem:$0x3FD2] =	sst s25  }
0xa6: {  	s4 =	sshll.u32 s26, $0x1;
	_ =	strace $0x80000046;
	[dreg:$0x1] =	wrdreg $0xFFFFFFFF  }
0xa7: {  	s28 =	simm.s32 $_size_execute0_lowered;
	s2 =	sadd.s32 s2, s4;
	[dreg:$0x0] =	wrdreg $0x0  }
0xa8: {  	s4 =	sshll.u32 s28, $0x1;
	[dreg:$0x2] =	wrdreg s2  }
0xa9: {  	[dreg:$0x3] =	wrdreg s4  }
0xaa: {  	[dreg:$0x4] =	wrdreg $0xC0  }
0xab: {  	_ =	task [dreg:s6], $0x5FFFF  }
0xac: {  	[dreg:$0x1] =	wrdreg $0xFFFFFFFF  }
0xad: {  	[dreg:$0x0] =	wrdreg $0x60  }
0xae: {  	[dreg:$0x2] =	wrdreg s24  }
0xaf: {  	[dreg:$0x3] =	wrdreg $0xC  }
0xb0: {  	_ =	task.clear_ibuf [dreg:s6], $0x4FFFF;
	_ =	strace $0x90000046  }
0xb1: {  	s29 =	simm.s32 $0xC;
	_ =	strace $0x80000048  }
0xb2: {  	_ =	swait.ge [sflag:s29], $0x1  }
0xb3: {  	[sflag:s29] =	ssyncadd.s32 $0xFFFFFFFF  }
0xb4: {  	_ =	strace $0x90000048  }
0xb5: {  	_ =	sfence  }
0xb6: {  	s30 =	sld [smem:$0x0];
	_ =	sdelay $0x2  }
0xb7: {  	s31 =	sshll.u32 s1, $0xD;
	s1 =	sshrl.u32 s1, $0x2  }
0xb8: {  	s3 =	sand.u32 $0x4000, s31;
	s1 =	sadd.s32 s1, s30  }
0xb9: {  	s0 =	sor.u32 s3, s0;
	s1 =	sshll.u32 s1, $0x11  }
0xba: {  	s0 =	sor.u32 s1, s0  }
0xbb: {  	s0 =	sadd.s32 $0x8F2B, s0  }
0xbc: {  	[sflag:s0] =	ssyncadd.remote.s32 $0x1  }
0xbd: {  	_ =	sfence.sel $0xFFFF  }
0xbe: {  	[dreg:$0x0] =	wrdreg $0xFFFFFFFF;
	(pc) =	sbr.abs _section_cstart, $3  }
0xbf: {  	[dreg:$0x1] =	wrdreg $0xFFFFFFFF  }
0xc0: {  	_ =	task.clear_ibuf [dreg:s6], $0x2FFFF;
	_ =	strace $0x9FFFFFFF  }
0xc1: {  	(tm) =	ssettm $0x7FFFFFFF  }
tec
execute0_lowered:
.L_overlay_start_1:
0x0: {  	(tag) =	ssettag $0x1  }
0x1: {  	s0 =	srdreg.scid  }
0x2: {  	s3 =	rddreg [dreg:$0x0];
	s1 =	stileid.u32;
	s2 =	simm.s32 $0x0  }
0x3: {  	s7 =	simm.s32 $0x800;
	s8 =	simm.s32 $0x10000;
	s9 =	simm.s32 $0x1  }
0x4: {  	s10 =	simm.s32 $0x4000;
	s11 =	simm.s32 $0x4800;
	s4 =	sand.u32 $0x1, s0  }
0x5: {  	s12 =	simm.s32 $0x0;
	s5 =	sshll.u32 s1, $0x9;
	s6 =	sshll.u32 s4, $0x8  }
0x6: {  	s0 =	rddreg [dreg:$0x1];
	s4 =	ssub.s32 $0x2, s4;
	s5 =	sor.u32 s6, s5  }
0x7: {  	[smem:$0x7FF] =	sst s2;
	s30 =	sshrl.u32 s4, $0x1;
	s5 =	sadd.s32 s5, s3  }
0x8: {  	_ =	strace $0x80000047;
	s31 =	ssub.s32 s4, s30;
	s3 =	sadd.s32 $0x3200, s5  }
0x9: {  	s4 =	sadd.s32 $0x13200, s5;
	s5 =	sadd.s32 $0x15200, s5;
	s6 =	smax.u32 s31, $0x1  }
.LBB2_1:
0xa: {  	[tilespmem:s2], [sflag:$0x1] =	stream.strided.gather [hbm4b:s3+s7], $0x4000, s8, s7, $0x38;
	[tilespmem:$0x5000] =	vst v63  }
0xb: {  	_ =	swait.ge [sflag:s9], $0x4000  }
0xc: {  	[sflag:s9] =	ssyncset.done $0x0  }
0xd: {  	s13 =	simm.s32 $0x0;
	[sflag:s9] =	ssyncadd.s32 $0xFFFFC000  }
.LBB2_2:
0xe: {  	s14 =	sshll.u32 s13, $0x4  }
0xf: {  	s16 =	sand.u32 $0x70, s14  }
0x10: {  	v0 =	vmov s16  }
0x11: {  	s15 =	sshll.u32 s13, $0x7;
	s17 =	simm.s32 $0x0  }
0x12: {  	s15 =	sand.u32 $0x400, s15;
	s18 =	sand.u32 $0x3800, s17  }
0x13: {  	s17 =	sand.u32 $0x200, s17;
	s18 =	sor.u32 s18, s15  }
0x14: {  	s17 =	sadd.s32 s17, s18  }
0x15: {  	s26 =	simm.s32 $0x80;
	v1 =	vld.idx.msk [tilespmem:v0+s17+$0x0 ss:$0x1], $0xffff  }
0x16: {  	s17 =	sand.u32 $0x280, s26  }
0x17: {  	s17 =	sadd.s32 s17, s18  }
0x18: {  	s28 =	simm.s32 $0x100;
	v3 =	vld.idx.msk [tilespmem:v0+s17+$0x0 ss:$0x1], $0xffff  }
0x19: {  	v2 =	vimm.f32 $-1.000000000e+00;
	s17 =	sand.u32 $0x300, s28  }
0x1a: {  	s17 =	sadd.s32 s17, s18;
	vm1 =	vgt.f32 v1, v2  }
0x1b: {  	s29 =	simm.s32 $0x180;
	v6 =	vimm.s32 $0x0;
	s30 =	simm.s32 $0x0;
	v5 =	vld.idx.msk [tilespmem:v0+s17+$0x0 ss:$0x1], $0xffff;
	v4 =	vsel vm1, v1, v2  }
0x1c: {  	s17 =	sand.u32 $0x380, s29;
	v9 =	vsel vm1, s30, v6;
	v2 =	vsel vm1, v2, v4  }
0x1d: {  	s31 =	simm.s32 $0x1;
	s17 =	sadd.s32 s17, s18;
	v6 =	vsel vm1, v6, v9;
	vm1 =	vgt.f32 v3, v4;
	vm2 =	vgt.f32 v3, v2  }
0x1e: {  	v1 =	vld.idx.msk [tilespmem:v0+s17+$0x0 ss:$0x1], $0xffff;
	v13 =	vsel vm1, s31, v9;
	v8 =	vsel vm2, v3, v2  }
0x1f: {  	v10 =	vsel vm2, s31, v6;
	v3 =	vsel vm1, v3, v4;
	v2 =	vsel vm2, v2, v8  }
0x20: {  	v6 =	vsel vm2, v6, v10;
	v8 =	vsel vm1, v4, v8;
	vm6 =	vgt.f32 v5, v3  }
0x21: {  	s21 =	simm.s32 $0x2;
	v15 =	vsel vm1, v9, v10;
	vm0 =	vgt.f32 v5, v2;
	vm4 =	vgt.f32 v5, v8  }
0x22: {  	v12 =	vsel vm6, v5, v3;
	v14 =	vsel vm6, s21, v13;
	v11 =	vsel vm0, v5, v2  }
0x23: {  	v4 =	vsel vm4, v5, v8;
	v16 =	vsel vm0, s21, v6;
	vm8 =	vgt.f32 v1, v12  }
0x24: {  	v9 =	vmovc v6;
	vm5 =	vmmov vm0;
	v7 =	vsel vm0, v2, v11;
	v10 =	vsel vm6, v3, v4  }
0x25: {  	v4 =	vsel vm0, v6, v16;
	v8 =	vsel vm4, v8, v11;
	v19 =	vmovc v16;
	vm2 =	vgt.f32 v1, v7  }
0x26: {  	s17 =	simm.s32 $0x3;
	v18 =	vmovc v16;
	vm3 =	vgt.f32 v1, v8;
	vm7 =	vgt.f32 v1, v10;
	v2 =	vsel vm2, v1, v7  }
0x27: {  	s19 =	simm.s32 $0x400;
	s20 =	simm.s32 $0x3;
	s18 =	simm.s32 $0x200;
	v3 =	vmovc v7;
	v5 =	vsel vm2, s17, v4;
	v17 =	vsel vm3, v1, v8;
	vm1 =	vmmov vm2;
	v11 =	vmovc v7  }
.LBB2_3:
0x28: {  	s23 =	sand.u32 $0x3800, s19  }
0x29: {  	p0 =	sne.s32 s18, $0x1E00;
	v20 =	vsel vm4, s21, v15;
	v6 =	vsel vm0, v6, v16;
	v16 =	vsel vm8, s17, v14;
	s20 =	sadd.s32 $0x4, s20;
	s22 =	smov.u32 s18  }
0x2a: {  	s18 =	sadd.s32 $0x200, s18;
	v15 =	vsel vm4, v15, v19;
	v19 =	vsel vm7, v1, v10;
	s24 =	sand.u32 $0x200, s22;
	s21 =	sor.u32 s23, s15  }
0x2b: {  	v9 =	vsel vm5, v9, v18;
	v7 =	vsel vm2, v1, v7;
	v18 =	vsel vm3, s17, v15;
	s23 =	sadd.s32 s24, s21  }
0x2c: {  	v13 =	vsel vm6, v13, v20;
	v19 =	vsel vm8, v12, v19;
	v6 =	vsel vm2, s17, v6;
	v21 =	vld.idx.msk [tilespmem:v0+s23+$0x0 ss:$0x1], $0xffff  }
0x2d: {  	v12 =	vsel vm8, v1, v12;
	v3 =	vsel vm1, v3, v7;
	v20 =	vsel vm7, s17, v13;
	s23 =	sadd.s32 $0x80, s22  }
0x2e: {  	vm0 =	vgt.f32 v1, v11;
	v4 =	vsel vm1, v4, v6;
	v7 =	vsel vm8, v14, v20;
	s23 =	sand.u32 $0x280, s23  }
0x2f: {  	v6 =	vsel vm7, v10, v17;
	v10 =	vsel vm7, v13, v18;
	v13 =	vsel vm0, s17, v9;
	s17 =	smov.u32 s20;
	s23 =	sadd.s32 s23, s21  }
0x30: {  	v1 =	vsel vm0, v1, v11;
	v5 =	vsel vm0, v9, v5;
	v13 =	vsel vm3, v15, v13;
	v14 =	vld.idx.msk [tilespmem:v0+s23+$0x0 ss:$0x1], $0xffff  }
0x31: {  	v2 =	vsel vm0, v11, v2;
	v1 =	vsel vm3, v8, v1  }
0x32: {  	s23 =	sadd.s32 $0xFFFFFFFD, s20;
	vm4 =	vgt.f32 v21, v19;
	vm5 =	vgt.f32 v21, v6;
	vm6 =	vgt.f32 v21, v1  }
0x33: {  	vm0 =	vgt.f32 v21, v2;
	vm3 =	vgt.f32 v21, v3;
	v8 =	vsel vm5, s23, v10  }
0x34: {  	v9 =	vsel vm4, v21, v19;
	v11 =	vsel vm4, s23, v7;
	v15 =	vsel vm0, v21, v2  }
0x35: {  	s24 =	sadd.s32 $0x100, s22;
	v17 =	vsel vm5, v21, v6;
	v18 =	vsel vm0, s23, v5;
	v15 =	vsel vm6, v1, v15  }
0x36: {  	s24 =	sand.u32 $0x300, s24;
	v20 =	vsel vm6, s23, v13;
	v1 =	vsel vm6, v21, v1;
	vm2 =	vgt.f32 v14, v15  }
0x37: {  	s24 =	sadd.s32 s24, s21;
	vm1 =	vgt.f32 v21, v12;
	v17 =	vsel vm4, v19, v17;
	v19 =	vsel vm2, v14, v15  }
0x38: {  	v10 =	vsel vm5, v10, v20;
	v6 =	vsel vm5, v6, v1;
	v1 =	vsel vm3, s23, v4;
	v4 =	vld.idx.msk [tilespmem:v0+s24+$0x0 ss:$0x1], $0xffff;
	s24 =	sadd.s32 $0x180, s22  }
0x39: {  	v7 =	vsel vm4, v7, v8;
	vm5 =	vgt.f32 v14, v17;
	vm4 =	vgt.f32 v14, v6;
	s22 =	sadd.s32 $0xFFFFFFFE, s20;
	s24 =	sand.u32 $0x380, s24  }
0x3a: {  	v8 =	vsel vm6, v13, v18;
	v5 =	vsel vm0, v5, v1;
	v13 =	vsel vm5, s22, v7;
	s21 =	sadd.s32 s24, s21  }
0x3b: {  	v3 =	vsel vm3, v21, v3;
	v18 =	vsel vm1, v12, v9;
	v19 =	vsel vm4, v6, v19;
	v1 =	vld.idx.msk [tilespmem:v0+s21+$0x0 ss:$0x1], $0xffff  }
0x3c: {  	v20 =	vsel vm0, v2, v3;
	v22 =	vsel vm5, v14, v17;
	v2 =	vsel vm4, v14, v6  }
0x3d: {  	v6 =	vsel vm1, v21, v12;
	v2 =	vsel vm5, v17, v2;
	v12 =	vsel vm2, s22, v8  }
0x3e: {  	v17 =	vsel vm4, s22, v10;
	vm3 =	vgt.f32 v4, v2;
	vm0 =	vgt.f32 v4, v19  }
0x3f: {  	v21 =	vsel vm1, s23, v16;
	v23 =	vsel vm3, v4, v2;
	v3 =	vsel vm0, v4, v19  }
0x40: {  	v11 =	vsel vm1, v16, v11;
	vm6 =	vgt.f32 v14, v18;
	v3 =	vsel vm3, v2, v3  }
0x41: {  	vm7 =	vgt.f32 v14, v6;
	v9 =	vsel vm6, v11, v13;
	vm1 =	vgt.f32 v1, v3  }
0x42: {  	vm8 =	vgt.f32 v14, v20;
	v13 =	vsel vm6, v14, v18;
	v2 =	vsel vm1, v1, v3  }
0x43: {  	v22 =	vsel vm6, v18, v22;
	v16 =	vsel vm7, v6, v13;
	v13 =	vsel vm8, v14, v20  }
0x44: {  	v11 =	vsel vm6, s22, v11;
	v17 =	vsel vm5, v7, v17;
	vm5 =	vgt.f32 v4, v22  }
0x45: {  	v5 =	vsel vm8, s22, v5;
	v7 =	vsel vm7, v14, v6;
	v18 =	vsel vm5, v4, v22  }
0x46: {  	v6 =	vsel vm4, v10, v12;
	v14 =	vsel vm2, v15, v13;
	vm4 =	vgt.f32 v4, v16  }
0x47: {  	vm6 =	vgt.f32 v4, v7;
	vm8 =	vgt.f32 v4, v14;
	v10 =	vsel vm4, v4, v16  }
0x48: {  	s21 =	sadd.s32 $0xFFFFFFFF, s20;
	v13 =	vsel vm7, s22, v21;
	v15 =	vsel vm7, v21, v11;
	v12 =	vsel vm6, v4, v7  }
0x49: {  	v11 =	vsel vm8, v4, v14;
	v10 =	vsel vm6, v7, v10;
	v7 =	vsel vm0, s21, v6  }
.Ltmp0:
0x4a: {  	v20 =	vsel vm2, v8, v5;
	v4 =	vsel vm3, v17, v7;
	v7 =	vsel vm0, v19, v11;
	(pc) =	sbr.rel @p0 .LBB2_3-.Ltmp0, $4  }
0x4b: {  	v14 =	vsel vm6, s21, v13;
	v19 =	vsel vm5, s21, v9;
	v5 =	vsel vm1, s20, v4  }
0x4c: {  	v8 =	vsel vm4, v16, v18;
	v16 =	vsel vm8, s21, v20;
	vm8 =	vgt.f32 v1, v12  }
0x4d: {  	v18 =	vsel vm3, s21, v17;
	vm3 =	vgt.f32 v1, v8;
	vm2 =	vgt.f32 v1, v7  }
0x4e: {  	s19 =	sadd.s32 $0x400, s19;
	v11 =	vsel vm5, v22, v23;
	vm7 =	vgt.f32 v1, v10;
	v17 =	vsel vm3, v1, v8  }
0x4f: {  	v0 =	vsel vm4, s21, v15;
	v20 =	vsel vm8, v1, v12;
	s16 =	sor.u32 s16, s15  }
0x50: {  	v52 =	vsel vm8, s17, v14;
	v53 =	vsel vm7, v1, v10;
	s14 =	sor.u32 s14, s15;
	v0 =	vsel vm6, v13, v0;
	[tilespmem:s16+$0x4000] =	vst v20  }
0x51: {  	v54 =	vsel vm8, v12, v53;
	[tilespmem:s16+$0x4800] =	vst v52;
	s15 =	sor.u32 $0x80, s14;
	v55 =	vsel vm7, s17, v0  }
0x52: {  	v56 =	vsel vm4, v15, v19;
	[tilespmem:s15+$0x4000] =	vst v54;
	v13 =	vsel vm8, v14, v55  }
0x53: {  	vm15 =	vgt.f32 v1, v11;
	v58 =	vsel vm7, v10, v17;
	v57 =	vsel vm3, s17, v56;
	s26 =	sor.u32 $0x4100, s16;
	[tilespmem:s15+$0x4800] =	vst v13  }
0x54: {  	v9 =	vsel vm5, v9, v18;
	v59 =	vsel vm15, v1, v11;
	s28 =	sor.u32 $0x4900, s16;
	v0 =	vsel vm7, v0, v57;
	[tilespmem:s26+$0x0] =	vst v58  }
0x55: {  	s13 =	sadd.s32 $0x1, s13;
	v60 =	vsel vm15, s17, v9;
	s29 =	sor.u32 $0x180, s14;
	v8 =	vsel vm3, v8, v59;
	[tilespmem:s28+$0x0] =	vst v0  }
0x56: {  	p0 =	sne.s32 s13, $0x10;
	v61 =	vsel vm3, v56, v60;
	[tilespmem:s29+$0x4000] =	vst v8  }
.Ltmp1:
0x57: {  	v2 =	vsel vm15, v11, v2;
	s30 =	sor.u32 $0x4200, s16;
	[tilespmem:s29+$0x4800] =	vst v61;
	(pc) =	sbr.rel @p0 .LBB2_2-.Ltmp1, $4  }
0x58: {  	v62 =	vsel vm0, v6, v16;
	v63 =	vsel vm2, v1, v7;
	v5 =	vsel vm15, v9, v5;
	s31 =	sor.u32 $0x4A00, s16;
	[tilespmem:s30+$0x0] =	vst v2  }
0x59: {  	v1 =	vsel vm1, v3, v63;
	s14 =	sor.u32 $0x280, s14;
	v0 =	vsel vm2, s17, v62;
	[tilespmem:s31+$0x0] =	vst v5  }
0x5a: {  	v0 =	vsel vm1, v4, v0;
	[tilespmem:s14+$0x4000] =	vst v1  }
0x5b: {  	[tilespmem:s14+$0x4800] =	vst v0  }
0x5c: {  	[hbm4b:s4+s2] =	stream.linear.scatter [tilespmem:s10], [sflag:$0x1], $0x800, $0x38;
	[tilespmem:$0x5000] =	vst v63  }
0x5d: {  	s12 =	sadd.s32 $0x1, s12;
	_ =	swait.ge [sflag:s9], $0x800  }
0x5e: {  	p0 =	sne.s32 s12, s6;
	[sflag:s9] =	ssyncset.done $0x0  }
.Ltmp2:
0x5f: {  	[sflag:s9] =	ssyncadd.s32 $0xFFFFF800;
	(pc) =	sbr.rel @p0 .LBB2_1-.Ltmp2, $4  }
0x60: {  	[hbm4b:s5+s2] =	stream.linear.scatter [tilespmem:s11], [sflag:$0x1], $0x800, $0x38;
	[tilespmem:$0x5000] =	vst v63  }
0x61: {  	_ =	swait.ge [sflag:s9], $0x800  }
0x62: {  	[sflag:s9] =	ssyncset.done $0x0  }
0x63: {  	[sflag:s9] =	ssyncadd.s32 $0xFFFFF800  }
0x64: {  	_ =	sfence.sel $0x180000  }
0x65: {  	[bflag:$0x0] =	sbarrier.arrive $0xFFFF  }
0x66: {  	p0 =	sne.s32 s1, $0x0;
	_ =	strace $0x90000047  }
0x67: {  	s0 =	sadd.s32 @!p0 $0x100000, s0;
	[bflag:$0x2] =	sbarrier.arrive $0xFFFF  }
0x68: {  	[sflag:s0] =	ssyncadd.tile.s32 @!p0 $0x1;
	_ =	shalt  }
.Lfunc_end2:
_tile_overlayer_lowered:
.L_overlay_start_2:
0x69: {  	(tag) =	ssettag $0x2  }
0x6a: {  	s0 =	rddreg [dreg:$0x0];
	s2 =	stileid.u32  }
0x6b: {  	s1 =	rddreg [dreg:$0x1];
	p0 =	sne.s32 s2, $0x0  }
0x6c: {  	s3 =	rddreg [dreg:$0x2];
	[bflag:$0x3] =	sbarrier.arrive $0xFFFF;
	s2 =	simm.s32 @!p0 $0x1C01  }
0x6d: {  	[timem:s3], [sflag:s2] =	dma.local @!p0 [hbm:s0], s1  }
0x6e: {  	s0 =	simm.s32 @!p0 $0x1  }
0x6f: {  	_ =	swait.ge @!p0 [sflag:s0], s1  }
0x70: {  	s1 =	ssub.s32 @!p0 $0x0, s1;
	[sflag:s0] =	ssyncset.done @!p0 $0x0  }
0x71: {  	[sflag:s0] =	ssyncadd.s32 @!p0 s1  }
0x72: {  	[bflag:$0x3] =	sbarrier.arrive $0xFFFF  }
0x73: {  	_ =	shalt  }

</sc_bundles>
